<compile_context>
chip_gen: v7x
topology: tpu7x:2x2x1
jax: 0.10.2.dev20260603
libtpu: 0.0.44.dev20260713+nightly
codegen_flags: <defaults>
</compile_context>

<pallas_src>
import jax
import jax.numpy as jnp
from jax import lax
from jax.experimental import pallas as pl
from jax.experimental.pallas import tpu as pltpu
from jax.experimental.pallas import tpu_sc as plsc

N = 10000
E = 320000
D = 128
DH = D // 2
NC = 2
NS = 16
W = 128
NWIN = E // W
WPS = NWIN // NS
WREM = NWIN - WPS * NS
WPD = NWIN // (NC * NS)
NPAD = 10240
RPT = NPAD // NS
RB = 2000



def _sc_degree_body(edges_hbm, cnt_hbm, idx_v, ones_v, zrow_v, acc):
    c = lax.axis_index("c")
    s = lax.axis_index("s")
    for j in range(W // 16):
        ones_v[pl.ds(j * 16, 16)] = jnp.ones((16,), jnp.float32)

    def zb(i, carry):
        zrow_v[pl.ds(i * 16, 16)] = jnp.zeros((16,), jnp.float32)
        return carry

    lax.fori_loop(0, RPT // 16, zb, 0)
    pltpu.sync_copy(zrow_v, acc.at[pl.ds(s * RPT, RPT)])

    wid = c * NS + s
    pltpu.sync_copy(edges_hbm.at[pl.ds(wid * WPD, WPD)],
                    idx_v.at[pl.ds(0, WPD)])

    @pl.when(wid < WREM)
    def _():
        pltpu.sync_copy(edges_hbm.at[pl.ds(NWIN - WREM + wid, 1)],
                        idx_v.at[pl.ds(WPD, 1)])

    plsc.subcore_barrier()

    def body(i, carry):
        pltpu.sync_copy(ones_v, acc.at[idx_v.at[i, 1]], add=True)
        return carry

    lax.fori_loop(0, WPD, body, 0)

    @pl.when(wid < WREM)
    def _():
        pltpu.sync_copy(ones_v, acc.at[idx_v.at[WPD, 1]], add=True)

    plsc.subcore_barrier()
    pltpu.sync_copy(acc.at[pl.ds(s * RPT, RPT)],
                    cnt_hbm.at[c].at[pl.ds(s * RPT, RPT)])


def _sc_propagate_body(y_hbm, edges_hbm, out_hbm,
                       ev, buf, acc,
                       sg0, sg1, sg2, sg3, ss0, ss1, ss2, ss3):
    c = lax.axis_index("c")
    s = lax.axis_index("s")
    ysub = y_hbm.at[c]
    sg = (sg0, sg1, sg2, sg3)
    ss = (ss0, ss1, ss2, ss3)

    def zb(i, carry):
        for j in range(DH // 32):
            buf[0, i, pl.ds(j * 32, 32)] = jnp.zeros((32,), jnp.bfloat16)
        return carry

    lax.fori_loop(0, W, zb, 0)
    for r in range(RPT // W):
        pltpu.sync_copy(buf.at[0], acc.at[pl.ds(s * RPT + r * W, W)])

    pltpu.sync_copy(edges_hbm.at[pl.ds(s * WPS, WPS)], ev.at[pl.ds(0, WPS)])

    @pl.when(s < WREM)
    def _():
        pltpu.sync_copy(edges_hbm.at[pl.ds(NWIN - WREM + s, 1)],
                        ev.at[pl.ds(WPS, 1)])

    plsc.subcore_barrier()

    def gather(w, b):
        pltpu.async_copy(ysub.at[ev.at[w, 0]], buf.at[b], sg[b])

    def wait_gather(w, b):
        pltpu.make_async_copy(ysub.at[ev.at[w, 0]], buf.at[b], sg[b]).wait()

    def scatter(w, b):
        pltpu.async_copy(buf.at[b], acc.at[ev.at[w, 1]], ss[b], add=True)

    def wait_scatter(b):
        pltpu.make_async_copy(buf.at[b], acc.at[pl.ds(0, W)], ss[b]).wait()

    gather(0, 0)
    gather(1, 1)
    n_pairs = WPS // 2

    def pair_body(j, u):
        w0 = 2 * j
        ou = u ^ 2
        wait_gather(w0, u)
        scatter(w0, u)
        wait_gather(w0 + 1, u + 1)
        scatter(w0 + 1, u + 1)

        @pl.when(j > 0)
        def _():
            wait_scatter(ou)
            wait_scatter(ou + 1)

        @pl.when(j < n_pairs - 1)
        def _():
            gather(w0 + 2, ou)
            gather(w0 + 3, ou + 1)

        return u

    def outer(m, carry):
        pair_body(2 * m, 0)
        pair_body(2 * m + 1, 2)
        return carry

    lax.fori_loop(0, n_pairs // 2, outer, 0)
    wait_scatter(2)
    wait_scatter(3)

    @pl.when(s < WREM)
    def _():
        pltpu.sync_copy(ysub.at[ev.at[WPS, 0]], buf.at[0])
        pltpu.sync_copy(buf.at[0], acc.at[ev.at[WPS, 1]], add=True)

    plsc.subcore_barrier()

    @pl.when(s < NS - 1)
    def _():
        pltpu.sync_copy(acc.at[pl.ds(s * RPT, RPT)],
                        out_hbm.at[c].at[pl.ds(s * RPT, RPT)])

    @pl.when(s == NS - 1)
    def _():
        pltpu.sync_copy(acc.at[pl.ds((NS - 1) * RPT, N - (NS - 1) * RPT)],
                        out_hbm.at[c].at[pl.ds((NS - 1) * RPT,
                                               N - (NS - 1) * RPT)])


_SC_MESH = plsc.VectorSubcoreMesh(core_axis_name="c", subcore_axis_name="s")

_sc_degree = pl.kernel(
    _sc_degree_body,
    out_type=jax.ShapeDtypeStruct((NC, NPAD), jnp.float32),
    mesh=_SC_MESH,
    scratch_types=[
        pltpu.VMEM((WPD + 1, 2, W), jnp.int32),
        pltpu.VMEM((W,), jnp.float32),
        pltpu.VMEM((RPT,), jnp.float32),
        pltpu.VMEM_SHARED((NPAD,), jnp.float32),
    ],
    compiler_params=pltpu.CompilerParams(use_tc_tiling_on_sc=False),
)

_sc_propagate = pl.kernel(
    _sc_propagate_body,
    out_type=jax.ShapeDtypeStruct((NC, N, DH), jnp.bfloat16),
    mesh=_SC_MESH,
    scratch_types=[
        pltpu.VMEM((WPS + 1, 2, W), jnp.int32),
        pltpu.VMEM((4, W, DH), jnp.bfloat16),
        pltpu.VMEM_SHARED((NPAD, DH), jnp.bfloat16),
    ] + [pltpu.SemaphoreType.DMA] * 8,
    compiler_params=pltpu.CompilerParams(use_tc_tiling_on_sc=False),
)



def _dinv(cnt):
    return lax.rsqrt(1.0 + cnt[:, 0] + cnt[:, 1])


def _split_bf16(y, y_ref):
    y_ref[0] = y[:, :DH].astype(jnp.bfloat16)
    y_ref[1] = y[:, DH:].astype(jnp.bfloat16)


def _merge_f32(s_ref):
    return jnp.concatenate([s_ref[0], s_ref[1]], axis=1).astype(jnp.float32)


def _tc_scale_body(x_ref, w_ref, cnt_ref, y_ref):
    xw = jnp.dot(x_ref[...], w_ref[...], preferred_element_type=jnp.float32)
    _split_bf16(xw * _dinv(cnt_ref[...])[:, None], y_ref)


def _tc_layer2_body(p_ref, y1s_ref, cnt_ref, b1_ref, w2_ref, y2_ref):
    dinv = _dinv(cnt_ref[...])[:, None]
    h = dinv * (_merge_f32(p_ref) + _merge_f32(y1s_ref)) + b1_ref[...]
    h = jnp.maximum(h, 0.0)
    y2 = jnp.dot(h, w2_ref[...], preferred_element_type=jnp.float32) * dinv
    _split_bf16(y2, y2_ref)


def _tc_out_body(p_ref, y2s_ref, cnt_ref, b2_ref, ls_ref, out_ref):
    dinv = _dinv(cnt_ref[...])[:, None]
    o = dinv * (_merge_f32(p_ref) + _merge_f32(y2s_ref)) + b2_ref[...]
    m = jnp.max(o, axis=1, keepdims=True)
    ls_ref[...] = o - m - jnp.log(jnp.sum(jnp.exp(o - m), axis=1,
                                          keepdims=True))
    out_ref[...] = o


_row_spec = pl.BlockSpec((RB, D), lambda i: (i, 0))
_split_spec = pl.BlockSpec((NC, RB, DH), lambda i: (0, i, 0))
_cnt_spec = pl.BlockSpec((RB, 2), lambda i: (i, 0))
_mat_spec = pl.BlockSpec((D, D), lambda i: (0, 0))
_bias_spec = pl.BlockSpec((1, D), lambda i: (0, 0))
_GRID = (N // RB,)

_split_shape = jax.ShapeDtypeStruct((NC, N, DH), jnp.bfloat16)

_tc_scale = pl.pallas_call(
    _tc_scale_body,
    grid=_GRID,
    in_specs=[_row_spec, _mat_spec, _cnt_spec],
    out_specs=_split_spec,
    out_shape=_split_shape,
)

_tc_layer2 = pl.pallas_call(
    _tc_layer2_body,
    grid=_GRID,
    in_specs=[_split_spec, _split_spec, _cnt_spec, _bias_spec, _mat_spec],
    out_specs=_split_spec,
    out_shape=_split_shape,
)

_tc_out = pl.pallas_call(
    _tc_out_body,
    grid=_GRID,
    in_specs=[_split_spec, _split_spec, _cnt_spec, _bias_spec],
    out_specs=[_row_spec, _row_spec],
    out_shape=[jax.ShapeDtypeStruct((N, D), jnp.float32),
               jax.ShapeDtypeStruct((N, D), jnp.float32)],
)



@jax.jit
def kernel(x, edge_index, W1, b1, W2, b2):
    edges_t = jnp.transpose(
        edge_index.astype(jnp.int32).reshape(2, NWIN, W), (1, 0, 2))

    cnt = _sc_degree(edges_t)
    cnt_t = cnt[:, :N].T

    y1 = _tc_scale(x, W1, cnt_t)
    p1 = _sc_propagate(y1, edges_t)
    y2 = _tc_layer2(p1, y1, cnt_t, b1.reshape(1, D), W2)
    p2 = _sc_propagate(y2, edges_t)
    ls, out = _tc_out(p2, y2, cnt_t, b2.reshape(1, D))
    return (ls, out)

# --- scband reference (transcript-rebuilt; emitter-appended) ---
"""Pipeline reference for scband-gcn-31241592111523 (READ-ONLY COPY).

The authoritative reference and input builder live on the scoring server;
editing this copy changes nothing except your own understanding.
"""

import jax, jax.numpy as jnp
import numpy as np

N_NODES = 10000
N_EDGES = 320000
D_IN = 128
D_HID = 128
D_OUT = 128


def setup_inputs(seed: int = 0) -> dict:
    key = jax.random.key(seed)
    k1, k2, k3, k4, k5, k6 = jax.random.split(key, 6)
    x = jax.random.normal(k1, (N_NODES, D_IN), dtype=jnp.float32)
    edge_index = jax.random.randint(k2, (2, N_EDGES), 0, N_NODES, dtype=jnp.int64)
    # GCNConv linear weights (Glorot-style scale) and biases
    W1 = jax.random.normal(k3, (D_IN, D_HID), dtype=jnp.float32) * (1.0 / np.sqrt(D_IN))
    b1 = jnp.zeros((D_HID,), dtype=jnp.float32)
    W2 = jax.random.normal(k4, (D_HID, D_OUT), dtype=jnp.float32) * (1.0 / np.sqrt(D_HID))
    b2 = jnp.zeros((D_OUT,), dtype=jnp.float32)
    return {"x": x, "edge_index": edge_index, "W1": W1, "b1": b1, "W2": W2, "b2": b2}


def _gcn_conv(x, edge_index, W, b):
    # Faithful GCNConv: add self-loops, symmetric normalization D^-1/2 A D^-1/2, linear, aggregate, bias
    N = x.shape[0]
    loop = jnp.arange(N, dtype=edge_index.dtype)
    src = jnp.concatenate([edge_index[0], loop])
    dst = jnp.concatenate([edge_index[1], loop])
    xw = x @ W
    deg = jnp.zeros((N,), dtype=xw.dtype).at[dst].add(1.0)
    deg_inv_sqrt = jnp.where(deg > 0, deg ** -0.5, 0.0)
    norm = deg_inv_sqrt[src] * deg_inv_sqrt[dst]
    msgs = norm[:, None] * jnp.take(xw, src, axis=0)
    out = jnp.zeros((N, W.shape[1]), dtype=xw.dtype).at[dst].add(msgs)
    return out + b


def reference(x, edge_index, W1, b1, W2, b2):
    hidden = _gcn_conv(x, edge_index, W1, b1)
    h = jax.nn.relu(hidden)
    output = _gcn_conv(h, edge_index, W2, b2)
    return (jax.nn.log_softmax(output, axis=1), output)

if __name__ == "__main__":
    import jax
    _d = setup_inputs()
    print(jax.jit(kernel)(*tuple(_d.values())))

</pallas_src>

<mosaic_0001>
#map = affine_map<(d0, d1) -> (0, 0, 0)>
module attributes {stable_mosaic.version = 14 : i64} {
  func.func @_sc_propagate_body(%arg0: i32, %arg1: i32, %arg2: memref<2x10000x64xbf16, #tpu.memory_space<hbm>>, %arg3: memref<2500x2x128xi32, #tpu.memory_space<hbm>>, %arg4: memref<2x10000x64xbf16, #tpu.memory_space<hbm>>, %arg5: memref<157x2x128xi32, #tpu.memory_space<vmem>>, %arg6: memref<4x128x64xbf16, #tpu.memory_space<vmem>>, %arg7: memref<10240x64xbf16, #tpu.memory_space<vmem_shared>>, %arg8: memref<!tpu.dma_semaphore, #tpu.memory_space<semaphore_mem>>, %arg9: memref<!tpu.dma_semaphore, #tpu.memory_space<semaphore_mem>>, %arg10: memref<!tpu.dma_semaphore, #tpu.memory_space<semaphore_mem>>, %arg11: memref<!tpu.dma_semaphore, #tpu.memory_space<semaphore_mem>>, %arg12: memref<!tpu.dma_semaphore, #tpu.memory_space<semaphore_mem>>, %arg13: memref<!tpu.dma_semaphore, #tpu.memory_space<semaphore_mem>>, %arg14: memref<!tpu.dma_semaphore, #tpu.memory_space<semaphore_mem>>, %arg15: memref<!tpu.dma_semaphore, #tpu.memory_space<semaphore_mem>>) attributes {dimension_semantics = [#tpu.dimension_semantics<core_parallel>, #tpu.dimension_semantics<subcore_parallel>], iteration_bounds = array<i64: 2, 16>, scalar_prefetch = 0 : i64, scratch_operands = 11 : i64, tpu.core_type = #tpu.core_type<sc_vector_subcore>, window_params = [{transform_indices = #map}, {transform_indices = #map}, {transform_indices = #map}]} {
    %scan3A = arith.constant 0 : i32
    %scan3A_0 = arith.constant 0 : i32
    %scan3A_1 = arith.constant 128 : i32
    %scan3A_2 = arith.addi %scan3A_0, %scan3A_1 : i32
    %scan3A_3 = arith.constant 1 : i32
    scf.for %scan3A_114 = %scan3A_0 to %scan3A_2 step %scan3A_3  : i32 {
      %broadcast_in_dim3A = arith.constant 0.000000e+00 : bf16
      %broadcast_in_dim3A_115 = vector.broadcast %broadcast_in_dim3A : bf16 to vector<32xbf16>
      %swap3A = arith.constant 0 : i32
      %swap3A_116 = arith.index_cast %swap3A : i32 to index
      %swap3A_117 = arith.index_cast %scan3A_114 : i32 to index
      %swap3A_118 = arith.constant 0 : index
      %swap3A_119 = tpu.vector_load %arg6[%swap3A_116, %swap3A_117, %swap3A_118] {strides = array<i32>} : memref<4x128x64xbf16, #tpu.memory_space<vmem>>, vector<1x1x32xbf16>,
      %swap3A_120 = vector.shape_cast %swap3A_119 : vector<1x1x32xbf16> to vector<32xbf16>
      %swap3A_121 = vector.shape_cast %broadcast_in_dim3A_115 : vector<32xbf16> to vector<1x1x32xbf16>
      tpu.vector_store %arg6[%swap3A_116, %swap3A_117, %swap3A_118], %swap3A_121 {strides = array<i32>} : memref<4x128x64xbf16, #tpu.memory_space<vmem>>, vector<1x1x32xbf16>,
      %broadcast_in_dim3A_122 = arith.constant 0.000000e+00 : bf16
      %broadcast_in_dim3A_123 = vector.broadcast %broadcast_in_dim3A_122 : bf16 to vector<32xbf16>
      %swap3A_124 = arith.constant 0 : i32
      %swap3A_125 = arith.index_cast %swap3A_124 : i32 to index
      %swap3A_126 = arith.index_cast %scan3A_114 : i32 to index
      %swap3A_127 = arith.constant 32 : index
      %swap3A_128 = tpu.vector_load %arg6[%swap3A_125, %swap3A_126, %swap3A_127] {strides = array<i32>} : memref<4x128x64xbf16, #tpu.memory_space<vmem>>, vector<1x1x32xbf16>,
      %swap3A_129 = vector.shape_cast %swap3A_128 : vector<1x1x32xbf16> to vector<32xbf16>
      %swap3A_130 = vector.shape_cast %broadcast_in_dim3A_123 : vector<32xbf16> to vector<1x1x32xbf16>
      tpu.vector_store %arg6[%swap3A_125, %swap3A_126, %swap3A_127], %swap3A_130 {strides = array<i32>} : memref<4x128x64xbf16, #tpu.memory_space<vmem>>, vector<1x1x32xbf16>,
    }
    %scan3A_4 = arith.constant 128 : i32
    %mul3A = arith.constant 640 : i32
    %mul3A_5 = arith.muli %arg1, %mul3A : i32
    %add3A = arith.constant 0 : i32
    %add3A_6 = arith.addi %mul3A_5, %add3A : i32
    %run_scoped3A = arith.constant 0 : i32
    "tpu.region"() ({
      %run_scoped3A_114 = tpu.sem_alloc : memref<!tpu.dma_semaphore, #tpu.memory_space<semaphore_mem>>
      %dma_start3A_115 = arith.constant 0 : i32
      %dma_start3A_116 = arith.constant 0 : i32
      %dma_start3A_117 = tpu.memref_slice %arg6[%run_scoped3A, %dma_start3A_115, %dma_start3A_116] : memref<4x128x64xbf16, #tpu.memory_space<vmem>> -> memref<1x128x64xbf16, #tpu.memory_space<vmem>>
      %dma_start3A_118 = tpu.memref_squeeze %dma_start3A_117 : memref<1x128x64xbf16, #tpu.memory_space<vmem>> -> memref<128x64xbf16, #tpu.memory_space<vmem>>
      %dma_start3A_119 = arith.constant 0 : i32
      %dma_start3A_120 = tpu.memref_slice %arg7[%add3A_6, %dma_start3A_119] : memref<10240x64xbf16, #tpu.memory_space<vmem_shared>> -> memref<128x64xbf16, #tpu.memory_space<vmem_shared>>
      %dma_start3A_121 = arith.constant 0 : i32
      %dma_start3A_122 = tpu.memref_slice %arg7[%add3A_6, %dma_start3A_121] : memref<10240x64xbf16, #tpu.memory_space<vmem_shared>> -> memref<128x64xbf16, #tpu.memory_space<vmem_shared>>
      %dma_start3A_123 = arith.constant 0 : i32
      %dma_start3A_124 = arith.constant 0 : i32
      %dma_start3A_125 = tpu.memref_slice %arg6[%run_scoped3A, %dma_start3A_123, %dma_start3A_124] : memref<4x128x64xbf16, #tpu.memory_space<vmem>> -> memref<1x128x64xbf16, #tpu.memory_space<vmem>>
      %dma_start3A_126 = tpu.memref_squeeze %dma_start3A_125 : memref<1x128x64xbf16, #tpu.memory_space<vmem>> -> memref<128x64xbf16, #tpu.memory_space<vmem>>
      tpu.enqueue_dma source(%dma_start3A_126 : memref<128x64xbf16, #tpu.memory_space<vmem>>) target(%dma_start3A_122 : memref<128x64xbf16, #tpu.memory_space<vmem_shared>>) target_semaphore(%run_scoped3A_114 : memref<!tpu.dma_semaphore, #tpu.memory_space<semaphore_mem>>)
      %dma_wait3A_127 = arith.constant 0 : i32
      %dma_wait3A_128 = arith.constant 0 : i32
      %dma_wait3A_129 = tpu.memref_slice %arg6[%run_scoped3A, %dma_wait3A_127, %dma_wait3A_128] : memref<4x128x64xbf16, #tpu.memory_space<vmem>> -> memref<1x128x64xbf16, #tpu.memory_space<vmem>>
      %dma_wait3A_130 = tpu.memref_squeeze %dma_wait3A_129 : memref<1x128x64xbf16, #tpu.memory_space<vmem>> -> memref<128x64xbf16, #tpu.memory_space<vmem>>
      %dma_wait3A_131 = arith.constant 0 : i32
      %dma_wait3A_132 = tpu.memref_slice %arg7[%add3A_6, %dma_wait3A_131] : memref<10240x64xbf16, #tpu.memory_space<vmem_shared>> -> memref<128x64xbf16, #tpu.memory_space<vmem_shared>>
      %dma_wait3A_133 = arith.constant 0 : i32
      %dma_wait3A_134 = tpu.memref_slice %arg7[%add3A_6, %dma_wait3A_133] : memref<10240x64xbf16, #tpu.memory_space<vmem_shared>> -> memref<128x64xbf16, #tpu.memory_space<vmem_shared>>
      %dma_wait3A_135 = arith.constant 0 : i32
      %dma_wait3A_136 = arith.constant 0 : i32
      %dma_wait3A_137 = tpu.memref_slice %arg6[%run_scoped3A, %dma_wait3A_135, %dma_wait3A_136] : memref<4x128x64xbf16, #tpu.memory_space<vmem>> -> memref<1x128x64xbf16, #tpu.memory_space<vmem>>
      %dma_wait3A_138 = tpu.memref_squeeze %dma_wait3A_137 : memref<1x128x64xbf16, #tpu.memory_space<vmem>> -> memref<128x64xbf16, #tpu.memory_space<vmem>>
      tpu.wait_dma2 semaphore(%run_scoped3A_114 : memref<!tpu.dma_semaphore, #tpu.memory_space<semaphore_mem>>) src(%dma_wait3A_138 : memref<128x64xbf16, #tpu.memory_space<vmem>>) dst(%dma_wait3A_134 : memref<128x64xbf16, #tpu.memory_space<vmem_shared>>)
      tpu.yield
    }) : () -> ()
    %mul3A_7 = arith.constant 640 : i32
    %mul3A_8 = arith.muli %arg1, %mul3A_7 : i32
    %add3A_9 = arith.constant 128 : i32
    %add3A_10 = arith.addi %mul3A_8, %add3A_9 : i32
    %run_scoped3A_11 = arith.constant 0 : i32
    "tpu.region"() ({
      %run_scoped3A_114 = tpu.sem_alloc : memref<!tpu.dma_semaphore, #tpu.memory_space<semaphore_mem>>
      %dma_start3A_115 = arith.constant 0 : i32
      %dma_start3A_116 = arith.constant 0 : i32
      %dma_start3A_117 = tpu.memref_slice %arg6[%run_scoped3A_11, %dma_start3A_115, %dma_start3A_116] : memref<4x128x64xbf16, #tpu.memory_space<vmem>> -> memref<1x128x64xbf16, #tpu.memory_space<vmem>>
      %dma_start3A_118 = tpu.memref_squeeze %dma_start3A_117 : memref<1x128x64xbf16, #tpu.memory_space<vmem>> -> memref<128x64xbf16, #tpu.memory_space<vmem>>
      %dma_start3A_119 = arith.constant 0 : i32
      %dma_start3A_120 = tpu.memref_slice %arg7[%add3A_10, %dma_start3A_119] : memref<10240x64xbf16, #tpu.memory_space<vmem_shared>> -> memref<128x64xbf16, #tpu.memory_space<vmem_shared>>
      %dma_start3A_121 = arith.constant 0 : i32
      %dma_start3A_122 = tpu.memref_slice %arg7[%add3A_10, %dma_start3A_121] : memref<10240x64xbf16, #tpu.memory_space<vmem_shared>> -> memref<128x64xbf16, #tpu.memory_space<vmem_shared>>
      %dma_start3A_123 = arith.constant 0 : i32
      %dma_start3A_124 = arith.constant 0 : i32
      %dma_start3A_125 = tpu.memref_slice %arg6[%run_scoped3A_11, %dma_start3A_123, %dma_start3A_124] : memref<4x128x64xbf16, #tpu.memory_space<vmem>> -> memref<1x128x64xbf16, #tpu.memory_space<vmem>>
      %dma_start3A_126 = tpu.memref_squeeze %dma_start3A_125 : memref<1x128x64xbf16, #tpu.memory_space<vmem>> -> memref<128x64xbf16, #tpu.memory_space<vmem>>
      tpu.enqueue_dma source(%dma_start3A_126 : memref<128x64xbf16, #tpu.memory_space<vmem>>) target(%dma_start3A_122 : memref<128x64xbf16, #tpu.memory_space<vmem_shared>>) target_semaphore(%run_scoped3A_114 : memref<!tpu.dma_semaphore, #tpu.memory_space<semaphore_mem>>)
      %dma_wait3A_127 = arith.constant 0 : i32
      %dma_wait3A_128 = arith.constant 0 : i32
      %dma_wait3A_129 = tpu.memref_slice %arg6[%run_scoped3A_11, %dma_wait3A_127, %dma_wait3A_128] : memref<4x128x64xbf16, #tpu.memory_space<vmem>> -> memref<1x128x64xbf16, #tpu.memory_space<vmem>>
      %dma_wait3A_130 = tpu.memref_squeeze %dma_wait3A_129 : memref<1x128x64xbf16, #tpu.memory_space<vmem>> -> memref<128x64xbf16, #tpu.memory_space<vmem>>
      %dma_wait3A_131 = arith.constant 0 : i32
      %dma_wait3A_132 = tpu.memref_slice %arg7[%add3A_10, %dma_wait3A_131] : memref<10240x64xbf16, #tpu.memory_space<vmem_shared>> -> memref<128x64xbf16, #tpu.memory_space<vmem_shared>>
      %dma_wait3A_133 = arith.constant 0 : i32
      %dma_wait3A_134 = tpu.memref_slice %arg7[%add3A_10, %dma_wait3A_133] : memref<10240x64xbf16, #tpu.memory_space<vmem_shared>> -> memref<128x64xbf16, #tpu.memory_space<vmem_shared>>
      %dma_wait3A_135 = arith.constant 0 : i32
      %dma_wait3A_136 = arith.constant 0 : i32
      %dma_wait3A_137 = tpu.memref_slice %arg6[%run_scoped3A_11, %dma_wait3A_135, %dma_wait3A_136] : memref<4x128x64xbf16, #tpu.memory_space<vmem>> -> memref<1x128x64xbf16, #tpu.memory_space<vmem>>
      %dma_wait3A_138 = tpu.memref_squeeze %dma_wait3A_137 : memref<1x128x64xbf16, #tpu.memory_space<vmem>> -> memref<128x64xbf16, #tpu.memory_space<vmem>>
      tpu.wait_dma2 semaphore(%run_scoped3A_114 : memref<!tpu.dma_semaphore, #tpu.memory_space<semaphore_mem>>) src(%dma_wait3A_138 : memref<128x64xbf16, #tpu.memory_space<vmem>>) dst(%dma_wait3A_134 : memref<128x64xbf16, #tpu.memory_space<vmem_shared>>)
      tpu.yield
    }) : () -> ()
    %mul3A_12 = arith.constant 640 : i32
    %mul3A_13 = arith.muli %arg1, %mul3A_12 : i32
    %add3A_14 = arith.constant 256 : i32
    %add3A_15 = arith.addi %mul3A_13, %add3A_14 : i32
    %run_scoped3A_16 = arith.constant 0 : i32
    "tpu.region"() ({
      %run_scoped3A_114 = tpu.sem_alloc : memref<!tpu.dma_semaphore, #tpu.memory_space<semaphore_mem>>
      %dma_start3A_115 = arith.constant 0 : i32
      %dma_start3A_116 = arith.constant 0 : i32
      %dma_start3A_117 = tpu.memref_slice %arg6[%run_scoped3A_16, %dma_start3A_115, %dma_start3A_116] : memref<4x128x64xbf16, #tpu.memory_space<vmem>> -> memref<1x128x64xbf16, #tpu.memory_space<vmem>>
      %dma_start3A_118 = tpu.memref_squeeze %dma_start3A_117 : memref<1x128x64xbf16, #tpu.memory_space<vmem>> -> memref<128x64xbf16, #tpu.memory_space<vmem>>
      %dma_start3A_119 = arith.constant 0 : i32
      %dma_start3A_120 = tpu.memref_slice %arg7[%add3A_15, %dma_start3A_119] : memref<10240x64xbf16, #tpu.memory_space<vmem_shared>> -> memref<128x64xbf16, #tpu.memory_space<vmem_shared>>
      %dma_start3A_121 = arith.constant 0 : i32
      %dma_start3A_122 = tpu.memref_slice %arg7[%add3A_15, %dma_start3A_121] : memref<10240x64xbf16, #tpu.memory_space<vmem_shared>> -> memref<128x64xbf16, #tpu.memory_space<vmem_shared>>
      %dma_start3A_123 = arith.constant 0 : i32
      %dma_start3A_124 = arith.constant 0 : i32
      %dma_start3A_125 = tpu.memref_slice %arg6[%run_scoped3A_16, %dma_start3A_123, %dma_start3A_124] : memref<4x128x64xbf16, #tpu.memory_space<vmem>> -> memref<1x128x64xbf16, #tpu.memory_space<vmem>>
      %dma_start3A_126 = tpu.memref_squeeze %dma_start3A_125 : memref<1x128x64xbf16, #tpu.memory_space<vmem>> -> memref<128x64xbf16, #tpu.memory_space<vmem>>
      tpu.enqueue_dma source(%dma_start3A_126 : memref<128x64xbf16, #tpu.memory_space<vmem>>) target(%dma_start3A_122 : memref<128x64xbf16, #tpu.memory_space<vmem_shared>>) target_semaphore(%run_scoped3A_114 : memref<!tpu.dma_semaphore, #tpu.memory_space<semaphore_mem>>)
      %dma_wait3A_127 = arith.constant 0 : i32
      %dma_wait3A_128 = arith.constant 0 : i32
      %dma_wait3A_129 = tpu.memref_slice %arg6[%run_scoped3A_16, %dma_wait3A_127, %dma_wait3A_128] : memref<4x128x64xbf16, #tpu.memory_space<vmem>> -> memref<1x128x64xbf16, #tpu.memory_space<vmem>>
      %dma_wait3A_130 = tpu.memref_squeeze %dma_wait3A_129 : memref<1x128x64xbf16, #tpu.memory_space<vmem>> -> memref<128x64xbf16, #tpu.memory_space<vmem>>
      %dma_wait3A_131 = arith.constant 0 : i32
      %dma_wait3A_132 = tpu.memref_slice %arg7[%add3A_15, %dma_wait3A_131] : memref<10240x64xbf16, #tpu.memory_space<vmem_shared>> -> memref<128x64xbf16, #tpu.memory_space<vmem_shared>>
      %dma_wait3A_133 = arith.constant 0 : i32
      %dma_wait3A_134 = tpu.memref_slice %arg7[%add3A_15, %dma_wait3A_133] : memref<10240x64xbf16, #tpu.memory_space<vmem_shared>> -> memref<128x64xbf16, #tpu.memory_space<vmem_shared>>
      %dma_wait3A_135 = arith.constant 0 : i32
      %dma_wait3A_136 = arith.constant 0 : i32
      %dma_wait3A_137 = tpu.memref_slice %arg6[%run_scoped3A_16, %dma_wait3A_135, %dma_wait3A_136] : memref<4x128x64xbf16, #tpu.memory_space<vmem>> -> memref<1x128x64xbf16, #tpu.memory_space<vmem>>
      %dma_wait3A_138 = tpu.memref_squeeze %dma_wait3A_137 : memref<1x128x64xbf16, #tpu.memory_space<vmem>> -> memref<128x64xbf16, #tpu.memory_space<vmem>>
      tpu.wait_dma2 semaphore(%run_scoped3A_114 : memref<!tpu.dma_semaphore, #tpu.memory_space<semaphore_mem>>) src(%dma_wait3A_138 : memref<128x64xbf16, #tpu.memory_space<vmem>>) dst(%dma_wait3A_134 : memref<128x64xbf16, #tpu.memory_space<vmem_shared>>)
      tpu.yield
    }) : () -> ()
    %mul3A_17 = arith.constant 640 : i32
    %mul3A_18 = arith.muli %arg1, %mul3A_17 : i32
    %add3A_19 = arith.constant 384 : i32
    %add3A_20 = arith.addi %mul3A_18, %add3A_19 : i32
    %run_scoped3A_21 = arith.constant 0 : i32
    "tpu.region"() ({
      %run_scoped3A_114 = tpu.sem_alloc : memref<!tpu.dma_semaphore, #tpu.memory_space<semaphore_mem>>
      %dma_start3A_115 = arith.constant 0 : i32
      %dma_start3A_116 = arith.constant 0 : i32
      %dma_start3A_117 = tpu.memref_slice %arg6[%run_scoped3A_21, %dma_start3A_115, %dma_start3A_116] : memref<4x128x64xbf16, #tpu.memory_space<vmem>> -> memref<1x128x64xbf16, #tpu.memory_space<vmem>>
      %dma_start3A_118 = tpu.memref_squeeze %dma_start3A_117 : memref<1x128x64xbf16, #tpu.memory_space<vmem>> -> memref<128x64xbf16, #tpu.memory_space<vmem>>
      %dma_start3A_119 = arith.constant 0 : i32
      %dma_start3A_120 = tpu.memref_slice %arg7[%add3A_20, %dma_start3A_119] : memref<10240x64xbf16, #tpu.memory_space<vmem_shared>> -> memref<128x64xbf16, #tpu.memory_space<vmem_shared>>
      %dma_start3A_121 = arith.constant 0 : i32
      %dma_start3A_122 = tpu.memref_slice %arg7[%add3A_20, %dma_start3A_121] : memref<10240x64xbf16, #tpu.memory_space<vmem_shared>> -> memref<128x64xbf16, #tpu.memory_space<vmem_shared>>
      %dma_start3A_123 = arith.constant 0 : i32
      %dma_start3A_124 = arith.constant 0 : i32
      %dma_start3A_125 = tpu.memref_slice %arg6[%run_scoped3A_21, %dma_start3A_123, %dma_start3A_124] : memref<4x128x64xbf16, #tpu.memory_space<vmem>> -> memref<1x128x64xbf16, #tpu.memory_space<vmem>>
      %dma_start3A_126 = tpu.memref_squeeze %dma_start3A_125 : memref<1x128x64xbf16, #tpu.memory_space<vmem>> -> memref<128x64xbf16, #tpu.memory_space<vmem>>
      tpu.enqueue_dma source(%dma_start3A_126 : memref<128x64xbf16, #tpu.memory_space<vmem>>) target(%dma_start3A_122 : memref<128x64xbf16, #tpu.memory_space<vmem_shared>>) target_semaphore(%run_scoped3A_114 : memref<!tpu.dma_semaphore, #tpu.memory_space<semaphore_mem>>)
      %dma_wait3A_127 = arith.constant 0 : i32
      %dma_wait3A_128 = arith.constant 0 : i32
      %dma_wait3A_129 = tpu.memref_slice %arg6[%run_scoped3A_21, %dma_wait3A_127, %dma_wait3A_128] : memref<4x128x64xbf16, #tpu.memory_space<vmem>> -> memref<1x128x64xbf16, #tpu.memory_space<vmem>>
      %dma_wait3A_130 = tpu.memref_squeeze %dma_wait3A_129 : memref<1x128x64xbf16, #tpu.memory_space<vmem>> -> memref<128x64xbf16, #tpu.memory_space<vmem>>
      %dma_wait3A_131 = arith.constant 0 : i32
      %dma_wait3A_132 = tpu.memref_slice %arg7[%add3A_20, %dma_wait3A_131] : memref<10240x64xbf16, #tpu.memory_space<vmem_shared>> -> memref<128x64xbf16, #tpu.memory_space<vmem_shared>>
      %dma_wait3A_133 = arith.constant 0 : i32
      %dma_wait3A_134 = tpu.memref_slice %arg7[%add3A_20, %dma_wait3A_133] : memref<10240x64xbf16, #tpu.memory_space<vmem_shared>> -> memref<128x64xbf16, #tpu.memory_space<vmem_shared>>
      %dma_wait3A_135 = arith.constant 0 : i32
      %dma_wait3A_136 = arith.constant 0 : i32
      %dma_wait3A_137 = tpu.memref_slice %arg6[%run_scoped3A_21, %dma_wait3A_135, %dma_wait3A_136] : memref<4x128x64xbf16, #tpu.memory_space<vmem>> -> memref<1x128x64xbf16, #tpu.memory_space<vmem>>
      %dma_wait3A_138 = tpu.memref_squeeze %dma_wait3A_137 : memref<1x128x64xbf16, #tpu.memory_space<vmem>> -> memref<128x64xbf16, #tpu.memory_space<vmem>>
      tpu.wait_dma2 semaphore(%run_scoped3A_114 : memref<!tpu.dma_semaphore, #tpu.memory_space<semaphore_mem>>) src(%dma_wait3A_138 : memref<128x64xbf16, #tpu.memory_space<vmem>>) dst(%dma_wait3A_134 : memref<128x64xbf16, #tpu.memory_space<vmem_shared>>)
      tpu.yield
    }) : () -> ()
    %mul3A_22 = arith.constant 640 : i32
    %mul3A_23 = arith.muli %arg1, %mul3A_22 : i32
    %add3A_24 = arith.constant 512 : i32
    %add3A_25 = arith.addi %mul3A_23, %add3A_24 : i32
    %run_scoped3A_26 = arith.constant 0 : i32
    "tpu.region"() ({
      %run_scoped3A_114 = tpu.sem_alloc : memref<!tpu.dma_semaphore, #tpu.memory_space<semaphore_mem>>
      %dma_start3A_115 = arith.constant 0 : i32
      %dma_start3A_116 = arith.constant 0 : i32
      %dma_start3A_117 = tpu.memref_slice %arg6[%run_scoped3A_26, %dma_start3A_115, %dma_start3A_116] : memref<4x128x64xbf16, #tpu.memory_space<vmem>> -> memref<1x128x64xbf16, #tpu.memory_space<vmem>>
      %dma_start3A_118 = tpu.memref_squeeze %dma_start3A_117 : memref<1x128x64xbf16, #tpu.memory_space<vmem>> -> memref<128x64xbf16, #tpu.memory_space<vmem>>
      %dma_start3A_119 = arith.constant 0 : i32
      %dma_start3A_120 = tpu.memref_slice %arg7[%add3A_25, %dma_start3A_119] : memref<10240x64xbf16, #tpu.memory_space<vmem_shared>> -> memref<128x64xbf16, #tpu.memory_space<vmem_shared>>
      %dma_start3A_121 = arith.constant 0 : i32
      %dma_start3A_122 = tpu.memref_slice %arg7[%add3A_25, %dma_start3A_121] : memref<10240x64xbf16, #tpu.memory_space<vmem_shared>> -> memref<128x64xbf16, #tpu.memory_space<vmem_shared>>
      %dma_start3A_123 = arith.constant 0 : i32
      %dma_start3A_124 = arith.constant 0 : i32
      %dma_start3A_125 = tpu.memref_slice %arg6[%run_scoped3A_26, %dma_start3A_123, %dma_start3A_124] : memref<4x128x64xbf16, #tpu.memory_space<vmem>> -> memref<1x128x64xbf16, #tpu.memory_space<vmem>>
      %dma_start3A_126 = tpu.memref_squeeze %dma_start3A_125 : memref<1x128x64xbf16, #tpu.memory_space<vmem>> -> memref<128x64xbf16, #tpu.memory_space<vmem>>
      tpu.enqueue_dma source(%dma_start3A_126 : memref<128x64xbf16, #tpu.memory_space<vmem>>) target(%dma_start3A_122 : memref<128x64xbf16, #tpu.memory_space<vmem_shared>>) target_semaphore(%run_scoped3A_114 : memref<!tpu.dma_semaphore, #tpu.memory_space<semaphore_mem>>)
      %dma_wait3A_127 = arith.constant 0 : i32
      %dma_wait3A_128 = arith.constant 0 : i32
      %dma_wait3A_129 = tpu.memref_slice %arg6[%run_scoped3A_26, %dma_wait3A_127, %dma_wait3A_128] : memref<4x128x64xbf16, #tpu.memory_space<vmem>> -> memref<1x128x64xbf16, #tpu.memory_space<vmem>>
      %dma_wait3A_130 = tpu.memref_squeeze %dma_wait3A_129 : memref<1x128x64xbf16, #tpu.memory_space<vmem>> -> memref<128x64xbf16, #tpu.memory_space<vmem>>
      %dma_wait3A_131 = arith.constant 0 : i32
      %dma_wait3A_132 = tpu.memref_slice %arg7[%add3A_25, %dma_wait3A_131] : memref<10240x64xbf16, #tpu.memory_space<vmem_shared>> -> memref<128x64xbf16, #tpu.memory_space<vmem_shared>>
      %dma_wait3A_133 = arith.constant 0 : i32
      %dma_wait3A_134 = tpu.memref_slice %arg7[%add3A_25, %dma_wait3A_133] : memref<10240x64xbf16, #tpu.memory_space<vmem_shared>> -> memref<128x64xbf16, #tpu.memory_space<vmem_shared>>
      %dma_wait3A_135 = arith.constant 0 : i32
      %dma_wait3A_136 = arith.constant 0 : i32
      %dma_wait3A_137 = tpu.memref_slice %arg6[%run_scoped3A_26, %dma_wait3A_135, %dma_wait3A_136] : memref<4x128x64xbf16, #tpu.memory_space<vmem>> -> memref<1x128x64xbf16, #tpu.memory_space<vmem>>
      %dma_wait3A_138 = tpu.memref_squeeze %dma_wait3A_137 : memref<1x128x64xbf16, #tpu.memory_space<vmem>> -> memref<128x64xbf16, #tpu.memory_space<vmem>>
      tpu.wait_dma2 semaphore(%run_scoped3A_114 : memref<!tpu.dma_semaphore, #tpu.memory_space<semaphore_mem>>) src(%dma_wait3A_138 : memref<128x64xbf16, #tpu.memory_space<vmem>>) dst(%dma_wait3A_134 : memref<128x64xbf16, #tpu.memory_space<vmem_shared>>)
      tpu.yield
    }) : () -> ()
    %mul3A_27 = arith.constant 156 : i32
    %mul3A_28 = arith.muli %arg1, %mul3A_27 : i32
    "tpu.region"() ({
      %run_scoped3A_114 = tpu.sem_alloc : memref<!tpu.dma_semaphore, #tpu.memory_space<semaphore_mem>>
      %dma_start3A_115 = arith.constant 0 : i32
      %dma_start3A_116 = arith.constant 0 : i32
      %dma_start3A_117 = arith.constant 0 : i32
      %dma_start3A_118 = tpu.memref_slice %arg5[%dma_start3A_115, %dma_start3A_116, %dma_start3A_117] : memref<157x2x128xi32, #tpu.memory_space<vmem>> -> memref<156x2x128xi32, #tpu.memory_space<vmem>>
      %dma_start3A_119 = arith.constant 0 : i32
      %dma_start3A_120 = arith.constant 0 : i32
      %dma_start3A_121 = tpu.memref_slice %arg3[%mul3A_28, %dma_start3A_119, %dma_start3A_120] : memref<2500x2x128xi32, #tpu.memory_space<hbm>> -> memref<156x2x128xi32, #tpu.memory_space<hbm>>
      %dma_start3A_122 = arith.constant 0 : i32
      %dma_start3A_123 = arith.constant 0 : i32
      %dma_start3A_124 = arith.constant 0 : i32
      %dma_start3A_125 = tpu.memref_slice %arg5[%dma_start3A_122, %dma_start3A_123, %dma_start3A_124] : memref<157x2x128xi32, #tpu.memory_space<vmem>> -> memref<156x2x128xi32, #tpu.memory_space<vmem>>
      %dma_start3A_126 = arith.constant 0 : i32
      %dma_start3A_127 = arith.constant 0 : i32
      %dma_start3A_128 = tpu.memref_slice %arg3[%mul3A_28, %dma_start3A_126, %dma_start3A_127] : memref<2500x2x128xi32, #tpu.memory_space<hbm>> -> memref<156x2x128xi32, #tpu.memory_space<hbm>>
      tpu.enqueue_dma source(%dma_start3A_128 : memref<156x2x128xi32, #tpu.memory_space<hbm>>) target(%dma_start3A_125 : memref<156x2x128xi32, #tpu.memory_space<vmem>>) target_semaphore(%run_scoped3A_114 : memref<!tpu.dma_semaphore, #tpu.memory_space<semaphore_mem>>)
      %dma_wait3A_129 = arith.constant 0 : i32
      %dma_wait3A_130 = arith.constant 0 : i32
      %dma_wait3A_131 = arith.constant 0 : i32
      %dma_wait3A_132 = tpu.memref_slice %arg5[%dma_wait3A_129, %dma_wait3A_130, %dma_wait3A_131] : memref<157x2x128xi32, #tpu.memory_space<vmem>> -> memref<156x2x128xi32, #tpu.memory_space<vmem>>
      %dma_wait3A_133 = arith.constant 0 : i32
      %dma_wait3A_134 = arith.constant 0 : i32
      %dma_wait3A_135 = tpu.memref_slice %arg3[%mul3A_28, %dma_wait3A_133, %dma_wait3A_134] : memref<2500x2x128xi32, #tpu.memory_space<hbm>> -> memref<156x2x128xi32, #tpu.memory_space<hbm>>
      %dma_wait3A_136 = arith.constant 0 : i32
      %dma_wait3A_137 = arith.constant 0 : i32
      %dma_wait3A_138 = arith.constant 0 : i32
      %dma_wait3A_139 = tpu.memref_slice %arg5[%dma_wait3A_136, %dma_wait3A_137, %dma_wait3A_138] : memref<157x2x128xi32, #tpu.memory_space<vmem>> -> memref<156x2x128xi32, #tpu.memory_space<vmem>>
      %dma_wait3A_140 = arith.constant 0 : i32
      %dma_wait3A_141 = arith.constant 0 : i32
      %dma_wait3A_142 = tpu.memref_slice %arg3[%mul3A_28, %dma_wait3A_140, %dma_wait3A_141] : memref<2500x2x128xi32, #tpu.memory_space<hbm>> -> memref<156x2x128xi32, #tpu.memory_space<hbm>>
      tpu.wait_dma2 semaphore(%run_scoped3A_114 : memref<!tpu.dma_semaphore, #tpu.memory_space<semaphore_mem>>) src(%dma_wait3A_142 : memref<156x2x128xi32, #tpu.memory_space<hbm>>) dst(%dma_wait3A_139 : memref<156x2x128xi32, #tpu.memory_space<vmem>>)
      tpu.yield
    }) : () -> ()
    %lt3A = arith.constant 4 : i32
    %lt3A_29 = arith.cmpi slt, %arg1, %lt3A : i32
    %convert_element_type3A = arith.extui %lt3A_29 : i1 to i32
    %cond3A = arith.constant 0 : i32
    %cond3A_30 = arith.cmpi ne, %convert_element_type3A, %cond3A : i32
    scf.if %cond3A_30 {
      %add3A_114 = arith.constant 2496 : i32
      %add3A_115 = arith.addi %add3A_114, %arg1 : i32
      "tpu.region"() ({
        %run_scoped3A_116 = tpu.sem_alloc : memref<!tpu.dma_semaphore, #tpu.memory_space<semaphore_mem>>
        %dma_start3A_117 = arith.constant 156 : i32
        %dma_start3A_118 = arith.constant 0 : i32
        %dma_start3A_119 = arith.constant 0 : i32
        %dma_start3A_120 = tpu.memref_slice %arg5[%dma_start3A_117, %dma_start3A_118, %dma_start3A_119] : memref<157x2x128xi32, #tpu.memory_space<vmem>> -> memref<1x2x128xi32, #tpu.memory_space<vmem>>
        %dma_start3A_121 = arith.constant 0 : i32
        %dma_start3A_122 = arith.constant 0 : i32
        %dma_start3A_123 = tpu.memref_slice %arg3[%add3A_115, %dma_start3A_121, %dma_start3A_122] : memref<2500x2x128xi32, #tpu.memory_space<hbm>> -> memref<1x2x128xi32, #tpu.memory_space<hbm>>
        %dma_start3A_124 = arith.constant 156 : i32
        %dma_start3A_125 = arith.constant 0 : i32
        %dma_start3A_126 = arith.constant 0 : i32
        %dma_start3A_127 = tpu.memref_slice %arg5[%dma_start3A_124, %dma_start3A_125, %dma_start3A_126] : memref<157x2x128xi32, #tpu.memory_space<vmem>> -> memref<1x2x128xi32, #tpu.memory_space<vmem>>
        %dma_start3A_128 = arith.constant 0 : i32
        %dma_start3A_129 = arith.constant 0 : i32
        %dma_start3A_130 = tpu.memref_slice %arg3[%add3A_115, %dma_start3A_128, %dma_start3A_129] : memref<2500x2x128xi32, #tpu.memory_space<hbm>> -> memref<1x2x128xi32, #tpu.memory_space<hbm>>
        tpu.enqueue_dma source(%dma_start3A_130 : memref<1x2x128xi32, #tpu.memory_space<hbm>>) target(%dma_start3A_127 : memref<1x2x128xi32, #tpu.memory_space<vmem>>) target_semaphore(%run_scoped3A_116 : memref<!tpu.dma_semaphore, #tpu.memory_space<semaphore_mem>>)
        %dma_wait3A_131 = arith.constant 156 : i32
        %dma_wait3A_132 = arith.constant 0 : i32
        %dma_wait3A_133 = arith.constant 0 : i32
        %dma_wait3A_134 = tpu.memref_slice %arg5[%dma_wait3A_131, %dma_wait3A_132, %dma_wait3A_133] : memref<157x2x128xi32, #tpu.memory_space<vmem>> -> memref<1x2x128xi32, #tpu.memory_space<vmem>>
        %dma_wait3A_135 = arith.constant 0 : i32
        %dma_wait3A_136 = arith.constant 0 : i32
        %dma_wait3A_137 = tpu.memref_slice %arg3[%add3A_115, %dma_wait3A_135, %dma_wait3A_136] : memref<2500x2x128xi32, #tpu.memory_space<hbm>> -> memref<1x2x128xi32, #tpu.memory_space<hbm>>
        %dma_wait3A_138 = arith.constant 156 : i32
        %dma_wait3A_139 = arith.constant 0 : i32
        %dma_wait3A_140 = arith.constant 0 : i32
        %dma_wait3A_141 = tpu.memref_slice %arg5[%dma_wait3A_138, %dma_wait3A_139, %dma_wait3A_140] : memref<157x2x128xi32, #tpu.memory_space<vmem>> -> memref<1x2x128xi32, #tpu.memory_space<vmem>>
        %dma_wait3A_142 = arith.constant 0 : i32
        %dma_wait3A_143 = arith.constant 0 : i32
        %dma_wait3A_144 = tpu.memref_slice %arg3[%add3A_115, %dma_wait3A_142, %dma_wait3A_143] : memref<2500x2x128xi32, #tpu.memory_space<hbm>> -> memref<1x2x128xi32, #tpu.memory_space<hbm>>
        tpu.wait_dma2 semaphore(%run_scoped3A_116 : memref<!tpu.dma_semaphore, #tpu.memory_space<semaphore_mem>>) src(%dma_wait3A_144 : memref<1x2x128xi32, #tpu.memory_space<hbm>>) dst(%dma_wait3A_141 : memref<1x2x128xi32, #tpu.memory_space<vmem>>)
        tpu.yield
      }) : () -> ()
    } else {
    }
    %barrier3A = arith.constant 0 : index
    tpu.barrier barrier_id(%barrier3A)
    %dma_start3A = arith.constant 0 : i32
    %dma_start3A_31 = arith.constant 0 : i32
    %dma_start3A_32 = arith.constant 0 : i32
    %dma_start3A_33 = arith.constant 0 : i32
    %dma_start3A_34 = arith.constant 0 : i32
    %dma_start3A_35 = tpu.memref_slice %arg6[%dma_start3A_32, %dma_start3A_33, %dma_start3A_34] : memref<4x128x64xbf16, #tpu.memory_space<vmem>> -> memref<1x128x64xbf16, #tpu.memory_space<vmem>>
    %dma_start3A_36 = tpu.memref_squeeze %dma_start3A_35 : memref<1x128x64xbf16, #tpu.memory_space<vmem>> -> memref<128x64xbf16, #tpu.memory_space<vmem>>
    %dma_start3A_37 = arith.constant 0 : i32
    %dma_start3A_38 = tpu.memref_slice %arg5[%dma_start3A, %dma_start3A_31, %dma_start3A_37] : memref<157x2x128xi32, #tpu.memory_space<vmem>> -> memref<1x1x128xi32, #tpu.memory_space<vmem>>
    %dma_start3A_39 = tpu.memref_squeeze %dma_start3A_38 : memref<1x1x128xi32, #tpu.memory_space<vmem>> -> memref<128xi32, #tpu.memory_space<vmem>>
    %dma_start3A_40 = arith.constant 0 : i32
    %dma_start3A_41 = arith.constant 0 : i32
    %dma_start3A_42 = tpu.memref_slice %arg2[%arg0, %dma_start3A_40, %dma_start3A_41] : memref<2x10000x64xbf16, #tpu.memory_space<hbm>> -> memref<1x10000x64xbf16, #tpu.memory_space<hbm>>
    %dma_start3A_43 = tpu.memref_squeeze %dma_start3A_42 : memref<1x10000x64xbf16, #tpu.memory_space<hbm>> -> memref<10000x64xbf16, #tpu.memory_space<hbm>>
    %dma_start3A_44 = arith.constant 0 : i32
    %dma_start3A_45 = arith.constant 0 : i32
    %dma_start3A_46 = tpu.memref_slice %dma_start3A_43[%dma_start3A_44, %dma_start3A_45] : memref<10000x64xbf16, #tpu.memory_space<hbm>> -> memref<10000x64xbf16, #tpu.memory_space<hbm>>
    tpu.enqueue_indirect_dma source(%dma_start3A_46 : memref<10000x64xbf16, #tpu.memory_space<hbm>>) target(%dma_start3A_36 : memref<128x64xbf16, #tpu.memory_space<vmem>>) offsets(%dma_start3A_39 : memref<128xi32, #tpu.memory_space<vmem>>) semaphore(%arg8 : memref<!tpu.dma_semaphore, #tpu.memory_space<semaphore_mem>>)
    %dma_start3A_47 = arith.constant 1 : i32
    %dma_start3A_48 = arith.constant 0 : i32
    %dma_start3A_49 = arith.constant 1 : i32
    %dma_start3A_50 = arith.constant 0 : i32
    %dma_start3A_51 = arith.constant 0 : i32
    %dma_start3A_52 = tpu.memref_slice %arg6[%dma_start3A_49, %dma_start3A_50, %dma_start3A_51] : memref<4x128x64xbf16, #tpu.memory_space<vmem>> -> memref<1x128x64xbf16, #tpu.memory_space<vmem>>
    %dma_start3A_53 = tpu.memref_squeeze %dma_start3A_52 : memref<1x128x64xbf16, #tpu.memory_space<vmem>> -> memref<128x64xbf16, #tpu.memory_space<vmem>>
    %dma_start3A_54 = arith.constant 0 : i32
    %dma_start3A_55 = tpu.memref_slice %arg5[%dma_start3A_47, %dma_start3A_48, %dma_start3A_54] : memref<157x2x128xi32, #tpu.memory_space<vmem>> -> memref<1x1x128xi32, #tpu.memory_space<vmem>>
    %dma_start3A_56 = tpu.memref_squeeze %dma_start3A_55 : memref<1x1x128xi32, #tpu.memory_space<vmem>> -> memref<128xi32, #tpu.memory_space<vmem>>
    %dma_start3A_57 = arith.constant 0 : i32
    %dma_start3A_58 = arith.constant 0 : i32
    %dma_start3A_59 = tpu.memref_slice %arg2[%arg0, %dma_start3A_57, %dma_start3A_58] : memref<2x10000x64xbf16, #tpu.memory_space<hbm>> -> memref<1x10000x64xbf16, #tpu.memory_space<hbm>>
    %dma_start3A_60 = tpu.memref_squeeze %dma_start3A_59 : memref<1x10000x64xbf16, #tpu.memory_space<hbm>> -> memref<10000x64xbf16, #tpu.memory_space<hbm>>
    %dma_start3A_61 = arith.constant 0 : i32
    %dma_start3A_62 = arith.constant 0 : i32
    %dma_start3A_63 = tpu.memref_slice %dma_start3A_60[%dma_start3A_61, %dma_start3A_62] : memref<10000x64xbf16, #tpu.memory_space<hbm>> -> memref<10000x64xbf16, #tpu.memory_space<hbm>>
    tpu.enqueue_indirect_dma source(%dma_start3A_63 : memref<10000x64xbf16, #tpu.memory_space<hbm>>) target(%dma_start3A_53 : memref<128x64xbf16, #tpu.memory_space<vmem>>) offsets(%dma_start3A_56 : memref<128xi32, #tpu.memory_space<vmem>>) semaphore(%arg9 : memref<!tpu.dma_semaphore, #tpu.memory_space<semaphore_mem>>)
    %scan3A_64 = arith.constant 0 : i32
    %scan3A_65 = arith.constant 0 : i32
    %scan3A_66 = arith.constant 39 : i32
    %scan3A_67 = arith.addi %scan3A_65, %scan3A_66 : i32
    %scan3A_68 = arith.constant 1 : i32
    scf.for %scan3A_114 = %scan3A_65 to %scan3A_67 step %scan3A_68  : i32 {
      %mul3A_115 = arith.constant 2 : i32
      %mul3A_116 = arith.muli %mul3A_115, %scan3A_114 : i32
      %mul3A_117 = arith.constant 2 : i32
      %mul3A_118 = arith.muli %mul3A_117, %mul3A_116 : i32
      %dma_wait3A_119 = arith.constant 0 : i32
      %dma_wait3A_120 = arith.constant 0 : i32
      %dma_wait3A_121 = arith.constant 0 : i32
      %dma_wait3A_122 = arith.constant 0 : i32
      %dma_wait3A_123 = tpu.memref_slice %arg6[%dma_wait3A_120, %dma_wait3A_121, %dma_wait3A_122] : memref<4x128x64xbf16, #tpu.memory_space<vmem>> -> memref<1x128x64xbf16, #tpu.memory_space<vmem>>
      %dma_wait3A_124 = tpu.memref_squeeze %dma_wait3A_123 : memref<1x128x64xbf16, #tpu.memory_space<vmem>> -> memref<128x64xbf16, #tpu.memory_space<vmem>>
      %dma_wait3A_125 = arith.constant 0 : i32
      %dma_wait3A_126 = tpu.memref_slice %arg5[%mul3A_118, %dma_wait3A_119, %dma_wait3A_125] : memref<157x2x128xi32, #tpu.memory_space<vmem>> -> memref<1x1x128xi32, #tpu.memory_space<vmem>>
      %dma_wait3A_127 = tpu.memref_squeeze %dma_wait3A_126 : memref<1x1x128xi32, #tpu.memory_space<vmem>> -> memref<128xi32, #tpu.memory_space<vmem>>
      %dma_wait3A_128 = arith.constant 0 : i32
      %dma_wait3A_129 = arith.constant 0 : i32
      %dma_wait3A_130 = tpu.memref_slice %arg2[%arg0, %dma_wait3A_128, %dma_wait3A_129] : memref<2x10000x64xbf16, #tpu.memory_space<hbm>> -> memref<1x10000x64xbf16, #tpu.memory_space<hbm>>
      %dma_wait3A_131 = tpu.memref_squeeze %dma_wait3A_130 : memref<1x10000x64xbf16, #tpu.memory_space<hbm>> -> memref<10000x64xbf16, #tpu.memory_space<hbm>>
      %dma_wait3A_132 = arith.constant 0 : i32
      %dma_wait3A_133 = arith.constant 0 : i32
      %dma_wait3A_134 = tpu.memref_slice %dma_wait3A_131[%dma_wait3A_132, %dma_wait3A_133] : memref<10000x64xbf16, #tpu.memory_space<hbm>> -> memref<10000x64xbf16, #tpu.memory_space<hbm>>
      tpu.wait_indirect_dma semaphore(%arg8 : memref<!tpu.dma_semaphore, #tpu.memory_space<semaphore_mem>>) src(%dma_wait3A_134 : memref<10000x64xbf16, #tpu.memory_space<hbm>>) dst(%dma_wait3A_124 : memref<128x64xbf16, #tpu.memory_space<vmem>>)
      %dma_start3A_135 = arith.constant 0 : i32
      %dma_start3A_136 = arith.constant 1 : i32
      %dma_start3A_137 = arith.constant 0 : i32
      %dma_start3A_138 = arith.constant 0 : i32
      %dma_start3A_139 = tpu.memref_slice %arg6[%dma_start3A_135, %dma_start3A_137, %dma_start3A_138] : memref<4x128x64xbf16, #tpu.memory_space<vmem>> -> memref<1x128x64xbf16, #tpu.memory_space<vmem>>
      %dma_start3A_140 = tpu.memref_squeeze %dma_start3A_139 : memref<1x128x64xbf16, #tpu.memory_space<vmem>> -> memref<128x64xbf16, #tpu.memory_space<vmem>>
      %dma_start3A_141 = arith.constant 0 : i32
      %dma_start3A_142 = tpu.memref_slice %arg5[%mul3A_118, %dma_start3A_136, %dma_start3A_141] : memref<157x2x128xi32, #tpu.memory_space<vmem>> -> memref<1x1x128xi32, #tpu.memory_space<vmem>>
      %dma_start3A_143 = tpu.memref_squeeze %dma_start3A_142 : memref<1x1x128xi32, #tpu.memory_space<vmem>> -> memref<128xi32, #tpu.memory_space<vmem>>
      %dma_start3A_144 = arith.constant 0 : i32
      %dma_start3A_145 = arith.constant 0 : i32
      %dma_start3A_146 = tpu.memref_slice %arg7[%dma_start3A_144, %dma_start3A_145] : memref<10240x64xbf16, #tpu.memory_space<vmem_shared>> -> memref<10240x64xbf16, #tpu.memory_space<vmem_shared>>
      tpu.enqueue_indirect_dma source(%dma_start3A_140 : memref<128x64xbf16, #tpu.memory_space<vmem>>) target(%dma_start3A_146 : memref<10240x64xbf16, #tpu.memory_space<vmem_shared>>) offsets(%dma_start3A_143 : memref<128xi32, #tpu.memory_space<vmem>>) semaphore(%arg12 : memref<!tpu.dma_semaphore, #tpu.memory_space<semaphore_mem>>) {add = true}
      %add3A_147 = arith.constant 1 : i32
      %add3A_148 = arith.addi %mul3A_118, %add3A_147 : i32
      %dma_wait3A_149 = arith.constant 0 : i32
      %dma_wait3A_150 = arith.constant 1 : i32
      %dma_wait3A_151 = arith.constant 0 : i32
      %dma_wait3A_152 = arith.constant 0 : i32
      %dma_wait3A_153 = tpu.memref_slice %arg6[%dma_wait3A_150, %dma_wait3A_151, %dma_wait3A_152] : memref<4x128x64xbf16, #tpu.memory_space<vmem>> -> memref<1x128x64xbf16, #tpu.memory_space<vmem>>
      %dma_wait3A_154 = tpu.memref_squeeze %dma_wait3A_153 : memref<1x128x64xbf16, #tpu.memory_space<vmem>> -> memref<128x64xbf16, #tpu.memory_space<vmem>>
      %dma_wait3A_155 = arith.constant 0 : i32
      %dma_wait3A_156 = tpu.memref_slice %arg5[%add3A_148, %dma_wait3A_149, %dma_wait3A_155] : memref<157x2x128xi32, #tpu.memory_space<vmem>> -> memref<1x1x128xi32, #tpu.memory_space<vmem>>
      %dma_wait3A_157 = tpu.memref_squeeze %dma_wait3A_156 : memref<1x1x128xi32, #tpu.memory_space<vmem>> -> memref<128xi32, #tpu.memory_space<vmem>>
      %dma_wait3A_158 = arith.constant 0 : i32
      %dma_wait3A_159 = arith.constant 0 : i32
      %dma_wait3A_160 = tpu.memref_slice %arg2[%arg0, %dma_wait3A_158, %dma_wait3A_159] : memref<2x10000x64xbf16, #tpu.memory_space<hbm>> -> memref<1x10000x64xbf16, #tpu.memory_space<hbm>>
      %dma_wait3A_161 = tpu.memref_squeeze %dma_wait3A_160 : memref<1x10000x64xbf16, #tpu.memory_space<hbm>> -> memref<10000x64xbf16, #tpu.memory_space<hbm>>
      %dma_wait3A_162 = arith.constant 0 : i32
      %dma_wait3A_163 = arith.constant 0 : i32
      %dma_wait3A_164 = tpu.memref_slice %dma_wait3A_161[%dma_wait3A_162, %dma_wait3A_163] : memref<10000x64xbf16, #tpu.memory_space<hbm>> -> memref<10000x64xbf16, #tpu.memory_space<hbm>>
      tpu.wait_indirect_dma semaphore(%arg9 : memref<!tpu.dma_semaphore, #tpu.memory_space<semaphore_mem>>) src(%dma_wait3A_164 : memref<10000x64xbf16, #tpu.memory_space<hbm>>) dst(%dma_wait3A_154 : memref<128x64xbf16, #tpu.memory_space<vmem>>)
      %add3A_165 = arith.constant 1 : i32
      %add3A_166 = arith.addi %mul3A_118, %add3A_165 : i32
      %dma_start3A_167 = arith.constant 1 : i32
      %dma_start3A_168 = arith.constant 1 : i32
      %dma_start3A_169 = arith.constant 0 : i32
      %dma_start3A_170 = arith.constant 0 : i32
      %dma_start3A_171 = tpu.memref_slice %arg6[%dma_start3A_167, %dma_start3A_169, %dma_start3A_170] : memref<4x128x64xbf16, #tpu.memory_space<vmem>> -> memref<1x128x64xbf16, #tpu.memory_space<vmem>>
      %dma_start3A_172 = tpu.memref_squeeze %dma_start3A_171 : memref<1x128x64xbf16, #tpu.memory_space<vmem>> -> memref<128x64xbf16, #tpu.memory_space<vmem>>
      %dma_start3A_173 = arith.constant 0 : i32
      %dma_start3A_174 = tpu.memref_slice %arg5[%add3A_166, %dma_start3A_168, %dma_start3A_173] : memref<157x2x128xi32, #tpu.memory_space<vmem>> -> memref<1x1x128xi32, #tpu.memory_space<vmem>>
      %dma_start3A_175 = tpu.memref_squeeze %dma_start3A_174 : memref<1x1x128xi32, #tpu.memory_space<vmem>> -> memref<128xi32, #tpu.memory_space<vmem>>
      %dma_start3A_176 = arith.constant 0 : i32
      %dma_start3A_177 = arith.constant 0 : i32
      %dma_start3A_178 = tpu.memref_slice %arg7[%dma_start3A_176, %dma_start3A_177] : memref<10240x64xbf16, #tpu.memory_space<vmem_shared>> -> memref<10240x64xbf16, #tpu.memory_space<vmem_shared>>
      tpu.enqueue_indirect_dma source(%dma_start3A_172 : memref<128x64xbf16, #tpu.memory_space<vmem>>) target(%dma_start3A_178 : memref<10240x64xbf16, #tpu.memory_space<vmem_shared>>) offsets(%dma_start3A_175 : memref<128xi32, #tpu.memory_space<vmem>>) semaphore(%arg13 : memref<!tpu.dma_semaphore, #tpu.memory_space<semaphore_mem>>) {add = true}
      %gt3A = arith.constant 0 : i32
      %gt3A_179 = arith.cmpi sgt, %mul3A_116, %gt3A : i32
      %convert_element_type3A_180 = arith.extui %gt3A_179 : i1 to i32
      %cond3A_181 = arith.constant 0 : i32
      %cond3A_182 = arith.cmpi ne, %convert_element_type3A_180, %cond3A_181 : i32
      scf.if %cond3A_182 {
        %dma_wait3A_264 = arith.constant 2 : i32
        %dma_wait3A_265 = arith.constant 0 : i32
        %dma_wait3A_266 = arith.constant 0 : i32
        %dma_wait3A_267 = tpu.memref_slice %arg6[%dma_wait3A_264, %dma_wait3A_265, %dma_wait3A_266] : memref<4x128x64xbf16, #tpu.memory_space<vmem>> -> memref<1x128x64xbf16, #tpu.memory_space<vmem>>
        %dma_wait3A_268 = tpu.memref_squeeze %dma_wait3A_267 : memref<1x128x64xbf16, #tpu.memory_space<vmem>> -> memref<128x64xbf16, #tpu.memory_space<vmem>>
        %dma_wait3A_269 = arith.constant 0 : i32
        %dma_wait3A_270 = arith.constant 0 : i32
        %dma_wait3A_271 = tpu.memref_slice %arg7[%dma_wait3A_269, %dma_wait3A_270] : memref<10240x64xbf16, #tpu.memory_space<vmem_shared>> -> memref<128x64xbf16, #tpu.memory_space<vmem_shared>>
        %dma_wait3A_272 = arith.constant 0 : i32
        %dma_wait3A_273 = arith.constant 0 : i32
        %dma_wait3A_274 = tpu.memref_slice %arg7[%dma_wait3A_272, %dma_wait3A_273] : memref<10240x64xbf16, #tpu.memory_space<vmem_shared>> -> memref<128x64xbf16, #tpu.memory_space<vmem_shared>>
        %dma_wait3A_275 = arith.constant 0 : i32
        %dma_wait3A_276 = arith.constant 0 : i32
        %dma_wait3A_277 = tpu.memref_slice %arg6[%dma_wait3A_264, %dma_wait3A_275, %dma_wait3A_276] : memref<4x128x64xbf16, #tpu.memory_space<vmem>> -> memref<1x128x64xbf16, #tpu.memory_space<vmem>>
        %dma_wait3A_278 = tpu.memref_squeeze %dma_wait3A_277 : memref<1x128x64xbf16, #tpu.memory_space<vmem>> -> memref<128x64xbf16, #tpu.memory_space<vmem>>
        tpu.wait_dma2 semaphore(%arg14 : memref<!tpu.dma_semaphore, #tpu.memory_space<semaphore_mem>>) src(%dma_wait3A_278 : memref<128x64xbf16, #tpu.memory_space<vmem>>) dst(%dma_wait3A_274 : memref<128x64xbf16, #tpu.memory_space<vmem_shared>>)
        %dma_wait3A_279 = arith.constant 3 : i32
        %dma_wait3A_280 = arith.constant 0 : i32
        %dma_wait3A_281 = arith.constant 0 : i32
        %dma_wait3A_282 = tpu.memref_slice %arg6[%dma_wait3A_279, %dma_wait3A_280, %dma_wait3A_281] : memref<4x128x64xbf16, #tpu.memory_space<vmem>> -> memref<1x128x64xbf16, #tpu.memory_space<vmem>>
        %dma_wait3A_283 = tpu.memref_squeeze %dma_wait3A_282 : memref<1x128x64xbf16, #tpu.memory_space<vmem>> -> memref<128x64xbf16, #tpu.memory_space<vmem>>
        %dma_wait3A_284 = arith.constant 0 : i32
        %dma_wait3A_285 = arith.constant 0 : i32
        %dma_wait3A_286 = tpu.memref_slice %arg7[%dma_wait3A_284, %dma_wait3A_285] : memref<10240x64xbf16, #tpu.memory_space<vmem_shared>> -> memref<128x64xbf16, #tpu.memory_space<vmem_shared>>
        %dma_wait3A_287 = arith.constant 0 : i32
        %dma_wait3A_288 = arith.constant 0 : i32
        %dma_wait3A_289 = tpu.memref_slice %arg7[%dma_wait3A_287, %dma_wait3A_288] : memref<10240x64xbf16, #tpu.memory_space<vmem_shared>> -> memref<128x64xbf16, #tpu.memory_space<vmem_shared>>
        %dma_wait3A_290 = arith.constant 0 : i32
        %dma_wait3A_291 = arith.constant 0 : i32
        %dma_wait3A_292 = tpu.memref_slice %arg6[%dma_wait3A_279, %dma_wait3A_290, %dma_wait3A_291] : memref<4x128x64xbf16, #tpu.memory_space<vmem>> -> memref<1x128x64xbf16, #tpu.memory_space<vmem>>
        %dma_wait3A_293 = tpu.memref_squeeze %dma_wait3A_292 : memref<1x128x64xbf16, #tpu.memory_space<vmem>> -> memref<128x64xbf16, #tpu.memory_space<vmem>>
        tpu.wait_dma2 semaphore(%arg15 : memref<!tpu.dma_semaphore, #tpu.memory_space<semaphore_mem>>) src(%dma_wait3A_293 : memref<128x64xbf16, #tpu.memory_space<vmem>>) dst(%dma_wait3A_289 : memref<128x64xbf16, #tpu.memory_space<vmem_shared>>)
      } else {
      }
      %lt3A_183 = arith.constant 77 : i32
      %lt3A_184 = arith.cmpi slt, %mul3A_116, %lt3A_183 : i32
      %convert_element_type3A_185 = arith.extui %lt3A_184 : i1 to i32
      %cond3A_186 = arith.constant 0 : i32
      %cond3A_187 = arith.cmpi ne, %convert_element_type3A_185, %cond3A_186 : i32
      scf.if %cond3A_187 {
        %add3A_264 = arith.constant 2 : i32
        %add3A_265 = arith.addi %mul3A_118, %add3A_264 : i32
        %dma_start3A_266 = arith.constant 0 : i32
        %dma_start3A_267 = arith.constant 2 : i32
        %dma_start3A_268 = arith.constant 0 : i32
        %dma_start3A_269 = arith.constant 0 : i32
        %dma_start3A_270 = tpu.memref_slice %arg6[%dma_start3A_267, %dma_start3A_268, %dma_start3A_269] : memref<4x128x64xbf16, #tpu.memory_space<vmem>> -> memref<1x128x64xbf16, #tpu.memory_space<vmem>>
        %dma_start3A_271 = tpu.memref_squeeze %dma_start3A_270 : memref<1x128x64xbf16, #tpu.memory_space<vmem>> -> memref<128x64xbf16, #tpu.memory_space<vmem>>
        %dma_start3A_272 = arith.constant 0 : i32
        %dma_start3A_273 = tpu.memref_slice %arg5[%add3A_265, %dma_start3A_266, %dma_start3A_272] : memref<157x2x128xi32, #tpu.memory_space<vmem>> -> memref<1x1x128xi32, #tpu.memory_space<vmem>>
        %dma_start3A_274 = tpu.memref_squeeze %dma_start3A_273 : memref<1x1x128xi32, #tpu.memory_space<vmem>> -> memref<128xi32, #tpu.memory_space<vmem>>
        %dma_start3A_275 = arith.constant 0 : i32
        %dma_start3A_276 = arith.constant 0 : i32
        %dma_start3A_277 = tpu.memref_slice %arg2[%arg0, %dma_start3A_275, %dma_start3A_276] : memref<2x10000x64xbf16, #tpu.memory_space<hbm>> -> memref<1x10000x64xbf16, #tpu.memory_space<hbm>>
        %dma_start3A_278 = tpu.memref_squeeze %dma_start3A_277 : memref<1x10000x64xbf16, #tpu.memory_space<hbm>> -> memref<10000x64xbf16, #tpu.memory_space<hbm>>
        %dma_start3A_279 = arith.constant 0 : i32
        %dma_start3A_280 = arith.constant 0 : i32
        %dma_start3A_281 = tpu.memref_slice %dma_start3A_278[%dma_start3A_279, %dma_start3A_280] : memref<10000x64xbf16, #tpu.memory_space<hbm>> -> memref<10000x64xbf16, #tpu.memory_space<hbm>>
        tpu.enqueue_indirect_dma source(%dma_start3A_281 : memref<10000x64xbf16, #tpu.memory_space<hbm>>) target(%dma_start3A_271 : memref<128x64xbf16, #tpu.memory_space<vmem>>) offsets(%dma_start3A_274 : memref<128xi32, #tpu.memory_space<vmem>>) semaphore(%arg10 : memref<!tpu.dma_semaphore, #tpu.memory_space<semaphore_mem>>)
        %add3A_282 = arith.constant 3 : i32
        %add3A_283 = arith.addi %mul3A_118, %add3A_282 : i32
        %dma_start3A_284 = arith.constant 0 : i32
        %dma_start3A_285 = arith.constant 3 : i32
        %dma_start3A_286 = arith.constant 0 : i32
        %dma_start3A_287 = arith.constant 0 : i32
        %dma_start3A_288 = tpu.memref_slice %arg6[%dma_start3A_285, %dma_start3A_286, %dma_start3A_287] : memref<4x128x64xbf16, #tpu.memory_space<vmem>> -> memref<1x128x64xbf16, #tpu.memory_space<vmem>>
        %dma_start3A_289 = tpu.memref_squeeze %dma_start3A_288 : memref<1x128x64xbf16, #tpu.memory_space<vmem>> -> memref<128x64xbf16, #tpu.memory_space<vmem>>
        %dma_start3A_290 = arith.constant 0 : i32
        %dma_start3A_291 = tpu.memref_slice %arg5[%add3A_283, %dma_start3A_284, %dma_start3A_290] : memref<157x2x128xi32, #tpu.memory_space<vmem>> -> memref<1x1x128xi32, #tpu.memory_space<vmem>>
        %dma_start3A_292 = tpu.memref_squeeze %dma_start3A_291 : memref<1x1x128xi32, #tpu.memory_space<vmem>> -> memref<128xi32, #tpu.memory_space<vmem>>
        %dma_start3A_293 = arith.constant 0 : i32
        %dma_start3A_294 = arith.constant 0 : i32
        %dma_start3A_295 = tpu.memref_slice %arg2[%arg0, %dma_start3A_293, %dma_start3A_294] : memref<2x10000x64xbf16, #tpu.memory_space<hbm>> -> memref<1x10000x64xbf16, #tpu.memory_space<hbm>>
        %dma_start3A_296 = tpu.memref_squeeze %dma_start3A_295 : memref<1x10000x64xbf16, #tpu.memory_space<hbm>> -> memref<10000x64xbf16, #tpu.memory_space<hbm>>
        %dma_start3A_297 = arith.constant 0 : i32
        %dma_start3A_298 = arith.constant 0 : i32
        %dma_start3A_299 = tpu.memref_slice %dma_start3A_296[%dma_start3A_297, %dma_start3A_298] : memref<10000x64xbf16, #tpu.memory_space<hbm>> -> memref<10000x64xbf16, #tpu.memory_space<hbm>>
        tpu.enqueue_indirect_dma source(%dma_start3A_299 : memref<10000x64xbf16, #tpu.memory_space<hbm>>) target(%dma_start3A_289 : memref<128x64xbf16, #tpu.memory_space<vmem>>) offsets(%dma_start3A_292 : memref<128xi32, #tpu.memory_space<vmem>>) semaphore(%arg11 : memref<!tpu.dma_semaphore, #tpu.memory_space<semaphore_mem>>)
      } else {
      }
      %mul3A_188 = arith.constant 2 : i32
      %mul3A_189 = arith.muli %mul3A_188, %scan3A_114 : i32
      %add3A_190 = arith.constant 1 : i32
      %add3A_191 = arith.addi %mul3A_189, %add3A_190 : i32
      %mul3A_192 = arith.constant 2 : i32
      %mul3A_193 = arith.muli %mul3A_192, %add3A_191 : i32
      %dma_wait3A_194 = arith.constant 0 : i32
      %dma_wait3A_195 = arith.constant 2 : i32
      %dma_wait3A_196 = arith.constant 0 : i32
      %dma_wait3A_197 = arith.constant 0 : i32
      %dma_wait3A_198 = tpu.memref_slice %arg6[%dma_wait3A_195, %dma_wait3A_196, %dma_wait3A_197] : memref<4x128x64xbf16, #tpu.memory_space<vmem>> -> memref<1x128x64xbf16, #tpu.memory_space<vmem>>
      %dma_wait3A_199 = tpu.memref_squeeze %dma_wait3A_198 : memref<1x128x64xbf16, #tpu.memory_space<vmem>> -> memref<128x64xbf16, #tpu.memory_space<vmem>>
      %dma_wait3A_200 = arith.constant 0 : i32
      %dma_wait3A_201 = tpu.memref_slice %arg5[%mul3A_193, %dma_wait3A_194, %dma_wait3A_200] : memref<157x2x128xi32, #tpu.memory_space<vmem>> -> memref<1x1x128xi32, #tpu.memory_space<vmem>>
      %dma_wait3A_202 = tpu.memref_squeeze %dma_wait3A_201 : memref<1x1x128xi32, #tpu.memory_space<vmem>> -> memref<128xi32, #tpu.memory_space<vmem>>
      %dma_wait3A_203 = arith.constant 0 : i32
      %dma_wait3A_204 = arith.constant 0 : i32
      %dma_wait3A_205 = tpu.memref_slice %arg2[%arg0, %dma_wait3A_203, %dma_wait3A_204] : memref<2x10000x64xbf16, #tpu.memory_space<hbm>> -> memref<1x10000x64xbf16, #tpu.memory_space<hbm>>
      %dma_wait3A_206 = tpu.memref_squeeze %dma_wait3A_205 : memref<1x10000x64xbf16, #tpu.memory_space<hbm>> -> memref<10000x64xbf16, #tpu.memory_space<hbm>>
      %dma_wait3A_207 = arith.constant 0 : i32
      %dma_wait3A_208 = arith.constant 0 : i32
      %dma_wait3A_209 = tpu.memref_slice %dma_wait3A_206[%dma_wait3A_207, %dma_wait3A_208] : memref<10000x64xbf16, #tpu.memory_space<hbm>> -> memref<10000x64xbf16, #tpu.memory_space<hbm>>
      tpu.wait_indirect_dma semaphore(%arg10 : memref<!tpu.dma_semaphore, #tpu.memory_space<semaphore_mem>>) src(%dma_wait3A_209 : memref<10000x64xbf16, #tpu.memory_space<hbm>>) dst(%dma_wait3A_199 : memref<128x64xbf16, #tpu.memory_space<vmem>>)
      %dma_start3A_210 = arith.constant 2 : i32
      %dma_start3A_211 = arith.constant 1 : i32
      %dma_start3A_212 = arith.constant 0 : i32
      %dma_start3A_213 = arith.constant 0 : i32
      %dma_start3A_214 = tpu.memref_slice %arg6[%dma_start3A_210, %dma_start3A_212, %dma_start3A_213] : memref<4x128x64xbf16, #tpu.memory_space<vmem>> -> memref<1x128x64xbf16, #tpu.memory_space<vmem>>
      %dma_start3A_215 = tpu.memref_squeeze %dma_start3A_214 : memref<1x128x64xbf16, #tpu.memory_space<vmem>> -> memref<128x64xbf16, #tpu.memory_space<vmem>>
      %dma_start3A_216 = arith.constant 0 : i32
      %dma_start3A_217 = tpu.memref_slice %arg5[%mul3A_193, %dma_start3A_211, %dma_start3A_216] : memref<157x2x128xi32, #tpu.memory_space<vmem>> -> memref<1x1x128xi32, #tpu.memory_space<vmem>>
      %dma_start3A_218 = tpu.memref_squeeze %dma_start3A_217 : memref<1x1x128xi32, #tpu.memory_space<vmem>> -> memref<128xi32, #tpu.memory_space<vmem>>
      %dma_start3A_219 = arith.constant 0 : i32
      %dma_start3A_220 = arith.constant 0 : i32
      %dma_start3A_221 = tpu.memref_slice %arg7[%dma_start3A_219, %dma_start3A_220] : memref<10240x64xbf16, #tpu.memory_space<vmem_shared>> -> memref<10240x64xbf16, #tpu.memory_space<vmem_shared>>
      tpu.enqueue_indirect_dma source(%dma_start3A_215 : memref<128x64xbf16, #tpu.memory_space<vmem>>) target(%dma_start3A_221 : memref<10240x64xbf16, #tpu.memory_space<vmem_shared>>) offsets(%dma_start3A_218 : memref<128xi32, #tpu.memory_space<vmem>>) semaphore(%arg14 : memref<!tpu.dma_semaphore, #tpu.memory_space<semaphore_mem>>) {add = true}
      %add3A_222 = arith.constant 1 : i32
      %add3A_223 = arith.addi %mul3A_193, %add3A_222 : i32
      %dma_wait3A_224 = arith.constant 0 : i32
      %dma_wait3A_225 = arith.constant 3 : i32
      %dma_wait3A_226 = arith.constant 0 : i32
      %dma_wait3A_227 = arith.constant 0 : i32
      %dma_wait3A_228 = tpu.memref_slice %arg6[%dma_wait3A_225, %dma_wait3A_226, %dma_wait3A_227] : memref<4x128x64xbf16, #tpu.memory_space<vmem>> -> memref<1x128x64xbf16, #tpu.memory_space<vmem>>
      %dma_wait3A_229 = tpu.memref_squeeze %dma_wait3A_228 : memref<1x128x64xbf16, #tpu.memory_space<vmem>> -> memref<128x64xbf16, #tpu.memory_space<vmem>>
      %dma_wait3A_230 = arith.constant 0 : i32
      %dma_wait3A_231 = tpu.memref_slice %arg5[%add3A_223, %dma_wait3A_224, %dma_wait3A_230] : memref<157x2x128xi32, #tpu.memory_space<vmem>> -> memref<1x1x128xi32, #tpu.memory_space<vmem>>
      %dma_wait3A_232 = tpu.memref_squeeze %dma_wait3A_231 : memref<1x1x128xi32, #tpu.memory_space<vmem>> -> memref<128xi32, #tpu.memory_space<vmem>>
      %dma_wait3A_233 = arith.constant 0 : i32
      %dma_wait3A_234 = arith.constant 0 : i32
      %dma_wait3A_235 = tpu.memref_slice %arg2[%arg0, %dma_wait3A_233, %dma_wait3A_234] : memref<2x10000x64xbf16, #tpu.memory_space<hbm>> -> memref<1x10000x64xbf16, #tpu.memory_space<hbm>>
      %dma_wait3A_236 = tpu.memref_squeeze %dma_wait3A_235 : memref<1x10000x64xbf16, #tpu.memory_space<hbm>> -> memref<10000x64xbf16, #tpu.memory_space<hbm>>
      %dma_wait3A_237 = arith.constant 0 : i32
      %dma_wait3A_238 = arith.constant 0 : i32
      %dma_wait3A_239 = tpu.memref_slice %dma_wait3A_236[%dma_wait3A_237, %dma_wait3A_238] : memref<10000x64xbf16, #tpu.memory_space<hbm>> -> memref<10000x64xbf16, #tpu.memory_space<hbm>>
      tpu.wait_indirect_dma semaphore(%arg11 : memref<!tpu.dma_semaphore, #tpu.memory_space<semaphore_mem>>) src(%dma_wait3A_239 : memref<10000x64xbf16, #tpu.memory_space<hbm>>) dst(%dma_wait3A_229 : memref<128x64xbf16, #tpu.memory_space<vmem>>)
      %add3A_240 = arith.constant 1 : i32
      %add3A_241 = arith.addi %mul3A_193, %add3A_240 : i32
      %dma_start3A_242 = arith.constant 3 : i32
      %dma_start3A_243 = arith.constant 1 : i32
      %dma_start3A_244 = arith.constant 0 : i32
      %dma_start3A_245 = arith.constant 0 : i32
      %dma_start3A_246 = tpu.memref_slice %arg6[%dma_start3A_242, %dma_start3A_244, %dma_start3A_245] : memref<4x128x64xbf16, #tpu.memory_space<vmem>> -> memref<1x128x64xbf16, #tpu.memory_space<vmem>>
      %dma_start3A_247 = tpu.memref_squeeze %dma_start3A_246 : memref<1x128x64xbf16, #tpu.memory_space<vmem>> -> memref<128x64xbf16, #tpu.memory_space<vmem>>
      %dma_start3A_248 = arith.constant 0 : i32
      %dma_start3A_249 = tpu.memref_slice %arg5[%add3A_241, %dma_start3A_243, %dma_start3A_248] : memref<157x2x128xi32, #tpu.memory_space<vmem>> -> memref<1x1x128xi32, #tpu.memory_space<vmem>>
      %dma_start3A_250 = tpu.memref_squeeze %dma_start3A_249 : memref<1x1x128xi32, #tpu.memory_space<vmem>> -> memref<128xi32, #tpu.memory_space<vmem>>
      %dma_start3A_251 = arith.constant 0 : i32
      %dma_start3A_252 = arith.constant 0 : i32
      %dma_start3A_253 = tpu.memref_slice %arg7[%dma_start3A_251, %dma_start3A_252] : memref<10240x64xbf16, #tpu.memory_space<vmem_shared>> -> memref<10240x64xbf16, #tpu.memory_space<vmem_shared>>
      tpu.enqueue_indirect_dma source(%dma_start3A_247 : memref<128x64xbf16, #tpu.memory_space<vmem>>) target(%dma_start3A_253 : memref<10240x64xbf16, #tpu.memory_space<vmem_shared>>) offsets(%dma_start3A_250 : memref<128xi32, #tpu.memory_space<vmem>>) semaphore(%arg15 : memref<!tpu.dma_semaphore, #tpu.memory_space<semaphore_mem>>) {add = true}
      %gt3A_254 = arith.constant 0 : i32
      %gt3A_255 = arith.cmpi sgt, %add3A_191, %gt3A_254 : i32
      %convert_element_type3A_256 = arith.extui %gt3A_255 : i1 to i32
      %cond3A_257 = arith.constant 0 : i32
      %cond3A_258 = arith.cmpi ne, %convert_element_type3A_256, %cond3A_257 : i32
      scf.if %cond3A_258 {
        %dma_wait3A_264 = arith.constant 0 : i32
        %dma_wait3A_265 = arith.constant 0 : i32
        %dma_wait3A_266 = arith.constant 0 : i32
        %dma_wait3A_267 = tpu.memref_slice %arg6[%dma_wait3A_264, %dma_wait3A_265, %dma_wait3A_266] : memref<4x128x64xbf16, #tpu.memory_space<vmem>> -> memref<1x128x64xbf16, #tpu.memory_space<vmem>>
        %dma_wait3A_268 = tpu.memref_squeeze %dma_wait3A_267 : memref<1x128x64xbf16, #tpu.memory_space<vmem>> -> memref<128x64xbf16, #tpu.memory_space<vmem>>
        %dma_wait3A_269 = arith.constant 0 : i32
        %dma_wait3A_270 = arith.constant 0 : i32
        %dma_wait3A_271 = tpu.memref_slice %arg7[%dma_wait3A_269, %dma_wait3A_270] : memref<10240x64xbf16, #tpu.memory_space<vmem_shared>> -> memref<128x64xbf16, #tpu.memory_space<vmem_shared>>
        %dma_wait3A_272 = arith.constant 0 : i32
        %dma_wait3A_273 = arith.constant 0 : i32
        %dma_wait3A_274 = tpu.memref_slice %arg7[%dma_wait3A_272, %dma_wait3A_273] : memref<10240x64xbf16, #tpu.memory_space<vmem_shared>> -> memref<128x64xbf16, #tpu.memory_space<vmem_shared>>
        %dma_wait3A_275 = arith.constant 0 : i32
        %dma_wait3A_276 = arith.constant 0 : i32
        %dma_wait3A_277 = tpu.memref_slice %arg6[%dma_wait3A_264, %dma_wait3A_275, %dma_wait3A_276] : memref<4x128x64xbf16, #tpu.memory_space<vmem>> -> memref<1x128x64xbf16, #tpu.memory_space<vmem>>
        %dma_wait3A_278 = tpu.memref_squeeze %dma_wait3A_277 : memref<1x128x64xbf16, #tpu.memory_space<vmem>> -> memref<128x64xbf16, #tpu.memory_space<vmem>>
        tpu.wait_dma2 semaphore(%arg12 : memref<!tpu.dma_semaphore, #tpu.memory_space<semaphore_mem>>) src(%dma_wait3A_278 : memref<128x64xbf16, #tpu.memory_space<vmem>>) dst(%dma_wait3A_274 : memref<128x64xbf16, #tpu.memory_space<vmem_shared>>)
        %dma_wait3A_279 = arith.constant 1 : i32
        %dma_wait3A_280 = arith.constant 0 : i32
        %dma_wait3A_281 = arith.constant 0 : i32
        %dma_wait3A_282 = tpu.memref_slice %arg6[%dma_wait3A_279, %dma_wait3A_280, %dma_wait3A_281] : memref<4x128x64xbf16, #tpu.memory_space<vmem>> -> memref<1x128x64xbf16, #tpu.memory_space<vmem>>
        %dma_wait3A_283 = tpu.memref_squeeze %dma_wait3A_282 : memref<1x128x64xbf16, #tpu.memory_space<vmem>> -> memref<128x64xbf16, #tpu.memory_space<vmem>>
        %dma_wait3A_284 = arith.constant 0 : i32
        %dma_wait3A_285 = arith.constant 0 : i32
        %dma_wait3A_286 = tpu.memref_slice %arg7[%dma_wait3A_284, %dma_wait3A_285] : memref<10240x64xbf16, #tpu.memory_space<vmem_shared>> -> memref<128x64xbf16, #tpu.memory_space<vmem_shared>>
        %dma_wait3A_287 = arith.constant 0 : i32
        %dma_wait3A_288 = arith.constant 0 : i32
        %dma_wait3A_289 = tpu.memref_slice %arg7[%dma_wait3A_287, %dma_wait3A_288] : memref<10240x64xbf16, #tpu.memory_space<vmem_shared>> -> memref<128x64xbf16, #tpu.memory_space<vmem_shared>>
        %dma_wait3A_290 = arith.constant 0 : i32
        %dma_wait3A_291 = arith.constant 0 : i32
        %dma_wait3A_292 = tpu.memref_slice %arg6[%dma_wait3A_279, %dma_wait3A_290, %dma_wait3A_291] : memref<4x128x64xbf16, #tpu.memory_space<vmem>> -> memref<1x128x64xbf16, #tpu.memory_space<vmem>>
        %dma_wait3A_293 = tpu.memref_squeeze %dma_wait3A_292 : memref<1x128x64xbf16, #tpu.memory_space<vmem>> -> memref<128x64xbf16, #tpu.memory_space<vmem>>
        tpu.wait_dma2 semaphore(%arg13 : memref<!tpu.dma_semaphore, #tpu.memory_space<semaphore_mem>>) src(%dma_wait3A_293 : memref<128x64xbf16, #tpu.memory_space<vmem>>) dst(%dma_wait3A_289 : memref<128x64xbf16, #tpu.memory_space<vmem_shared>>)
      } else {
      }
      %lt3A_259 = arith.constant 77 : i32
      %lt3A_260 = arith.cmpi slt, %add3A_191, %lt3A_259 : i32
      %convert_element_type3A_261 = arith.extui %lt3A_260 : i1 to i32
      %cond3A_262 = arith.constant 0 : i32
      %cond3A_263 = arith.cmpi ne, %convert_element_type3A_261, %cond3A_262 : i32
      scf.if %cond3A_263 {
        %add3A_264 = arith.constant 2 : i32
        %add3A_265 = arith.addi %mul3A_193, %add3A_264 : i32
        %dma_start3A_266 = arith.constant 0 : i32
        %dma_start3A_267 = arith.constant 0 : i32
        %dma_start3A_268 = arith.constant 0 : i32
        %dma_start3A_269 = arith.constant 0 : i32
        %dma_start3A_270 = tpu.memref_slice %arg6[%dma_start3A_267, %dma_start3A_268, %dma_start3A_269] : memref<4x128x64xbf16, #tpu.memory_space<vmem>> -> memref<1x128x64xbf16, #tpu.memory_space<vmem>>
        %dma_start3A_271 = tpu.memref_squeeze %dma_start3A_270 : memref<1x128x64xbf16, #tpu.memory_space<vmem>> -> memref<128x64xbf16, #tpu.memory_space<vmem>>
        %dma_start3A_272 = arith.constant 0 : i32
        %dma_start3A_273 = tpu.memref_slice %arg5[%add3A_265, %dma_start3A_266, %dma_start3A_272] : memref<157x2x128xi32, #tpu.memory_space<vmem>> -> memref<1x1x128xi32, #tpu.memory_space<vmem>>
        %dma_start3A_274 = tpu.memref_squeeze %dma_start3A_273 : memref<1x1x128xi32, #tpu.memory_space<vmem>> -> memref<128xi32, #tpu.memory_space<vmem>>
        %dma_start3A_275 = arith.constant 0 : i32
        %dma_start3A_276 = arith.constant 0 : i32
        %dma_start3A_277 = tpu.memref_slice %arg2[%arg0, %dma_start3A_275, %dma_start3A_276] : memref<2x10000x64xbf16, #tpu.memory_space<hbm>> -> memref<1x10000x64xbf16, #tpu.memory_space<hbm>>
        %dma_start3A_278 = tpu.memref_squeeze %dma_start3A_277 : memref<1x10000x64xbf16, #tpu.memory_space<hbm>> -> memref<10000x64xbf16, #tpu.memory_space<hbm>>
        %dma_start3A_279 = arith.constant 0 : i32
        %dma_start3A_280 = arith.constant 0 : i32
        %dma_start3A_281 = tpu.memref_slice %dma_start3A_278[%dma_start3A_279, %dma_start3A_280] : memref<10000x64xbf16, #tpu.memory_space<hbm>> -> memref<10000x64xbf16, #tpu.memory_space<hbm>>
        tpu.enqueue_indirect_dma source(%dma_start3A_281 : memref<10000x64xbf16, #tpu.memory_space<hbm>>) target(%dma_start3A_271 : memref<128x64xbf16, #tpu.memory_space<vmem>>) offsets(%dma_start3A_274 : memref<128xi32, #tpu.memory_space<vmem>>) semaphore(%arg8 : memref<!tpu.dma_semaphore, #tpu.memory_space<semaphore_mem>>)
        %add3A_282 = arith.constant 3 : i32
        %add3A_283 = arith.addi %mul3A_193, %add3A_282 : i32
        %dma_start3A_284 = arith.constant 0 : i32
        %dma_start3A_285 = arith.constant 1 : i32
        %dma_start3A_286 = arith.constant 0 : i32
        %dma_start3A_287 = arith.constant 0 : i32
        %dma_start3A_288 = tpu.memref_slice %arg6[%dma_start3A_285, %dma_start3A_286, %dma_start3A_287] : memref<4x128x64xbf16, #tpu.memory_space<vmem>> -> memref<1x128x64xbf16, #tpu.memory_space<vmem>>
        %dma_start3A_289 = tpu.memref_squeeze %dma_start3A_288 : memref<1x128x64xbf16, #tpu.memory_space<vmem>> -> memref<128x64xbf16, #tpu.memory_space<vmem>>
        %dma_start3A_290 = arith.constant 0 : i32
        %dma_start3A_291 = tpu.memref_slice %arg5[%add3A_283, %dma_start3A_284, %dma_start3A_290] : memref<157x2x128xi32, #tpu.memory_space<vmem>> -> memref<1x1x128xi32, #tpu.memory_space<vmem>>
        %dma_start3A_292 = tpu.memref_squeeze %dma_start3A_291 : memref<1x1x128xi32, #tpu.memory_space<vmem>> -> memref<128xi32, #tpu.memory_space<vmem>>
        %dma_start3A_293 = arith.constant 0 : i32
        %dma_start3A_294 = arith.constant 0 : i32
        %dma_start3A_295 = tpu.memref_slice %arg2[%arg0, %dma_start3A_293, %dma_start3A_294] : memref<2x10000x64xbf16, #tpu.memory_space<hbm>> -> memref<1x10000x64xbf16, #tpu.memory_space<hbm>>
        %dma_start3A_296 = tpu.memref_squeeze %dma_start3A_295 : memref<1x10000x64xbf16, #tpu.memory_space<hbm>> -> memref<10000x64xbf16, #tpu.memory_space<hbm>>
        %dma_start3A_297 = arith.constant 0 : i32
        %dma_start3A_298 = arith.constant 0 : i32
        %dma_start3A_299 = tpu.memref_slice %dma_start3A_296[%dma_start3A_297, %dma_start3A_298] : memref<10000x64xbf16, #tpu.memory_space<hbm>> -> memref<10000x64xbf16, #tpu.memory_space<hbm>>
        tpu.enqueue_indirect_dma source(%dma_start3A_299 : memref<10000x64xbf16, #tpu.memory_space<hbm>>) target(%dma_start3A_289 : memref<128x64xbf16, #tpu.memory_space<vmem>>) offsets(%dma_start3A_292 : memref<128xi32, #tpu.memory_space<vmem>>) semaphore(%arg9 : memref<!tpu.dma_semaphore, #tpu.memory_space<semaphore_mem>>)
      } else {
      }
    }
    %scan3A_69 = arith.constant 39 : i32
    %dma_wait3A = arith.constant 2 : i32
    %dma_wait3A_70 = arith.constant 0 : i32
    %dma_wait3A_71 = arith.constant 0 : i32
    %dma_wait3A_72 = tpu.memref_slice %arg6[%dma_wait3A, %dma_wait3A_70, %dma_wait3A_71] : memref<4x128x64xbf16, #tpu.memory_space<vmem>> -> memref<1x128x64xbf16, #tpu.memory_space<vmem>>
    %dma_wait3A_73 = tpu.memref_squeeze %dma_wait3A_72 : memref<1x128x64xbf16, #tpu.memory_space<vmem>> -> memref<128x64xbf16, #tpu.memory_space<vmem>>
    %dma_wait3A_74 = arith.constant 0 : i32
    %dma_wait3A_75 = arith.constant 0 : i32
    %dma_wait3A_76 = tpu.memref_slice %arg7[%dma_wait3A_74, %dma_wait3A_75] : memref<10240x64xbf16, #tpu.memory_space<vmem_shared>> -> memref<128x64xbf16, #tpu.memory_space<vmem_shared>>
    %dma_wait3A_77 = arith.constant 0 : i32
    %dma_wait3A_78 = arith.constant 0 : i32
    %dma_wait3A_79 = tpu.memref_slice %arg7[%dma_wait3A_77, %dma_wait3A_78] : memref<10240x64xbf16, #tpu.memory_space<vmem_shared>> -> memref<128x64xbf16, #tpu.memory_space<vmem_shared>>
    %dma_wait3A_80 = arith.constant 0 : i32
    %dma_wait3A_81 = arith.constant 0 : i32
    %dma_wait3A_82 = tpu.memref_slice %arg6[%dma_wait3A, %dma_wait3A_80, %dma_wait3A_81] : memref<4x128x64xbf16, #tpu.memory_space<vmem>> -> memref<1x128x64xbf16, #tpu.memory_space<vmem>>
    %dma_wait3A_83 = tpu.memref_squeeze %dma_wait3A_82 : memref<1x128x64xbf16, #tpu.memory_space<vmem>> -> memref<128x64xbf16, #tpu.memory_space<vmem>>
    tpu.wait_dma2 semaphore(%arg14 : memref<!tpu.dma_semaphore, #tpu.memory_space<semaphore_mem>>) src(%dma_wait3A_83 : memref<128x64xbf16, #tpu.memory_space<vmem>>) dst(%dma_wait3A_79 : memref<128x64xbf16, #tpu.memory_space<vmem_shared>>)
    %dma_wait3A_84 = arith.constant 3 : i32
    %dma_wait3A_85 = arith.constant 0 : i32
    %dma_wait3A_86 = arith.constant 0 : i32
    %dma_wait3A_87 = tpu.memref_slice %arg6[%dma_wait3A_84, %dma_wait3A_85, %dma_wait3A_86] : memref<4x128x64xbf16, #tpu.memory_space<vmem>> -> memref<1x128x64xbf16, #tpu.memory_space<vmem>>
    %dma_wait3A_88 = tpu.memref_squeeze %dma_wait3A_87 : memref<1x128x64xbf16, #tpu.memory_space<vmem>> -> memref<128x64xbf16, #tpu.memory_space<vmem>>
    %dma_wait3A_89 = arith.constant 0 : i32
    %dma_wait3A_90 = arith.constant 0 : i32
    %dma_wait3A_91 = tpu.memref_slice %arg7[%dma_wait3A_89, %dma_wait3A_90] : memref<10240x64xbf16, #tpu.memory_space<vmem_shared>> -> memref<128x64xbf16, #tpu.memory_space<vmem_shared>>
    %dma_wait3A_92 = arith.constant 0 : i32
    %dma_wait3A_93 = arith.constant 0 : i32
    %dma_wait3A_94 = tpu.memref_slice %arg7[%dma_wait3A_92, %dma_wait3A_93] : memref<10240x64xbf16, #tpu.memory_space<vmem_shared>> -> memref<128x64xbf16, #tpu.memory_space<vmem_shared>>
    %dma_wait3A_95 = arith.constant 0 : i32
    %dma_wait3A_96 = arith.constant 0 : i32
    %dma_wait3A_97 = tpu.memref_slice %arg6[%dma_wait3A_84, %dma_wait3A_95, %dma_wait3A_96] : memref<4x128x64xbf16, #tpu.memory_space<vmem>> -> memref<1x128x64xbf16, #tpu.memory_space<vmem>>
    %dma_wait3A_98 = tpu.memref_squeeze %dma_wait3A_97 : memref<1x128x64xbf16, #tpu.memory_space<vmem>> -> memref<128x64xbf16, #tpu.memory_space<vmem>>
    tpu.wait_dma2 semaphore(%arg15 : memref<!tpu.dma_semaphore, #tpu.memory_space<semaphore_mem>>) src(%dma_wait3A_98 : memref<128x64xbf16, #tpu.memory_space<vmem>>) dst(%dma_wait3A_94 : memref<128x64xbf16, #tpu.memory_space<vmem_shared>>)
    %lt3A_99 = arith.constant 4 : i32
    %lt3A_100 = arith.cmpi slt, %arg1, %lt3A_99 : i32
    %convert_element_type3A_101 = arith.extui %lt3A_100 : i1 to i32
    %cond3A_102 = arith.constant 0 : i32
    %cond3A_103 = arith.cmpi ne, %convert_element_type3A_101, %cond3A_102 : i32
    scf.if %cond3A_103 {
      %run_scoped3A_114 = arith.constant 156 : i32
      %run_scoped3A_115 = arith.constant 0 : i32
      %run_scoped3A_116 = arith.constant 0 : i32
      "tpu.region"() ({
        %run_scoped3A_120 = tpu.sem_alloc : memref<!tpu.dma_semaphore, #tpu.memory_space<semaphore_mem>>
        %dma_start3A_121 = arith.constant 0 : i32
        %dma_start3A_122 = arith.constant 0 : i32
        %dma_start3A_123 = tpu.memref_slice %arg6[%run_scoped3A_116, %dma_start3A_121, %dma_start3A_122] : memref<4x128x64xbf16, #tpu.memory_space<vmem>> -> memref<1x128x64xbf16, #tpu.memory_space<vmem>>
        %dma_start3A_124 = tpu.memref_squeeze %dma_start3A_123 : memref<1x128x64xbf16, #tpu.memory_space<vmem>> -> memref<128x64xbf16, #tpu.memory_space<vmem>>
        %dma_start3A_125 = arith.constant 0 : i32
        %dma_start3A_126 = tpu.memref_slice %arg5[%run_scoped3A_114, %run_scoped3A_115, %dma_start3A_125] : memref<157x2x128xi32, #tpu.memory_space<vmem>> -> memref<1x1x128xi32, #tpu.memory_space<vmem>>
        %dma_start3A_127 = tpu.memref_squeeze %dma_start3A_126 : memref<1x1x128xi32, #tpu.memory_space<vmem>> -> memref<128xi32, #tpu.memory_space<vmem>>
        %dma_start3A_128 = arith.constant 0 : i32
        %dma_start3A_129 = arith.constant 0 : i32
        %dma_start3A_130 = tpu.memref_slice %arg2[%arg0, %dma_start3A_128, %dma_start3A_129] : memref<2x10000x64xbf16, #tpu.memory_space<hbm>> -> memref<1x10000x64xbf16, #tpu.memory_space<hbm>>
        %dma_start3A_131 = tpu.memref_squeeze %dma_start3A_130 : memref<1x10000x64xbf16, #tpu.memory_space<hbm>> -> memref<10000x64xbf16, #tpu.memory_space<hbm>>
        %dma_start3A_132 = arith.constant 0 : i32
        %dma_start3A_133 = arith.constant 0 : i32
        %dma_start3A_134 = tpu.memref_slice %dma_start3A_131[%dma_start3A_132, %dma_start3A_133] : memref<10000x64xbf16, #tpu.memory_space<hbm>> -> memref<10000x64xbf16, #tpu.memory_space<hbm>>
        tpu.enqueue_indirect_dma source(%dma_start3A_134 : memref<10000x64xbf16, #tpu.memory_space<hbm>>) target(%dma_start3A_124 : memref<128x64xbf16, #tpu.memory_space<vmem>>) offsets(%dma_start3A_127 : memref<128xi32, #tpu.memory_space<vmem>>) semaphore(%run_scoped3A_120 : memref<!tpu.dma_semaphore, #tpu.memory_space<semaphore_mem>>)
        %dma_wait3A_135 = arith.constant 0 : i32
        %dma_wait3A_136 = arith.constant 0 : i32
        %dma_wait3A_137 = tpu.memref_slice %arg6[%run_scoped3A_116, %dma_wait3A_135, %dma_wait3A_136] : memref<4x128x64xbf16, #tpu.memory_space<vmem>> -> memref<1x128x64xbf16, #tpu.memory_space<vmem>>
        %dma_wait3A_138 = tpu.memref_squeeze %dma_wait3A_137 : memref<1x128x64xbf16, #tpu.memory_space<vmem>> -> memref<128x64xbf16, #tpu.memory_space<vmem>>
        %dma_wait3A_139 = arith.constant 0 : i32
        %dma_wait3A_140 = tpu.memref_slice %arg5[%run_scoped3A_114, %run_scoped3A_115, %dma_wait3A_139] : memref<157x2x128xi32, #tpu.memory_space<vmem>> -> memref<1x1x128xi32, #tpu.memory_space<vmem>>
        %dma_wait3A_141 = tpu.memref_squeeze %dma_wait3A_140 : memref<1x1x128xi32, #tpu.memory_space<vmem>> -> memref<128xi32, #tpu.memory_space<vmem>>
        %dma_wait3A_142 = arith.constant 0 : i32
        %dma_wait3A_143 = arith.constant 0 : i32
        %dma_wait3A_144 = tpu.memref_slice %arg2[%arg0, %dma_wait3A_142, %dma_wait3A_143] : memref<2x10000x64xbf16, #tpu.memory_space<hbm>> -> memref<1x10000x64xbf16, #tpu.memory_space<hbm>>
        %dma_wait3A_145 = tpu.memref_squeeze %dma_wait3A_144 : memref<1x10000x64xbf16, #tpu.memory_space<hbm>> -> memref<10000x64xbf16, #tpu.memory_space<hbm>>
        %dma_wait3A_146 = arith.constant 0 : i32
        %dma_wait3A_147 = arith.constant 0 : i32
        %dma_wait3A_148 = tpu.memref_slice %dma_wait3A_145[%dma_wait3A_146, %dma_wait3A_147] : memref<10000x64xbf16, #tpu.memory_space<hbm>> -> memref<10000x64xbf16, #tpu.memory_space<hbm>>
        tpu.wait_indirect_dma semaphore(%run_scoped3A_120 : memref<!tpu.dma_semaphore, #tpu.memory_space<semaphore_mem>>) src(%dma_wait3A_148 : memref<10000x64xbf16, #tpu.memory_space<hbm>>) dst(%dma_wait3A_138 : memref<128x64xbf16, #tpu.memory_space<vmem>>)
        tpu.yield
      }) : () -> ()
      %run_scoped3A_117 = arith.constant 0 : i32
      %run_scoped3A_118 = arith.constant 156 : i32
      %run_scoped3A_119 = arith.constant 1 : i32
      "tpu.region"() ({
        %run_scoped3A_120 = tpu.sem_alloc : memref<!tpu.dma_semaphore, #tpu.memory_space<semaphore_mem>>
        %dma_start3A_121 = arith.constant 0 : i32
        %dma_start3A_122 = arith.constant 0 : i32
        %dma_start3A_123 = tpu.memref_slice %arg6[%run_scoped3A_117, %dma_start3A_121, %dma_start3A_122] : memref<4x128x64xbf16, #tpu.memory_space<vmem>> -> memref<1x128x64xbf16, #tpu.memory_space<vmem>>
        %dma_start3A_124 = tpu.memref_squeeze %dma_start3A_123 : memref<1x128x64xbf16, #tpu.memory_space<vmem>> -> memref<128x64xbf16, #tpu.memory_space<vmem>>
        %dma_start3A_125 = arith.constant 0 : i32
        %dma_start3A_126 = tpu.memref_slice %arg5[%run_scoped3A_118, %run_scoped3A_119, %dma_start3A_125] : memref<157x2x128xi32, #tpu.memory_space<vmem>> -> memref<1x1x128xi32, #tpu.memory_space<vmem>>
        %dma_start3A_127 = tpu.memref_squeeze %dma_start3A_126 : memref<1x1x128xi32, #tpu.memory_space<vmem>> -> memref<128xi32, #tpu.memory_space<vmem>>
        %dma_start3A_128 = arith.constant 0 : i32
        %dma_start3A_129 = arith.constant 0 : i32
        %dma_start3A_130 = tpu.memref_slice %arg7[%dma_start3A_128, %dma_start3A_129] : memref<10240x64xbf16, #tpu.memory_space<vmem_shared>> -> memref<10240x64xbf16, #tpu.memory_space<vmem_shared>>
        tpu.enqueue_indirect_dma source(%dma_start3A_124 : memref<128x64xbf16, #tpu.memory_space<vmem>>) target(%dma_start3A_130 : memref<10240x64xbf16, #tpu.memory_space<vmem_shared>>) offsets(%dma_start3A_127 : memref<128xi32, #tpu.memory_space<vmem>>) semaphore(%run_scoped3A_120 : memref<!tpu.dma_semaphore, #tpu.memory_space<semaphore_mem>>) {add = true}
        %dma_wait3A_131 = arith.constant 0 : i32
        %dma_wait3A_132 = arith.constant 0 : i32
        %dma_wait3A_133 = tpu.memref_slice %arg6[%run_scoped3A_117, %dma_wait3A_131, %dma_wait3A_132] : memref<4x128x64xbf16, #tpu.memory_space<vmem>> -> memref<1x128x64xbf16, #tpu.memory_space<vmem>>
        %dma_wait3A_134 = tpu.memref_squeeze %dma_wait3A_133 : memref<1x128x64xbf16, #tpu.memory_space<vmem>> -> memref<128x64xbf16, #tpu.memory_space<vmem>>
        %dma_wait3A_135 = arith.constant 0 : i32
        %dma_wait3A_136 = tpu.memref_slice %arg5[%run_scoped3A_118, %run_scoped3A_119, %dma_wait3A_135] : memref<157x2x128xi32, #tpu.memory_space<vmem>> -> memref<1x1x128xi32, #tpu.memory_space<vmem>>
        %dma_wait3A_137 = tpu.memref_squeeze %dma_wait3A_136 : memref<1x1x128xi32, #tpu.memory_space<vmem>> -> memref<128xi32, #tpu.memory_space<vmem>>
        %dma_wait3A_138 = arith.constant 0 : i32
        %dma_wait3A_139 = arith.constant 0 : i32
        %dma_wait3A_140 = tpu.memref_slice %arg7[%dma_wait3A_138, %dma_wait3A_139] : memref<10240x64xbf16, #tpu.memory_space<vmem_shared>> -> memref<10240x64xbf16, #tpu.memory_space<vmem_shared>>
        tpu.wait_indirect_dma semaphore(%run_scoped3A_120 : memref<!tpu.dma_semaphore, #tpu.memory_space<semaphore_mem>>) src(%dma_wait3A_134 : memref<128x64xbf16, #tpu.memory_space<vmem>>) dst(%dma_wait3A_140 : memref<10240x64xbf16, #tpu.memory_space<vmem_shared>>)
        tpu.yield
      }) : () -> ()
    } else {
    }
    %barrier3A_104 = arith.constant 0 : index
    tpu.barrier barrier_id(%barrier3A_104)
    %lt3A_105 = arith.constant 15 : i32
    %lt3A_106 = arith.cmpi slt, %arg1, %lt3A_105 : i32
    %convert_element_type3A_107 = arith.extui %lt3A_106 : i1 to i32
    %cond3A_108 = arith.constant 0 : i32
    %cond3A_109 = arith.cmpi ne, %convert_element_type3A_107, %cond3A_108 : i32
    scf.if %cond3A_109 {
      %mul3A_114 = arith.constant 640 : i32
      %mul3A_115 = arith.muli %arg1, %mul3A_114 : i32
      %mul3A_116 = arith.constant 640 : i32
      %mul3A_117 = arith.muli %arg1, %mul3A_116 : i32
      "tpu.region"() ({
        %run_scoped3A_118 = tpu.sem_alloc : memref<!tpu.dma_semaphore, #tpu.memory_space<semaphore_mem>>
        %dma_start3A_119 = arith.constant 0 : i32
        %dma_start3A_120 = arith.constant 0 : i32
        %dma_start3A_121 = tpu.memref_slice %arg4[%arg0, %dma_start3A_119, %dma_start3A_120] : memref<2x10000x64xbf16, #tpu.memory_space<hbm>> -> memref<1x10000x64xbf16, #tpu.memory_space<hbm>>
        %dma_start3A_122 = tpu.memref_squeeze %dma_start3A_121 : memref<1x10000x64xbf16, #tpu.memory_space<hbm>> -> memref<10000x64xbf16, #tpu.memory_space<hbm>>
        %dma_start3A_123 = arith.constant 0 : i32
        %dma_start3A_124 = tpu.memref_slice %dma_start3A_122[%mul3A_117, %dma_start3A_123] : memref<10000x64xbf16, #tpu.memory_space<hbm>> -> memref<640x64xbf16, #tpu.memory_space<hbm>>
        %dma_start3A_125 = arith.constant 0 : i32
        %dma_start3A_126 = tpu.memref_slice %arg7[%mul3A_115, %dma_start3A_125] : memref<10240x64xbf16, #tpu.memory_space<vmem_shared>> -> memref<640x64xbf16, #tpu.memory_space<vmem_shared>>
        tpu.enqueue_dma source(%dma_start3A_126 : memref<640x64xbf16, #tpu.memory_space<vmem_shared>>) target(%dma_start3A_124 : memref<640x64xbf16, #tpu.memory_space<hbm>>) target_semaphore(%run_scoped3A_118 : memref<!tpu.dma_semaphore, #tpu.memory_space<semaphore_mem>>)
        %dma_wait3A_127 = arith.constant 0 : i32
        %dma_wait3A_128 = arith.constant 0 : i32
        %dma_wait3A_129 = tpu.memref_slice %arg4[%arg0, %dma_wait3A_127, %dma_wait3A_128] : memref<2x10000x64xbf16, #tpu.memory_space<hbm>> -> memref<1x10000x64xbf16, #tpu.memory_space<hbm>>
        %dma_wait3A_130 = tpu.memref_squeeze %dma_wait3A_129 : memref<1x10000x64xbf16, #tpu.memory_space<hbm>> -> memref<10000x64xbf16, #tpu.memory_space<hbm>>
        %dma_wait3A_131 = arith.constant 0 : i32
        %dma_wait3A_132 = tpu.memref_slice %dma_wait3A_130[%mul3A_117, %dma_wait3A_131] : memref<10000x64xbf16, #tpu.memory_space<hbm>> -> memref<640x64xbf16, #tpu.memory_space<hbm>>
        %dma_wait3A_133 = arith.constant 0 : i32
        %dma_wait3A_134 = tpu.memref_slice %arg7[%mul3A_115, %dma_wait3A_133] : memref<10240x64xbf16, #tpu.memory_space<vmem_shared>> -> memref<640x64xbf16, #tpu.memory_space<vmem_shared>>
        tpu.wait_dma2 semaphore(%run_scoped3A_118 : memref<!tpu.dma_semaphore, #tpu.memory_space<semaphore_mem>>) src(%dma_wait3A_134 : memref<640x64xbf16, #tpu.memory_space<vmem_shared>>) dst(%dma_wait3A_132 : memref<640x64xbf16, #tpu.memory_space<hbm>>)
        tpu.yield
      }) : () -> ()
    } else {
    }
    %eq3A = arith.constant 15 : i32
    %eq3A_110 = arith.cmpi eq, %arg1, %eq3A : i32
    %convert_element_type3A_111 = arith.extui %eq3A_110 : i1 to i32
    %cond3A_112 = arith.constant 0 : i32
    %cond3A_113 = arith.cmpi ne, %convert_element_type3A_111, %cond3A_112 : i32
    scf.if %cond3A_113 {
      "tpu.region"() ({
        %run_scoped3A_114 = tpu.sem_alloc : memref<!tpu.dma_semaphore, #tpu.memory_space<semaphore_mem>>
        %dma_start3A_115 = arith.constant 0 : i32
        %dma_start3A_116 = arith.constant 0 : i32
        %dma_start3A_117 = tpu.memref_slice %arg4[%arg0, %dma_start3A_115, %dma_start3A_116] : memref<2x10000x64xbf16, #tpu.memory_space<hbm>> -> memref<1x10000x64xbf16, #tpu.memory_space<hbm>>
        %dma_start3A_118 = tpu.memref_squeeze %dma_start3A_117 : memref<1x10000x64xbf16, #tpu.memory_space<hbm>> -> memref<10000x64xbf16, #tpu.memory_space<hbm>>
        %dma_start3A_119 = arith.constant 9600 : i32
        %dma_start3A_120 = arith.constant 0 : i32
        %dma_start3A_121 = tpu.memref_slice %dma_start3A_118[%dma_start3A_119, %dma_start3A_120] : memref<10000x64xbf16, #tpu.memory_space<hbm>> -> memref<400x64xbf16, #tpu.memory_space<hbm>>
        %dma_start3A_122 = arith.constant 9600 : i32
        %dma_start3A_123 = arith.constant 0 : i32
        %dma_start3A_124 = tpu.memref_slice %arg7[%dma_start3A_122, %dma_start3A_123] : memref<10240x64xbf16, #tpu.memory_space<vmem_shared>> -> memref<400x64xbf16, #tpu.memory_space<vmem_shared>>
        tpu.enqueue_dma source(%dma_start3A_124 : memref<400x64xbf16, #tpu.memory_space<vmem_shared>>) target(%dma_start3A_121 : memref<400x64xbf16, #tpu.memory_space<hbm>>) target_semaphore(%run_scoped3A_114 : memref<!tpu.dma_semaphore, #tpu.memory_space<semaphore_mem>>)
        %dma_wait3A_125 = arith.constant 0 : i32
        %dma_wait3A_126 = arith.constant 0 : i32
        %dma_wait3A_127 = tpu.memref_slice %arg4[%arg0, %dma_wait3A_125, %dma_wait3A_126] : memref<2x10000x64xbf16, #tpu.memory_space<hbm>> -> memref<1x10000x64xbf16, #tpu.memory_space<hbm>>
        %dma_wait3A_128 = tpu.memref_squeeze %dma_wait3A_127 : memref<1x10000x64xbf16, #tpu.memory_space<hbm>> -> memref<10000x64xbf16, #tpu.memory_space<hbm>>
        %dma_wait3A_129 = arith.constant 9600 : i32
        %dma_wait3A_130 = arith.constant 0 : i32
        %dma_wait3A_131 = tpu.memref_slice %dma_wait3A_128[%dma_wait3A_129, %dma_wait3A_130] : memref<10000x64xbf16, #tpu.memory_space<hbm>> -> memref<400x64xbf16, #tpu.memory_space<hbm>>
        %dma_wait3A_132 = arith.constant 9600 : i32
        %dma_wait3A_133 = arith.constant 0 : i32
        %dma_wait3A_134 = tpu.memref_slice %arg7[%dma_wait3A_132, %dma_wait3A_133] : memref<10240x64xbf16, #tpu.memory_space<vmem_shared>> -> memref<400x64xbf16, #tpu.memory_space<vmem_shared>>
        tpu.wait_dma2 semaphore(%run_scoped3A_114 : memref<!tpu.dma_semaphore, #tpu.memory_space<semaphore_mem>>) src(%dma_wait3A_134 : memref<400x64xbf16, #tpu.memory_space<vmem_shared>>) dst(%dma_wait3A_131 : memref<400x64xbf16, #tpu.memory_space<hbm>>)
        tpu.yield
      }) : () -> ()
    } else {
    }
    return
  }
}

#map = affine_map<(d0, d1) -> (0, 0, 0)>
module attributes {stable_mosaic.version = 14 : i64} {
  func.func @_sc_propagate_body(%arg0: i32, %arg1: i32, %arg2: memref<2x10000x64xbf16, #tpu.memory_space<hbm>>, %arg3: memref<2500x2x128xi32, #tpu.memory_space<hbm>>, %arg4: memref<2x10000x64xbf16, #tpu.memory_space<hbm>>, %arg5: memref<157x2x128xi32, #tpu.memory_space<vmem>>, %arg6: memref<4x128x64xbf16, #tpu.memory_space<vmem>>, %arg7: memref<10240x64xbf16, #tpu.memory_space<vmem_shared>>, %arg8: memref<!tpu.dma_semaphore, #tpu.memory_space<semaphore_mem>>, %arg9: memref<!tpu.dma_semaphore, #tpu.memory_space<semaphore_mem>>, %arg10: memref<!tpu.dma_semaphore, #tpu.memory_space<semaphore_mem>>, %arg11: memref<!tpu.dma_semaphore, #tpu.memory_space<semaphore_mem>>, %arg12: memref<!tpu.dma_semaphore, #tpu.memory_space<semaphore_mem>>, %arg13: memref<!tpu.dma_semaphore, #tpu.memory_space<semaphore_mem>>, %arg14: memref<!tpu.dma_semaphore, #tpu.memory_space<semaphore_mem>>, %arg15: memref<!tpu.dma_semaphore, #tpu.memory_space<semaphore_mem>>) attributes {dimension_semantics = [#tpu.dimension_semantics<core_parallel>, #tpu.dimension_semantics<subcore_parallel>], iteration_bounds = array<i64: 2, 16>, scalar_prefetch = 0 : i64, scratch_operands = 11 : i64, tpu.core_type = #tpu.core_type<sc_vector_subcore>, window_params = [{transform_indices = #map}, {transform_indices = #map}, {transform_indices = #map}]} {
    %scan3A = arith.constant 0 : i32
    %scan3A_0 = arith.constant 0 : i32
    %scan3A_1 = arith.constant 128 : i32
    %scan3A_2 = arith.addi %scan3A_0, %scan3A_1 : i32
    %scan3A_3 = arith.constant 1 : i32
    scf.for %scan3A_114 = %scan3A_0 to %scan3A_2 step %scan3A_3  : i32 {
      %broadcast_in_dim3A = arith.constant 0.000000e+00 : bf16
      %broadcast_in_dim3A_115 = vector.broadcast %broadcast_in_dim3A : bf16 to vector<32xbf16>
      %swap3A = arith.constant 0 : i32
      %swap3A_116 = arith.index_cast %swap3A : i32 to index
      %swap3A_117 = arith.index_cast %scan3A_114 : i32 to index
      %swap3A_118 = arith.constant 0 : index
      %swap3A_119 = tpu.vector_load %arg6[%swap3A_116, %swap3A_117, %swap3A_118] {strides = array<i32>} : memref<4x128x64xbf16, #tpu.memory_space<vmem>>, vector<1x1x32xbf16>,
      %swap3A_120 = vector.shape_cast %swap3A_119 : vector<1x1x32xbf16> to vector<32xbf16>
      %swap3A_121 = vector.shape_cast %broadcast_in_dim3A_115 : vector<32xbf16> to vector<1x1x32xbf16>
      tpu.vector_store %arg6[%swap3A_116, %swap3A_117, %swap3A_118], %swap3A_121 {strides = array<i32>} : memref<4x128x64xbf16, #tpu.memory_space<vmem>>, vector<1x1x32xbf16>,
      %broadcast_in_dim3A_122 = arith.constant 0.000000e+00 : bf16
      %broadcast_in_dim3A_123 = vector.broadcast %broadcast_in_dim3A_122 : bf16 to vector<32xbf16>
      %swap3A_124 = arith.constant 0 : i32
      %swap3A_125 = arith.index_cast %swap3A_124 : i32 to index
      %swap3A_126 = arith.index_cast %scan3A_114 : i32 to index
      %swap3A_127 = arith.constant 32 : index
      %swap3A_128 = tpu.vector_load %arg6[%swap3A_125, %swap3A_126, %swap3A_127] {strides = array<i32>} : memref<4x128x64xbf16, #tpu.memory_space<vmem>>, vector<1x1x32xbf16>,
      %swap3A_129 = vector.shape_cast %swap3A_128 : vector<1x1x32xbf16> to vector<32xbf16>
      %swap3A_130 = vector.shape_cast %broadcast_in_dim3A_123 : vector<32xbf16> to vector<1x1x32xbf16>
      tpu.vector_store %arg6[%swap3A_125, %swap3A_126, %swap3A_127], %swap3A_130 {strides = array<i32>} : memref<4x128x64xbf16, #tpu.memory_space<vmem>>, vector<1x1x32xbf16>,
    }
    %scan3A_4 = arith.constant 128 : i32
    %mul3A = arith.constant 640 : i32
    %mul3A_5 = arith.muli %arg1, %mul3A : i32
    %add3A = arith.constant 0 : i32
    %add3A_6 = arith.addi %mul3A_5, %add3A : i32
    %run_scoped3A = arith.constant 0 : i32
    "tpu.region"() ({
      %run_scoped3A_114 = tpu.sem_alloc : memref<!tpu.dma_semaphore, #tpu.memory_space<semaphore_mem>>
      %dma_start3A_115 = arith.constant 0 : i32
      %dma_start3A_116 = arith.constant 0 : i32
      %dma_start3A_117 = tpu.memref_slice %arg6[%run_scoped3A, %dma_start3A_115, %dma_start3A_116] : memref<4x128x64xbf16, #tpu.memory_space<vmem>> -> memref<1x128x64xbf16, #tpu.memory_space<vmem>>
      %dma_start3A_118 = tpu.memref_squeeze %dma_start3A_117 : memref<1x128x64xbf16, #tpu.memory_space<vmem>> -> memref<128x64xbf16, #tpu.memory_space<vmem>>
      %dma_start3A_119 = arith.constant 0 : i32
      %dma_start3A_120 = tpu.memref_slice %arg7[%add3A_6, %dma_start3A_119] : memref<10240x64xbf16, #tpu.memory_space<vmem_shared>> -> memref<128x64xbf16, #tpu.memory_space<vmem_shared>>
      %dma_start3A_121 = arith.constant 0 : i32
      %dma_start3A_122 = tpu.memref_slice %arg7[%add3A_6, %dma_start3A_121] : memref<10240x64xbf16, #tpu.memory_space<vmem_shared>> -> memref<128x64xbf16, #tpu.memory_space<vmem_shared>>
      %dma_start3A_123 = arith.constant 0 : i32
      %dma_start3A_124 = arith.constant 0 : i32
      %dma_start3A_125 = tpu.memref_slice %arg6[%run_scoped3A, %dma_start3A_123, %dma_start3A_124] : memref<4x128x64xbf16, #tpu.memory_space<vmem>> -> memref<1x128x64xbf16, #tpu.memory_space<vmem>>
      %dma_start3A_126 = tpu.memref_squeeze %dma_start3A_125 : memref<1x128x64xbf16, #tpu.memory_space<vmem>> -> memref<128x64xbf16, #tpu.memory_space<vmem>>
      tpu.enqueue_dma source(%dma_start3A_126 : memref<128x64xbf16, #tpu.memory_space<vmem>>) target(%dma_start3A_122 : memref<128x64xbf16, #tpu.memory_space<vmem_shared>>) target_semaphore(%run_scoped3A_114 : memref<!tpu.dma_semaphore, #tpu.memory_space<semaphore_mem>>)
      %dma_wait3A_127 = arith.constant 0 : i32
      %dma_wait3A_128 = arith.constant 0 : i32
      %dma_wait3A_129 = tpu.memref_slice %arg6[%run_scoped3A, %dma_wait3A_127, %dma_wait3A_128] : memref<4x128x64xbf16, #tpu.memory_space<vmem>> -> memref<1x128x64xbf16, #tpu.memory_space<vmem>>
      %dma_wait3A_130 = tpu.memref_squeeze %dma_wait3A_129 : memref<1x128x64xbf16, #tpu.memory_space<vmem>> -> memref<128x64xbf16, #tpu.memory_space<vmem>>
      %dma_wait3A_131 = arith.constant 0 : i32
      %dma_wait3A_132 = tpu.memref_slice %arg7[%add3A_6, %dma_wait3A_131] : memref<10240x64xbf16, #tpu.memory_space<vmem_shared>> -> memref<128x64xbf16, #tpu.memory_space<vmem_shared>>
      %dma_wait3A_133 = arith.constant 0 : i32
      %dma_wait3A_134 = tpu.memref_slice %arg7[%add3A_6, %dma_wait3A_133] : memref<10240x64xbf16, #tpu.memory_space<vmem_shared>> -> memref<128x64xbf16, #tpu.memory_space<vmem_shared>>
      %dma_wait3A_135 = arith.constant 0 : i32
      %dma_wait3A_136 = arith.constant 0 : i32
      %dma_wait3A_137 = tpu.memref_slice %arg6[%run_scoped3A, %dma_wait3A_135, %dma_wait3A_136] : memref<4x128x64xbf16, #tpu.memory_space<vmem>> -> memref<1x128x64xbf16, #tpu.memory_space<vmem>>
      %dma_wait3A_138 = tpu.memref_squeeze %dma_wait3A_137 : memref<1x128x64xbf16, #tpu.memory_space<vmem>> -> memref<128x64xbf16, #tpu.memory_space<vmem>>
      tpu.wait_dma2 semaphore(%run_scoped3A_114 : memref<!tpu.dma_semaphore, #tpu.memory_space<semaphore_mem>>) src(%dma_wait3A_138 : memref<128x64xbf16, #tpu.memory_space<vmem>>) dst(%dma_wait3A_134 : memref<128x64xbf16, #tpu.memory_space<vmem_shared>>)
      tpu.yield
    }) : () -> ()
    %mul3A_7 = arith.constant 640 : i32
    %mul3A_8 = arith.muli %arg1, %mul3A_7 : i32
    %add3A_9 = arith.constant 128 : i32
    %add3A_10 = arith.addi %mul3A_8, %add3A_9 : i32
    %run_scoped3A_11 = arith.constant 0 : i32
    "tpu.region"() ({
      %run_scoped3A_114 = tpu.sem_alloc : memref<!tpu.dma_semaphore, #tpu.memory_space<semaphore_mem>>
      %dma_start3A_115 = arith.constant 0 : i32
      %dma_start3A_116 = arith.constant 0 : i32
      %dma_start3A_117 = tpu.memref_slice %arg6[%run_scoped3A_11, %dma_start3A_115, %dma_start3A_116] : memref<4x128x64xbf16, #tpu.memory_space<vmem>> -> memref<1x128x64xbf16, #tpu.memory_space<vmem>>
      %dma_start3A_118 = tpu.memref_squeeze %dma_start3A_117 : memref<1x128x64xbf16, #tpu.memory_space<vmem>> -> memref<128x64xbf16, #tpu.memory_space<vmem>>
      %dma_start3A_119 = arith.constant 0 : i32
      %dma_start3A_120 = tpu.memref_slice %arg7[%add3A_10, %dma_start3A_119] : memref<10240x64xbf16, #tpu.memory_space<vmem_shared>> -> memref<128x64xbf16, #tpu.memory_space<vmem_shared>>
      %dma_start3A_121 = arith.constant 0 : i32
      %dma_start3A_122 = tpu.memref_slice %arg7[%add3A_10, %dma_start3A_121] : memref<10240x64xbf16, #tpu.memory_space<vmem_shared>> -> memref<128x64xbf16, #tpu.memory_space<vmem_shared>>
      %dma_start3A_123 = arith.constant 0 : i32
      %dma_start3A_124 = arith.constant 0 : i32
      %dma_start3A_125 = tpu.memref_slice %arg6[%run_scoped3A_11, %dma_start3A_123, %dma_start3A_124] : memref<4x128x64xbf16, #tpu.memory_space<vmem>> -> memref<1x128x64xbf16, #tpu.memory_space<vmem>>
      %dma_start3A_126 = tpu.memref_squeeze %dma_start3A_125 : memref<1x128x64xbf16, #tpu.memory_space<vmem>> -> memref<128x64xbf16, #tpu.memory_space<vmem>>
      tpu.enqueue_dma source(%dma_start3A_126 : memref<128x64xbf16, #tpu.memory_space<vmem>>) target(%dma_start3A_122 : memref<128x64xbf16, #tpu.memory_space<vmem_shared>>) target_semaphore(%run_scoped3A_114 : memref<!tpu.dma_semaphore, #tpu.memory_space<semaphore_mem>>)
      %dma_wait3A_127 = arith.constant 0 : i32
      %dma_wait3A_128 = arith.constant 0 : i32
      %dma_wait3A_129 = tpu.memref_slice %arg6[%run_scoped3A_11, %dma_wait3A_127, %dma_wait3A_128] : memref<4x128x64xbf16, #tpu.memory_space<vmem>> -> memref<1x128x64xbf16, #tpu.memory_space<vmem>>
      %dma_wait3A_130 = tpu.memref_squeeze %dma_wait3A_129 : memref<1x128x64xbf16, #tpu.memory_space<vmem>> -> memref<128x64xbf16, #tpu.memory_space<vmem>>
      %dma_wait3A_131 = arith.constant 0 : i32
      %dma_wait3A_132 = tpu.memref_slice %arg7[%add3A_10, %dma_wait3A_131] : memref<10240x64xbf16, #tpu.memory_space<vmem_shared>> -> memref<128x64xbf16, #tpu.memory_space<vmem_shared>>
      %dma_wait3A_133 = arith.constant 0 : i32
      %dma_wait3A_134 = tpu.memref_slice %arg7[%add3A_10, %dma_wait3A_133] : memref<10240x64xbf16, #tpu.memory_space<vmem_shared>> -> memref<128x64xbf16, #tpu.memory_space<vmem_shared>>
      %dma_wait3A_135 = arith.constant 0 : i32
      %dma_wait3A_136 = arith.constant 0 : i32
      %dma_wait3A_137 = tpu.memref_slice %arg6[%run_scoped3A_11, %dma_wait3A_135, %dma_wait3A_136] : memref<4x128x64xbf16, #tpu.memory_space<vmem>> -> memref<1x128x64xbf16, #tpu.memory_space<vmem>>
      %dma_wait3A_138 = tpu.memref_squeeze %dma_wait3A_137 : memref<1x128x64xbf16, #tpu.memory_space<vmem>> -> memref<128x64xbf16, #tpu.memory_space<vmem>>
      tpu.wait_dma2 semaphore(%run_scoped3A_114 : memref<!tpu.dma_semaphore, #tpu.memory_space<semaphore_mem>>) src(%dma_wait3A_138 : memref<128x64xbf16, #tpu.memory_space<vmem>>) dst(%dma_wait3A_134 : memref<128x64xbf16, #tpu.memory_space<vmem_shared>>)
      tpu.yield
    }) : () -> ()
    %mul3A_12 = arith.constant 640 : i32
    %mul3A_13 = arith.muli %arg1, %mul3A_12 : i32
    %add3A_14 = arith.constant 256 : i32
    %add3A_15 = arith.addi %mul3A_13, %add3A_14 : i32
    %run_scoped3A_16 = arith.constant 0 : i32
    "tpu.region"() ({
      %run_scoped3A_114 = tpu.sem_alloc : memref<!tpu.dma_semaphore, #tpu.memory_space<semaphore_mem>>
      %dma_start3A_115 = arith.constant 0 : i32
      %dma_start3A_116 = arith.constant 0 : i32
      %dma_start3A_117 = tpu.memref_slice %arg6[%run_scoped3A_16, %dma_start3A_115, %dma_start3A_116] : memref<4x128x64xbf16, #tpu.memory_space<vmem>> -> memref<1x128x64xbf16, #tpu.memory_space<vmem>>
      %dma_start3A_118 = tpu.memref_squeeze %dma_start3A_117 : memref<1x128x64xbf16, #tpu.memory_space<vmem>> -> memref<128x64xbf16, #tpu.memory_space<vmem>>
      %dma_start3A_119 = arith.constant 0 : i32
      %dma_start3A_120 = tpu.memref_slice %arg7[%add3A_15, %dma_start3A_119] : memref<10240x64xbf16, #tpu.memory_space<vmem_shared>> -> memref<128x64xbf16, #tpu.memory_space<vmem_shared>>
      %dma_start3A_121 = arith.constant 0 : i32
      %dma_start3A_122 = tpu.memref_slice %arg7[%add3A_15, %dma_start3A_121] : memref<10240x64xbf16, #tpu.memory_space<vmem_shared>> -> memref<128x64xbf16, #tpu.memory_space<vmem_shared>>
      %dma_start3A_123 = arith.constant 0 : i32
      %dma_start3A_124 = arith.constant 0 : i32
      %dma_start3A_125 = tpu.memref_slice %arg6[%run_scoped3A_16, %dma_start3A_123, %dma_start3A_124] : memref<4x128x64xbf16, #tpu.memory_space<vmem>> -> memref<1x128x64xbf16, #tpu.memory_space<vmem>>
      %dma_start3A_126 = tpu.memref_squeeze %dma_start3A_125 : memref<1x128x64xbf16, #tpu.memory_space<vmem>> -> memref<128x64xbf16, #tpu.memory_space<vmem>>
      tpu.enqueue_dma source(%dma_start3A_126 : memref<128x64xbf16, #tpu.memory_space<vmem>>) target(%dma_start3A_122 : memref<128x64xbf16, #tpu.memory_space<vmem_shared>>) target_semaphore(%run_scoped3A_114 : memref<!tpu.dma_semaphore, #tpu.memory_space<semaphore_mem>>)
      %dma_wait3A_127 = arith.constant 0 : i32
      %dma_wait3A_128 = arith.constant 0 : i32
      %dma_wait3A_129 = tpu.memref_slice %arg6[%run_scoped3A_16, %dma_wait3A_127, %dma_wait3A_128] : memref<4x128x64xbf16, #tpu.memory_space<vmem>> -> memref<1x128x64xbf16, #tpu.memory_space<vmem>>
      %dma_wait3A_130 = tpu.memref_squeeze %dma_wait3A_129 : memref<1x128x64xbf16, #tpu.memory_space<vmem>> -> memref<128x64xbf16, #tpu.memory_space<vmem>>
      %dma_wait3A_131 = arith.constant 0 : i32
      %dma_wait3A_132 = tpu.memref_slice %arg7[%add3A_15, %dma_wait3A_131] : memref<10240x64xbf16, #tpu.memory_space<vmem_shared>> -> memref<128x64xbf16, #tpu.memory_space<vmem_shared>>
      %dma_wait3A_133 = arith.constant 0 : i32
      %dma_wait3A_134 = tpu.memref_slice %arg7[%add3A_15, %dma_wait3A_133] : memref<10240x64xbf16, #tpu.memory_space<vmem_shared>> -> memref<128x64xbf16, #tpu.memory_space<vmem_shared>>
      %dma_wait3A_135 = arith.constant 0 : i32
      %dma_wait3A_136 = arith.constant 0 : i32
      %dma_wait3A_137 = tpu.memref_slice %arg6[%run_scoped3A_16, %dma_wait3A_135, %dma_wait3A_136] : memref<4x128x64xbf16, #tpu.memory_space<vmem>> -> memref<1x128x64xbf16, #tpu.memory_space<vmem>>
      %dma_wait3A_138 = tpu.memref_squeeze %dma_wait3A_137 : memref<1x128x64xbf16, #tpu.memory_space<vmem>> -> memref<128x64xbf16, #tpu.memory_space<vmem>>
      tpu.wait_dma2 semaphore(%run_scoped3A_114 : memref<!tpu.dma_semaphore, #tpu.memory_space<semaphore_mem>>) src(%dma_wait3A_138 : memref<128x64xbf16, #tpu.memory_space<vmem>>) dst(%dma_wait3A_134 : memref<128x64xbf16, #tpu.memory_space<vmem_shared>>)
      tpu.yield
    }) : () -> ()
    %mul3A_17 = arith.constant 640 : i32
    %mul3A_18 = arith.muli %arg1, %mul3A_17 : i32
    %add3A_19 = arith.constant 384 : i32
    %add3A_20 = arith.addi %mul3A_18, %add3A_19 : i32
    %run_scoped3A_21 = arith.constant 0 : i32
    "tpu.region"() ({
      %run_scoped3A_114 = tpu.sem_alloc : memref<!tpu.dma_semaphore, #tpu.memory_space<semaphore_mem>>
      %dma_start3A_115 = arith.constant 0 : i32
      %dma_start3A_116 = arith.constant 0 : i32
      %dma_start3A_117 = tpu.memref_slice %arg6[%run_scoped3A_21, %dma_start3A_115, %dma_start3A_116] : memref<4x128x64xbf16, #tpu.memory_space<vmem>> -> memref<1x128x64xbf16, #tpu.memory_space<vmem>>
      %dma_start3A_118 = tpu.memref_squeeze %dma_start3A_117 : memref<1x128x64xbf16, #tpu.memory_space<vmem>> -> memref<128x64xbf16, #tpu.memory_space<vmem>>
      %dma_start3A_119 = arith.constant 0 : i32
      %dma_start3A_120 = tpu.memref_slice %arg7[%add3A_20, %dma_start3A_119] : memref<10240x64xbf16, #tpu.memory_space<vmem_shared>> -> memref<128x64xbf16, #tpu.memory_space<vmem_shared>>
      %dma_start3A_121 = arith.constant 0 : i32
      %dma_start3A_122 = tpu.memref_slice %arg7[%add3A_20, %dma_start3A_121] : memref<10240x64xbf16, #tpu.memory_space<vmem_shared>> -> memref<128x64xbf16, #tpu.memory_space<vmem_shared>>
      %dma_start3A_123 = arith.constant 0 : i32
      %dma_start3A_124 = arith.constant 0 : i32
      %dma_start3A_125 = tpu.memref_slice %arg6[%run_scoped3A_21, %dma_start3A_123, %dma_start3A_124] : memref<4x128x64xbf16, #tpu.memory_space<vmem>> -> memref<1x128x64xbf16, #tpu.memory_space<vmem>>
      %dma_start3A_126 = tpu.memref_squeeze %dma_start3A_125 : memref<1x128x64xbf16, #tpu.memory_space<vmem>> -> memref<128x64xbf16, #tpu.memory_space<vmem>>
      tpu.enqueue_dma source(%dma_start3A_126 : memref<128x64xbf16, #tpu.memory_space<vmem>>) target(%dma_start3A_122 : memref<128x64xbf16, #tpu.memory_space<vmem_shared>>) target_semaphore(%run_scoped3A_114 : memref<!tpu.dma_semaphore, #tpu.memory_space<semaphore_mem>>)
      %dma_wait3A_127 = arith.constant 0 : i32
      %dma_wait3A_128 = arith.constant 0 : i32
      %dma_wait3A_129 = tpu.memref_slice %arg6[%run_scoped3A_21, %dma_wait3A_127, %dma_wait3A_128] : memref<4x128x64xbf16, #tpu.memory_space<vmem>> -> memref<1x128x64xbf16, #tpu.memory_space<vmem>>
      %dma_wait3A_130 = tpu.memref_squeeze %dma_wait3A_129 : memref<1x128x64xbf16, #tpu.memory_space<vmem>> -> memref<128x64xbf16, #tpu.memory_space<vmem>>
      %dma_wait3A_131 = arith.constant 0 : i32
      %dma_wait3A_132 = tpu.memref_slice %arg7[%add3A_20, %dma_wait3A_131] : memref<10240x64xbf16, #tpu.memory_space<vmem_shared>> -> memref<128x64xbf16, #tpu.memory_space<vmem_shared>>
      %dma_wait3A_133 = arith.constant 0 : i32
      %dma_wait3A_134 = tpu.memref_slice %arg7[%add3A_20, %dma_wait3A_133] : memref<10240x64xbf16, #tpu.memory_space<vmem_shared>> -> memref<128x64xbf16, #tpu.memory_space<vmem_shared>>
      %dma_wait3A_135 = arith.constant 0 : i32
      %dma_wait3A_136 = arith.constant 0 : i32
      %dma_wait3A_137 = tpu.memref_slice %arg6[%run_scoped3A_21, %dma_wait3A_135, %dma_wait3A_136] : memref<4x128x64xbf16, #tpu.memory_space<vmem>> -> memref<1x128x64xbf16, #tpu.memory_space<vmem>>
      %dma_wait3A_138 = tpu.memref_squeeze %dma_wait3A_137 : memref<1x128x64xbf16, #tpu.memory_space<vmem>> -> memref<128x64xbf16, #tpu.memory_space<vmem>>
      tpu.wait_dma2 semaphore(%run_scoped3A_114 : memref<!tpu.dma_semaphore, #tpu.memory_space<semaphore_mem>>) src(%dma_wait3A_138 : memref<128x64xbf16, #tpu.memory_space<vmem>>) dst(%dma_wait3A_134 : memref<128x64xbf16, #tpu.memory_space<vmem_shared>>)
      tpu.yield
    }) : () -> ()
    %mul3A_22 = arith.constant 640 : i32
    %mul3A_23 = arith.muli %arg1, %mul3A_22 : i32
    %add3A_24 = arith.constant 512 : i32
    %add3A_25 = arith.addi %mul3A_23, %add3A_24 : i32
    %run_scoped3A_26 = arith.constant 0 : i32
    "tpu.region"() ({
      %run_scoped3A_114 = tpu.sem_alloc : memref<!tpu.dma_semaphore, #tpu.memory_space<semaphore_mem>>
      %dma_start3A_115 = arith.constant 0 : i32
      %dma_start3A_116 = arith.constant 0 : i32
      %dma_start3A_117 = tpu.memref_slice %arg6[%run_scoped3A_26, %dma_start3A_115, %dma_start3A_116] : memref<4x128x64xbf16, #tpu.memory_space<vmem>> -> memref<1x128x64xbf16, #tpu.memory_space<vmem>>
      %dma_start3A_118 = tpu.memref_squeeze %dma_start3A_117 : memref<1x128x64xbf16, #tpu.memory_space<vmem>> -> memref<128x64xbf16, #tpu.memory_space<vmem>>
      %dma_start3A_119 = arith.constant 0 : i32
      %dma_start3A_120 = tpu.memref_slice %arg7[%add3A_25, %dma_start3A_119] : memref<10240x64xbf16, #tpu.memory_space<vmem_shared>> -> memref<128x64xbf16, #tpu.memory_space<vmem_shared>>
      %dma_start3A_121 = arith.constant 0 : i32
      %dma_start3A_122 = tpu.memref_slice %arg7[%add3A_25, %dma_start3A_121] : memref<10240x64xbf16, #tpu.memory_space<vmem_shared>> -> memref<128x64xbf16, #tpu.memory_space<vmem_shared>>
      %dma_start3A_123 = arith.constant 0 : i32
      %dma_start3A_124 = arith.constant 0 : i32
      %dma_start3A_125 = tpu.memref_slice %arg6[%run_scoped3A_26, %dma_start3A_123, %dma_start3A_124] : memref<4x128x64xbf16, #tpu.memory_space<vmem>> -> memref<1x128x64xbf16, #tpu.memory_space<vmem>>
      %dma_start3A_126 = tpu.memref_squeeze %dma_start3A_125 : memref<1x128x64xbf16, #tpu.memory_space<vmem>> -> memref<128x64xbf16, #tpu.memory_space<vmem>>
      tpu.enqueue_dma source(%dma_start3A_126 : memref<128x64xbf16, #tpu.memory_space<vmem>>) target(%dma_start3A_122 : memref<128x64xbf16, #tpu.memory_space<vmem_shared>>) target_semaphore(%run_scoped3A_114 : memref<!tpu.dma_semaphore, #tpu.memory_space<semaphore_mem>>)
      %dma_wait3A_127 = arith.constant 0 : i32
      %dma_wait3A_128 = arith.constant 0 : i32
      %dma_wait3A_129 = tpu.memref_slice %arg6[%run_scoped3A_26, %dma_wait3A_127, %dma_wait3A_128] : memref<4x128x64xbf16, #tpu.memory_space<vmem>> -> memref<1x128x64xbf16, #tpu.memory_space<vmem>>
      %dma_wait3A_130 = tpu.memref_squeeze %dma_wait3A_129 : memref<1x128x64xbf16, #tpu.memory_space<vmem>> -> memref<128x64xbf16, #tpu.memory_space<vmem>>
      %dma_wait3A_131 = arith.constant 0 : i32
      %dma_wait3A_132 = tpu.memref_slice %arg7[%add3A_25, %dma_wait3A_131] : memref<10240x64xbf16, #tpu.memory_space<vmem_shared>> -> memref<128x64xbf16, #tpu.memory_space<vmem_shared>>
      %dma_wait3A_133 = arith.constant 0 : i32
      %dma_wait3A_134 = tpu.memref_slice %arg7[%add3A_25, %dma_wait3A_133] : memref<10240x64xbf16, #tpu.memory_space<vmem_shared>> -> memref<128x64xbf16, #tpu.memory_space<vmem_shared>>
      %dma_wait3A_135 = arith.constant 0 : i32
      %dma_wait3A_136 = arith.constant 0 : i32
      %dma_wait3A_137 = tpu.memref_slice %arg6[%run_scoped3A_26, %dma_wait3A_135, %dma_wait3A_136] : memref<4x128x64xbf16, #tpu.memory_space<vmem>> -> memref<1x128x64xbf16, #tpu.memory_space<vmem>>
      %dma_wait3A_138 = tpu.memref_squeeze %dma_wait3A_137 : memref<1x128x64xbf16, #tpu.memory_space<vmem>> -> memref<128x64xbf16, #tpu.memory_space<vmem>>
      tpu.wait_dma2 semaphore(%run_scoped3A_114 : memref<!tpu.dma_semaphore, #tpu.memory_space<semaphore_mem>>) src(%dma_wait3A_138 : memref<128x64xbf16, #tpu.memory_space<vmem>>) dst(%dma_wait3A_134 : memref<128x64xbf16, #tpu.memory_space<vmem_shared>>)
      tpu.yield
    }) : () -> ()
    %mul3A_27 = arith.constant 156 : i32
    %mul3A_28 = arith.muli %arg1, %mul3A_27 : i32
    "tpu.region"() ({
      %run_scoped3A_114 = tpu.sem_alloc : memref<!tpu.dma_semaphore, #tpu.memory_space<semaphore_mem>>
      %dma_start3A_115 = arith.constant 0 : i32
      %dma_start3A_116 = arith.constant 0 : i32
      %dma_start3A_117 = arith.constant 0 : i32
      %dma_start3A_118 = tpu.memref_slice %arg5[%dma_start3A_115, %dma_start3A_116, %dma_start3A_117] : memref<157x2x128xi32, #tpu.memory_space<vmem>> -> memref<156x2x128xi32, #tpu.memory_space<vmem>>
      %dma_start3A_119 = arith.constant 0 : i32
      %dma_start3A_120 = arith.constant 0 : i32
      %dma_start3A_121 = tpu.memref_slice %arg3[%mul3A_28, %dma_start3A_119, %dma_start3A_120] : memref<2500x2x128xi32, #tpu.memory_space<hbm>> -> memref<156x2x128xi32, #tpu.memory_space<hbm>>
      %dma_start3A_122 = arith.constant 0 : i32
      %dma_start3A_123 = arith.constant 0 : i32
      %dma_start3A_124 = arith.constant 0 : i32
      %dma_start3A_125 = tpu.memref_slice %arg5[%dma_start3A_122, %dma_start3A_123, %dma_start3A_124] : memref<157x2x128xi32, #tpu.memory_space<vmem>> -> memref<156x2x128xi32, #tpu.memory_space<vmem>>
      %dma_start3A_126 = arith.constant 0 : i32
      %dma_start3A_127 = arith.constant 0 : i32
      %dma_start3A_128 = tpu.memref_slice %arg3[%mul3A_28, %dma_start3A_126, %dma_start3A_127] : memref<2500x2x128xi32, #tpu.memory_space<hbm>> -> memref<156x2x128xi32, #tpu.memory_space<hbm>>
      tpu.enqueue_dma source(%dma_start3A_128 : memref<156x2x128xi32, #tpu.memory_space<hbm>>) target(%dma_start3A_125 : memref<156x2x128xi32, #tpu.memory_space<vmem>>) target_semaphore(%run_scoped3A_114 : memref<!tpu.dma_semaphore, #tpu.memory_space<semaphore_mem>>)
      %dma_wait3A_129 = arith.constant 0 : i32
      %dma_wait3A_130 = arith.constant 0 : i32
      %dma_wait3A_131 = arith.constant 0 : i32
      %dma_wait3A_132 = tpu.memref_slice %arg5[%dma_wait3A_129, %dma_wait3A_130, %dma_wait3A_131] : memref<157x2x128xi32, #tpu.memory_space<vmem>> -> memref<156x2x128xi32, #tpu.memory_space<vmem>>
      %dma_wait3A_133 = arith.constant 0 : i32
      %dma_wait3A_134 = arith.constant 0 : i32
      %dma_wait3A_135 = tpu.memref_slice %arg3[%mul3A_28, %dma_wait3A_133, %dma_wait3A_134] : memref<2500x2x128xi32, #tpu.memory_space<hbm>> -> memref<156x2x128xi32, #tpu.memory_space<hbm>>
      %dma_wait3A_136 = arith.constant 0 : i32
      %dma_wait3A_137 = arith.constant 0 : i32
      %dma_wait3A_138 = arith.constant 0 : i32
      %dma_wait3A_139 = tpu.memref_slice %arg5[%dma_wait3A_136, %dma_wait3A_137, %dma_wait3A_138] : memref<157x2x128xi32, #tpu.memory_space<vmem>> -> memref<156x2x128xi32, #tpu.memory_space<vmem>>
      %dma_wait3A_140 = arith.constant 0 : i32
      %dma_wait3A_141 = arith.constant 0 : i32
      %dma_wait3A_142 = tpu.memref_slice %arg3[%mul3A_28, %dma_wait3A_140, %dma_wait3A_141] : memref<2500x2x128xi32, #tpu.memory_space<hbm>> -> memref<156x2x128xi32, #tpu.memory_space<hbm>>
      tpu.wait_dma2 semaphore(%run_scoped3A_114 : memref<!tpu.dma_semaphore, #tpu.memory_space<semaphore_mem>>) src(%dma_wait3A_142 : memref<156x2x128xi32, #tpu.memory_space<hbm>>) dst(%dma_wait3A_139 : memref<156x2x128xi32, #tpu.memory_space<vmem>>)
      tpu.yield
    }) : () -> ()
    %lt3A = arith.constant 4 : i32
    %lt3A_29 = arith.cmpi slt, %arg1, %lt3A : i32
    %convert_element_type3A = arith.extui %lt3A_29 : i1 to i32
    %cond3A = arith.constant 0 : i32
    %cond3A_30 = arith.cmpi ne, %convert_element_type3A, %cond3A : i32
    scf.if %cond3A_30 {
      %add3A_114 = arith.constant 2496 : i32
      %add3A_115 = arith.addi %add3A_114, %arg1 : i32
      "tpu.region"() ({
        %run_scoped3A_116 = tpu.sem_alloc : memref<!tpu.dma_semaphore, #tpu.memory_space<semaphore_mem>>
        %dma_start3A_117 = arith.constant 156 : i32
        %dma_start3A_118 = arith.constant 0 : i32
        %dma_start3A_119 = arith.constant 0 : i32
        %dma_start3A_120 = tpu.memref_slice %arg5[%dma_start3A_117, %dma_start3A_118, %dma_start3A_119] : memref<157x2x128xi32, #tpu.memory_space<vmem>> -> memref<1x2x128xi32, #tpu.memory_space<vmem>>
        %dma_start3A_121 = arith.constant 0 : i32
        %dma_start3A_122 = arith.constant 0 : i32
        %dma_start3A_123 = tpu.memref_slice %arg3[%add3A_115, %dma_start3A_121, %dma_start3A_122] : memref<2500x2x128xi32, #tpu.memory_space<hbm>> -> memref<1x2x128xi32, #tpu.memory_space<hbm>>
        %dma_start3A_124 = arith.constant 156 : i32
        %dma_start3A_125 = arith.constant 0 : i32
        %dma_start3A_126 = arith.constant 0 : i32
        %dma_start3A_127 = tpu.memref_slice %arg5[%dma_start3A_124, %dma_start3A_125, %dma_start3A_126] : memref<157x2x128xi32, #tpu.memory_space<vmem>> -> memref<1x2x128xi32, #tpu.memory_space<vmem>>
        %dma_start3A_128 = arith.constant 0 : i32
        %dma_start3A_129 = arith.constant 0 : i32
        %dma_start3A_130 = tpu.memref_slice %arg3[%add3A_115, %dma_start3A_128, %dma_start3A_129] : memref<2500x2x128xi32, #tpu.memory_space<hbm>> -> memref<1x2x128xi32, #tpu.memory_space<hbm>>
        tpu.enqueue_dma source(%dma_start3A_130 : memref<1x2x128xi32, #tpu.memory_space<hbm>>) target(%dma_start3A_127 : memref<1x2x128xi32, #tpu.memory_space<vmem>>) target_semaphore(%run_scoped3A_116 : memref<!tpu.dma_semaphore, #tpu.memory_space<semaphore_mem>>)
        %dma_wait3A_131 = arith.constant 156 : i32
        %dma_wait3A_132 = arith.constant 0 : i32
        %dma_wait3A_133 = arith.constant 0 : i32
        %dma_wait3A_134 = tpu.memref_slice %arg5[%dma_wait3A_131, %dma_wait3A_132, %dma_wait3A_133] : memref<157x2x128xi32, #tpu.memory_space<vmem>> -> memref<1x2x128xi32, #tpu.memory_space<vmem>>
        %dma_wait3A_135 = arith.constant 0 : i32
        %dma_wait3A_136 = arith.constant 0 : i32
        %dma_wait3A_137 = tpu.memref_slice %arg3[%add3A_115, %dma_wait3A_135, %dma_wait3A_136] : memref<2500x2x128xi32, #tpu.memory_space<hbm>> -> memref<1x2x128xi32, #tpu.memory_space<hbm>>
        %dma_wait3A_138 = arith.constant 156 : i32
        %dma_wait3A_139 = arith.constant 0 : i32
        %dma_wait3A_140 = arith.constant 0 : i32
        %dma_wait3A_141 = tpu.memref_slice %arg5[%dma_wait3A_138, %dma_wait3A_139, %dma_wait3A_140] : memref<157x2x128xi32, #tpu.memory_space<vmem>> -> memref<1x2x128xi32, #tpu.memory_space<vmem>>
        %dma_wait3A_142 = arith.constant 0 : i32
        %dma_wait3A_143 = arith.constant 0 : i32
        %dma_wait3A_144 = tpu.memref_slice %arg3[%add3A_115, %dma_wait3A_142, %dma_wait3A_143] : memref<2500x2x128xi32, #tpu.memory_space<hbm>> -> memref<1x2x128xi32, #tpu.memory_space<hbm>>
        tpu.wait_dma2 semaphore(%run_scoped3A_116 : memref<!tpu.dma_semaphore, #tpu.memory_space<semaphore_mem>>) src(%dma_wait3A_144 : memref<1x2x128xi32, #tpu.memory_space<hbm>>) dst(%dma_wait3A_141 : memref<1x2x128xi32, #tpu.memory_space<vmem>>)
        tpu.yield
      }) : () -> ()
    } else {
    }
    %barrier3A = arith.constant 0 : index
    tpu.barrier barrier_id(%barrier3A)
    %dma_start3A = arith.constant 0 : i32
    %dma_start3A_31 = arith.constant 0 : i32
    %dma_start3A_32 = arith.constant 0 : i32
    %dma_start3A_33 = arith.constant 0 : i32
    %dma_start3A_34 = arith.constant 0 : i32
    %dma_start3A_35 = tpu.memref_slice %arg6[%dma_start3A_32, %dma_start3A_33, %dma_start3A_34] : memref<4x128x64xbf16, #tpu.memory_space<vmem>> -> memref<1x128x64xbf16, #tpu.memory_space<vmem>>
    %dma_start3A_36 = tpu.memref_squeeze %dma_start3A_35 : memref<1x128x64xbf16, #tpu.memory_space<vmem>> -> memref<128x64xbf16, #tpu.memory_space<vmem>>
    %dma_start3A_37 = arith.constant 0 : i32
    %dma_start3A_38 = tpu.memref_slice %arg5[%dma_start3A, %dma_start3A_31, %dma_start3A_37] : memref<157x2x128xi32, #tpu.memory_space<vmem>> -> memref<1x1x128xi32, #tpu.memory_space<vmem>>
    %dma_start3A_39 = tpu.memref_squeeze %dma_start3A_38 : memref<1x1x128xi32, #tpu.memory_space<vmem>> -> memref<128xi32, #tpu.memory_space<vmem>>
    %dma_start3A_40 = arith.constant 0 : i32
    %dma_start3A_41 = arith.constant 0 : i32
    %dma_start3A_42 = tpu.memref_slice %arg2[%arg0, %dma_start3A_40, %dma_start3A_41] : memref<2x10000x64xbf16, #tpu.memory_space<hbm>> -> memref<1x10000x64xbf16, #tpu.memory_space<hbm>>
    %dma_start3A_43 = tpu.memref_squeeze %dma_start3A_42 : memref<1x10000x64xbf16, #tpu.memory_space<hbm>> -> memref<10000x64xbf16, #tpu.memory_space<hbm>>
    %dma_start3A_44 = arith.constant 0 : i32
    %dma_start3A_45 = arith.constant 0 : i32
    %dma_start3A_46 = tpu.memref_slice %dma_start3A_43[%dma_start3A_44, %dma_start3A_45] : memref<10000x64xbf16, #tpu.memory_space<hbm>> -> memref<10000x64xbf16, #tpu.memory_space<hbm>>
    tpu.enqueue_indirect_dma source(%dma_start3A_46 : memref<10000x64xbf16, #tpu.memory_space<hbm>>) target(%dma_start3A_36 : memref<128x64xbf16, #tpu.memory_space<vmem>>) offsets(%dma_start3A_39 : memref<128xi32, #tpu.memory_space<vmem>>) semaphore(%arg8 : memref<!tpu.dma_semaphore, #tpu.memory_space<semaphore_mem>>)
    %dma_start3A_47 = arith.constant 1 : i32
    %dma_start3A_48 = arith.constant 0 : i32
    %dma_start3A_49 = arith.constant 1 : i32
    %dma_start3A_50 = arith.constant 0 : i32
    %dma_start3A_51 = arith.constant 0 : i32
    %dma_start3A_52 = tpu.memref_slice %arg6[%dma_start3A_49, %dma_start3A_50, %dma_start3A_51] : memref<4x128x64xbf16, #tpu.memory_space<vmem>> -> memref<1x128x64xbf16, #tpu.memory_space<vmem>>
    %dma_start3A_53 = tpu.memref_squeeze %dma_start3A_52 : memref<1x128x64xbf16, #tpu.memory_space<vmem>> -> memref<128x64xbf16, #tpu.memory_space<vmem>>
    %dma_start3A_54 = arith.constant 0 : i32
    %dma_start3A_55 = tpu.memref_slice %arg5[%dma_start3A_47, %dma_start3A_48, %dma_start3A_54] : memref<157x2x128xi32, #tpu.memory_space<vmem>> -> memref<1x1x128xi32, #tpu.memory_space<vmem>>
    %dma_start3A_56 = tpu.memref_squeeze %dma_start3A_55 : memref<1x1x128xi32, #tpu.memory_space<vmem>> -> memref<128xi32, #tpu.memory_space<vmem>>
    %dma_start3A_57 = arith.constant 0 : i32
    %dma_start3A_58 = arith.constant 0 : i32
    %dma_start3A_59 = tpu.memref_slice %arg2[%arg0, %dma_start3A_57, %dma_start3A_58] : memref<2x10000x64xbf16, #tpu.memory_space<hbm>> -> memref<1x10000x64xbf16, #tpu.memory_space<hbm>>
    %dma_start3A_60 = tpu.memref_squeeze %dma_start3A_59 : memref<1x10000x64xbf16, #tpu.memory_space<hbm>> -> memref<10000x64xbf16, #tpu.memory_space<hbm>>
    %dma_start3A_61 = arith.constant 0 : i32
    %dma_start3A_62 = arith.constant 0 : i32
    %dma_start3A_63 = tpu.memref_slice %dma_start3A_60[%dma_start3A_61, %dma_start3A_62] : memref<10000x64xbf16, #tpu.memory_space<hbm>> -> memref<10000x64xbf16, #tpu.memory_space<hbm>>
    tpu.enqueue_indirect_dma source(%dma_start3A_63 : memref<10000x64xbf16, #tpu.memory_space<hbm>>) target(%dma_start3A_53 : memref<128x64xbf16, #tpu.memory_space<vmem>>) offsets(%dma_start3A_56 : memref<128xi32, #tpu.memory_space<vmem>>) semaphore(%arg9 : memref<!tpu.dma_semaphore, #tpu.memory_space<semaphore_mem>>)
    %scan3A_64 = arith.constant 0 : i32
    %scan3A_65 = arith.constant 0 : i32
    %scan3A_66 = arith.constant 39 : i32
    %scan3A_67 = arith.addi %scan3A_65, %scan3A_66 : i32
    %scan3A_68 = arith.constant 1 : i32
    scf.for %scan3A_114 = %scan3A_65 to %scan3A_67 step %scan3A_68  : i32 {
      %mul3A_115 = arith.constant 2 : i32
      %mul3A_116 = arith.muli %mul3A_115, %scan3A_114 : i32
      %mul3A_117 = arith.constant 2 : i32
      %mul3A_118 = arith.muli %mul3A_117, %mul3A_116 : i32
      %dma_wait3A_119 = arith.constant 0 : i32
      %dma_wait3A_120 = arith.constant 0 : i32
      %dma_wait3A_121 = arith.constant 0 : i32
      %dma_wait3A_122 = arith.constant 0 : i32
      %dma_wait3A_123 = tpu.memref_slice %arg6[%dma_wait3A_120, %dma_wait3A_121, %dma_wait3A_122] : memref<4x128x64xbf16, #tpu.memory_space<vmem>> -> memref<1x128x64xbf16, #tpu.memory_space<vmem>>
      %dma_wait3A_124 = tpu.memref_squeeze %dma_wait3A_123 : memref<1x128x64xbf16, #tpu.memory_space<vmem>> -> memref<128x64xbf16, #tpu.memory_space<vmem>>
      %dma_wait3A_125 = arith.constant 0 : i32
      %dma_wait3A_126 = tpu.memref_slice %arg5[%mul3A_118, %dma_wait3A_119, %dma_wait3A_125] : memref<157x2x128xi32, #tpu.memory_space<vmem>> -> memref<1x1x128xi32, #tpu.memory_space<vmem>>
      %dma_wait3A_127 = tpu.memref_squeeze %dma_wait3A_126 : memref<1x1x128xi32, #tpu.memory_space<vmem>> -> memref<128xi32, #tpu.memory_space<vmem>>
      %dma_wait3A_128 = arith.constant 0 : i32
      %dma_wait3A_129 = arith.constant 0 : i32
      %dma_wait3A_130 = tpu.memref_slice %arg2[%arg0, %dma_wait3A_128, %dma_wait3A_129] : memref<2x10000x64xbf16, #tpu.memory_space<hbm>> -> memref<1x10000x64xbf16, #tpu.memory_space<hbm>>
      %dma_wait3A_131 = tpu.memref_squeeze %dma_wait3A_130 : memref<1x10000x64xbf16, #tpu.memory_space<hbm>> -> memref<10000x64xbf16, #tpu.memory_space<hbm>>
      %dma_wait3A_132 = arith.constant 0 : i32
      %dma_wait3A_133 = arith.constant 0 : i32
      %dma_wait3A_134 = tpu.memref_slice %dma_wait3A_131[%dma_wait3A_132, %dma_wait3A_133] : memref<10000x64xbf16, #tpu.memory_space<hbm>> -> memref<10000x64xbf16, #tpu.memory_space<hbm>>
      tpu.wait_indirect_dma semaphore(%arg8 : memref<!tpu.dma_semaphore, #tpu.memory_space<semaphore_mem>>) src(%dma_wait3A_134 : memref<10000x64xbf16, #tpu.memory_space<hbm>>) dst(%dma_wait3A_124 : memref<128x64xbf16, #tpu.memory_space<vmem>>)
      %dma_start3A_135 = arith.constant 0 : i32
      %dma_start3A_136 = arith.constant 1 : i32
      %dma_start3A_137 = arith.constant 0 : i32
      %dma_start3A_138 = arith.constant 0 : i32
      %dma_start3A_139 = tpu.memref_slice %arg6[%dma_start3A_135, %dma_start3A_137, %dma_start3A_138] : memref<4x128x64xbf16, #tpu.memory_space<vmem>> -> memref<1x128x64xbf16, #tpu.memory_space<vmem>>
      %dma_start3A_140 = tpu.memref_squeeze %dma_start3A_139 : memref<1x128x64xbf16, #tpu.memory_space<vmem>> -> memref<128x64xbf16, #tpu.memory_space<vmem>>
      %dma_start3A_141 = arith.constant 0 : i32
      %dma_start3A_142 = tpu.memref_slice %arg5[%mul3A_118, %dma_start3A_136, %dma_start3A_141] : memref<157x2x128xi32, #tpu.memory_space<vmem>> -> memref<1x1x128xi32, #tpu.memory_space<vmem>>
      %dma_start3A_143 = tpu.memref_squeeze %dma_start3A_142 : memref<1x1x128xi32, #tpu.memory_space<vmem>> -> memref<128xi32, #tpu.memory_space<vmem>>
      %dma_start3A_144 = arith.constant 0 : i32
      %dma_start3A_145 = arith.constant 0 : i32
      %dma_start3A_146 = tpu.memref_slice %arg7[%dma_start3A_144, %dma_start3A_145] : memref<10240x64xbf16, #tpu.memory_space<vmem_shared>> -> memref<10240x64xbf16, #tpu.memory_space<vmem_shared>>
      tpu.enqueue_indirect_dma source(%dma_start3A_140 : memref<128x64xbf16, #tpu.memory_space<vmem>>) target(%dma_start3A_146 : memref<10240x64xbf16, #tpu.memory_space<vmem_shared>>) offsets(%dma_start3A_143 : memref<128xi32, #tpu.memory_space<vmem>>) semaphore(%arg12 : memref<!tpu.dma_semaphore, #tpu.memory_space<semaphore_mem>>) {add = true}
      %add3A_147 = arith.constant 1 : i32
      %add3A_148 = arith.addi %mul3A_118, %add3A_147 : i32
      %dma_wait3A_149 = arith.constant 0 : i32
      %dma_wait3A_150 = arith.constant 1 : i32
      %dma_wait3A_151 = arith.constant 0 : i32
      %dma_wait3A_152 = arith.constant 0 : i32
      %dma_wait3A_153 = tpu.memref_slice %arg6[%dma_wait3A_150, %dma_wait3A_151, %dma_wait3A_152] : memref<4x128x64xbf16, #tpu.memory_space<vmem>> -> memref<1x128x64xbf16, #tpu.memory_space<vmem>>
      %dma_wait3A_154 = tpu.memref_squeeze %dma_wait3A_153 : memref<1x128x64xbf16, #tpu.memory_space<vmem>> -> memref<128x64xbf16, #tpu.memory_space<vmem>>
      %dma_wait3A_155 = arith.constant 0 : i32
      %dma_wait3A_156 = tpu.memref_slice %arg5[%add3A_148, %dma_wait3A_149, %dma_wait3A_155] : memref<157x2x128xi32, #tpu.memory_space<vmem>> -> memref<1x1x128xi32, #tpu.memory_space<vmem>>
      %dma_wait3A_157 = tpu.memref_squeeze %dma_wait3A_156 : memref<1x1x128xi32, #tpu.memory_space<vmem>> -> memref<128xi32, #tpu.memory_space<vmem>>
      %dma_wait3A_158 = arith.constant 0 : i32
      %dma_wait3A_159 = arith.constant 0 : i32
      %dma_wait3A_160 = tpu.memref_slice %arg2[%arg0, %dma_wait3A_158, %dma_wait3A_159] : memref<2x10000x64xbf16, #tpu.memory_space<hbm>> -> memref<1x10000x64xbf16, #tpu.memory_space<hbm>>
      %dma_wait3A_161 = tpu.memref_squeeze %dma_wait3A_160 : memref<1x10000x64xbf16, #tpu.memory_space<hbm>> -> memref<10000x64xbf16, #tpu.memory_space<hbm>>
      %dma_wait3A_162 = arith.constant 0 : i32
      %dma_wait3A_163 = arith.constant 0 : i32
      %dma_wait3A_164 = tpu.memref_slice %dma_wait3A_161[%dma_wait3A_162, %dma_wait3A_163] : memref<10000x64xbf16, #tpu.memory_space<hbm>> -> memref<10000x64xbf16, #tpu.memory_space<hbm>>
      tpu.wait_indirect_dma semaphore(%arg9 : memref<!tpu.dma_semaphore, #tpu.memory_space<semaphore_mem>>) src(%dma_wait3A_164 : memref<10000x64xbf16, #tpu.memory_space<hbm>>) dst(%dma_wait3A_154 : memref<128x64xbf16, #tpu.memory_space<vmem>>)
      %add3A_165 = arith.constant 1 : i32
      %add3A_166 = arith.addi %mul3A_118, %add3A_165 : i32
      %dma_start3A_167 = arith.constant 1 : i32
      %dma_start3A_168 = arith.constant 1 : i32
      %dma_start3A_169 = arith.constant 0 : i32
      %dma_start3A_170 = arith.constant 0 : i32
      %dma_start3A_171 = tpu.memref_slice %arg6[%dma_start3A_167, %dma_start3A_169, %dma_start3A_170] : memref<4x128x64xbf16, #tpu.memory_space<vmem>> -> memref<1x128x64xbf16, #tpu.memory_space<vmem>>
      %dma_start3A_172 = tpu.memref_squeeze %dma_start3A_171 : memref<1x128x64xbf16, #tpu.memory_space<vmem>> -> memref<128x64xbf16, #tpu.memory_space<vmem>>
      %dma_start3A_173 = arith.constant 0 : i32
      %dma_start3A_174 = tpu.memref_slice %arg5[%add3A_166, %dma_start3A_168, %dma_start3A_173] : memref<157x2x128xi32, #tpu.memory_space<vmem>> -> memref<1x1x128xi32, #tpu.memory_space<vmem>>
      %dma_start3A_175 = tpu.memref_squeeze %dma_start3A_174 : memref<1x1x128xi32, #tpu.memory_space<vmem>> -> memref<128xi32, #tpu.memory_space<vmem>>
      %dma_start3A_176 = arith.constant 0 : i32
      %dma_start3A_177 = arith.constant 0 : i32
      %dma_start3A_178 = tpu.memref_slice %arg7[%dma_start3A_176, %dma_start3A_177] : memref<10240x64xbf16, #tpu.memory_space<vmem_shared>> -> memref<10240x64xbf16, #tpu.memory_space<vmem_shared>>
      tpu.enqueue_indirect_dma source(%dma_start3A_172 : memref<128x64xbf16, #tpu.memory_space<vmem>>) target(%dma_start3A_178 : memref<10240x64xbf16, #tpu.memory_space<vmem_shared>>) offsets(%dma_start3A_175 : memref<128xi32, #tpu.memory_space<vmem>>) semaphore(%arg13 : memref<!tpu.dma_semaphore, #tpu.memory_space<semaphore_mem>>) {add = true}
      %gt3A = arith.constant 0 : i32
      %gt3A_179 = arith.cmpi sgt, %mul3A_116, %gt3A : i32
      %convert_element_type3A_180 = arith.extui %gt3A_179 : i1 to i32
      %cond3A_181 = arith.constant 0 : i32
      %cond3A_182 = arith.cmpi ne, %convert_element_type3A_180, %cond3A_181 : i32
      scf.if %cond3A_182 {
        %dma_wait3A_264 = arith.constant 2 : i32
        %dma_wait3A_265 = arith.constant 0 : i32
        %dma_wait3A_266 = arith.constant 0 : i32
        %dma_wait3A_267 = tpu.memref_slice %arg6[%dma_wait3A_264, %dma_wait3A_265, %dma_wait3A_266] : memref<4x128x64xbf16, #tpu.memory_space<vmem>> -> memref<1x128x64xbf16, #tpu.memory_space<vmem>>
        %dma_wait3A_268 = tpu.memref_squeeze %dma_wait3A_267 : memref<1x128x64xbf16, #tpu.memory_space<vmem>> -> memref<128x64xbf16, #tpu.memory_space<vmem>>
        %dma_wait3A_269 = arith.constant 0 : i32
        %dma_wait3A_270 = arith.constant 0 : i32
        %dma_wait3A_271 = tpu.memref_slice %arg7[%dma_wait3A_269, %dma_wait3A_270] : memref<10240x64xbf16, #tpu.memory_space<vmem_shared>> -> memref<128x64xbf16, #tpu.memory_space<vmem_shared>>
        %dma_wait3A_272 = arith.constant 0 : i32
        %dma_wait3A_273 = arith.constant 0 : i32
        %dma_wait3A_274 = tpu.memref_slice %arg7[%dma_wait3A_272, %dma_wait3A_273] : memref<10240x64xbf16, #tpu.memory_space<vmem_shared>> -> memref<128x64xbf16, #tpu.memory_space<vmem_shared>>
        %dma_wait3A_275 = arith.constant 0 : i32
        %dma_wait3A_276 = arith.constant 0 : i32
        %dma_wait3A_277 = tpu.memref_slice %arg6[%dma_wait3A_264, %dma_wait3A_275, %dma_wait3A_276] : memref<4x128x64xbf16, #tpu.memory_space<vmem>> -> memref<1x128x64xbf16, #tpu.memory_space<vmem>>
        %dma_wait3A_278 = tpu.memref_squeeze %dma_wait3A_277 : memref<1x128x64xbf16, #tpu.memory_space<vmem>> -> memref<128x64xbf16, #tpu.memory_space<vmem>>
        tpu.wait_dma2 semaphore(%arg14 : memref<!tpu.dma_semaphore, #tpu.memory_space<semaphore_mem>>) src(%dma_wait3A_278 : memref<128x64xbf16, #tpu.memory_space<vmem>>) dst(%dma_wait3A_274 : memref<128x64xbf16, #tpu.memory_space<vmem_shared>>)
        %dma_wait3A_279 = arith.constant 3 : i32
        %dma_wait3A_280 = arith.constant 0 : i32
        %dma_wait3A_281 = arith.constant 0 : i32
        %dma_wait3A_282 = tpu.memref_slice %arg6[%dma_wait3A_279, %dma_wait3A_280, %dma_wait3A_281] : memref<4x128x64xbf16, #tpu.memory_space<vmem>> -> memref<1x128x64xbf16, #tpu.memory_space<vmem>>
        %dma_wait3A_283 = tpu.memref_squeeze %dma_wait3A_282 : memref<1x128x64xbf16, #tpu.memory_space<vmem>> -> memref<128x64xbf16, #tpu.memory_space<vmem>>
        %dma_wait3A_284 = arith.constant 0 : i32
        %dma_wait3A_285 = arith.constant 0 : i32
        %dma_wait3A_286 = tpu.memref_slice %arg7[%dma_wait3A_284, %dma_wait3A_285] : memref<10240x64xbf16, #tpu.memory_space<vmem_shared>> -> memref<128x64xbf16, #tpu.memory_space<vmem_shared>>
        %dma_wait3A_287 = arith.constant 0 : i32
        %dma_wait3A_288 = arith.constant 0 : i32
        %dma_wait3A_289 = tpu.memref_slice %arg7[%dma_wait3A_287, %dma_wait3A_288] : memref<10240x64xbf16, #tpu.memory_space<vmem_shared>> -> memref<128x64xbf16, #tpu.memory_space<vmem_shared>>
        %dma_wait3A_290 = arith.constant 0 : i32
        %dma_wait3A_291 = arith.constant 0 : i32
        %dma_wait3A_292 = tpu.memref_slice %arg6[%dma_wait3A_279, %dma_wait3A_290, %dma_wait3A_291] : memref<4x128x64xbf16, #tpu.memory_space<vmem>> -> memref<1x128x64xbf16, #tpu.memory_space<vmem>>
        %dma_wait3A_293 = tpu.memref_squeeze %dma_wait3A_292 : memref<1x128x64xbf16, #tpu.memory_space<vmem>> -> memref<128x64xbf16, #tpu.memory_space<vmem>>
        tpu.wait_dma2 semaphore(%arg15 : memref<!tpu.dma_semaphore, #tpu.memory_space<semaphore_mem>>) src(%dma_wait3A_293 : memref<128x64xbf16, #tpu.memory_space<vmem>>) dst(%dma_wait3A_289 : memref<128x64xbf16, #tpu.memory_space<vmem_shared>>)
      } else {
      }
      %lt3A_183 = arith.constant 77 : i32
      %lt3A_184 = arith.cmpi slt, %mul3A_116, %lt3A_183 : i32
      %convert_element_type3A_185 = arith.extui %lt3A_184 : i1 to i32
      %cond3A_186 = arith.constant 0 : i32
      %cond3A_187 = arith.cmpi ne, %convert_element_type3A_185, %cond3A_186 : i32
      scf.if %cond3A_187 {
        %add3A_264 = arith.constant 2 : i32
        %add3A_265 = arith.addi %mul3A_118, %add3A_264 : i32
        %dma_start3A_266 = arith.constant 0 : i32
        %dma_start3A_267 = arith.constant 2 : i32
        %dma_start3A_268 = arith.constant 0 : i32
        %dma_start3A_269 = arith.constant 0 : i32
        %dma_start3A_270 = tpu.memref_slice %arg6[%dma_start3A_267, %dma_start3A_268, %dma_start3A_269] : memref<4x128x64xbf16, #tpu.memory_space<vmem>> -> memref<1x128x64xbf16, #tpu.memory_space<vmem>>
        %dma_start3A_271 = tpu.memref_squeeze %dma_start3A_270 : memref<1x128x64xbf16, #tpu.memory_space<vmem>> -> memref<128x64xbf16, #tpu.memory_space<vmem>>
        %dma_start3A_272 = arith.constant 0 : i32
        %dma_start3A_273 = tpu.memref_slice %arg5[%add3A_265, %dma_start3A_266, %dma_start3A_272] : memref<157x2x128xi32, #tpu.memory_space<vmem>> -> memref<1x1x128xi32, #tpu.memory_space<vmem>>
        %dma_start3A_274 = tpu.memref_squeeze %dma_start3A_273 : memref<1x1x128xi32, #tpu.memory_space<vmem>> -> memref<128xi32, #tpu.memory_space<vmem>>
        %dma_start3A_275 = arith.constant 0 : i32
        %dma_start3A_276 = arith.constant 0 : i32
        %dma_start3A_277 = tpu.memref_slice %arg2[%arg0, %dma_start3A_275, %dma_start3A_276] : memref<2x10000x64xbf16, #tpu.memory_space<hbm>> -> memref<1x10000x64xbf16, #tpu.memory_space<hbm>>
        %dma_start3A_278 = tpu.memref_squeeze %dma_start3A_277 : memref<1x10000x64xbf16, #tpu.memory_space<hbm>> -> memref<10000x64xbf16, #tpu.memory_space<hbm>>
        %dma_start3A_279 = arith.constant 0 : i32
        %dma_start3A_280 = arith.constant 0 : i32
        %dma_start3A_281 = tpu.memref_slice %dma_start3A_278[%dma_start3A_279, %dma_start3A_280] : memref<10000x64xbf16, #tpu.memory_space<hbm>> -> memref<10000x64xbf16, #tpu.memory_space<hbm>>
        tpu.enqueue_indirect_dma source(%dma_start3A_281 : memref<10000x64xbf16, #tpu.memory_space<hbm>>) target(%dma_start3A_271 : memref<128x64xbf16, #tpu.memory_space<vmem>>) offsets(%dma_start3A_274 : memref<128xi32, #tpu.memory_space<vmem>>) semaphore(%arg10 : memref<!tpu.dma_semaphore, #tpu.memory_space<semaphore_mem>>)
        %add3A_282 = arith.constant 3 : i32
        %add3A_283 = arith.addi %mul3A_118, %add3A_282 : i32
        %dma_start3A_284 = arith.constant 0 : i32
        %dma_start3A_285 = arith.constant 3 : i32
        %dma_start3A_286 = arith.constant 0 : i32
        %dma_start3A_287 = arith.constant 0 : i32
        %dma_start3A_288 = tpu.memref_slice %arg6[%dma_start3A_285, %dma_start3A_286, %dma_start3A_287] : memref<4x128x64xbf16, #tpu.memory_space<vmem>> -> memref<1x128x64xbf16, #tpu.memory_space<vmem>>
        %dma_start3A_289 = tpu.memref_squeeze %dma_start3A_288 : memref<1x128x64xbf16, #tpu.memory_space<vmem>> -> memref<128x64xbf16, #tpu.memory_space<vmem>>
        %dma_start3A_290 = arith.constant 0 : i32
        %dma_start3A_291 = tpu.memref_slice %arg5[%add3A_283, %dma_start3A_284, %dma_start3A_290] : memref<157x2x128xi32, #tpu.memory_space<vmem>> -> memref<1x1x128xi32, #tpu.memory_space<vmem>>
        %dma_start3A_292 = tpu.memref_squeeze %dma_start3A_291 : memref<1x1x128xi32, #tpu.memory_space<vmem>> -> memref<128xi32, #tpu.memory_space<vmem>>
        %dma_start3A_293 = arith.constant 0 : i32
        %dma_start3A_294 = arith.constant 0 : i32
        %dma_start3A_295 = tpu.memref_slice %arg2[%arg0, %dma_start3A_293, %dma_start3A_294] : memref<2x10000x64xbf16, #tpu.memory_space<hbm>> -> memref<1x10000x64xbf16, #tpu.memory_space<hbm>>
        %dma_start3A_296 = tpu.memref_squeeze %dma_start3A_295 : memref<1x10000x64xbf16, #tpu.memory_space<hbm>> -> memref<10000x64xbf16, #tpu.memory_space<hbm>>
        %dma_start3A_297 = arith.constant 0 : i32
        %dma_start3A_298 = arith.constant 0 : i32
        %dma_start3A_299 = tpu.memref_slice %dma_start3A_296[%dma_start3A_297, %dma_start3A_298] : memref<10000x64xbf16, #tpu.memory_space<hbm>> -> memref<10000x64xbf16, #tpu.memory_space<hbm>>
        tpu.enqueue_indirect_dma source(%dma_start3A_299 : memref<10000x64xbf16, #tpu.memory_space<hbm>>) target(%dma_start3A_289 : memref<128x64xbf16, #tpu.memory_space<vmem>>) offsets(%dma_start3A_292 : memref<128xi32, #tpu.memory_space<vmem>>) semaphore(%arg11 : memref<!tpu.dma_semaphore, #tpu.memory_space<semaphore_mem>>)
      } else {
      }
      %mul3A_188 = arith.constant 2 : i32
      %mul3A_189 = arith.muli %mul3A_188, %scan3A_114 : i32
      %add3A_190 = arith.constant 1 : i32
      %add3A_191 = arith.addi %mul3A_189, %add3A_190 : i32
      %mul3A_192 = arith.constant 2 : i32
      %mul3A_193 = arith.muli %mul3A_192, %add3A_191 : i32
      %dma_wait3A_194 = arith.constant 0 : i32
      %dma_wait3A_195 = arith.constant 2 : i32
      %dma_wait3A_196 = arith.constant 0 : i32
      %dma_wait3A_197 = arith.constant 0 : i32
      %dma_wait3A_198 = tpu.memref_slice %arg6[%dma_wait3A_195, %dma_wait3A_196, %dma_wait3A_197] : memref<4x128x64xbf16, #tpu.memory_space<vmem>> -> memref<1x128x64xbf16, #tpu.memory_space<vmem>>
      %dma_wait3A_199 = tpu.memref_squeeze %dma_wait3A_198 : memref<1x128x64xbf16, #tpu.memory_space<vmem>> -> memref<128x64xbf16, #tpu.memory_space<vmem>>
      %dma_wait3A_200 = arith.constant 0 : i32
      %dma_wait3A_201 = tpu.memref_slice %arg5[%mul3A_193, %dma_wait3A_194, %dma_wait3A_200] : memref<157x2x128xi32, #tpu.memory_space<vmem>> -> memref<1x1x128xi32, #tpu.memory_space<vmem>>
      %dma_wait3A_202 = tpu.memref_squeeze %dma_wait3A_201 : memref<1x1x128xi32, #tpu.memory_space<vmem>> -> memref<128xi32, #tpu.memory_space<vmem>>
      %dma_wait3A_203 = arith.constant 0 : i32
      %dma_wait3A_204 = arith.constant 0 : i32
      %dma_wait3A_205 = tpu.memref_slice %arg2[%arg0, %dma_wait3A_203, %dma_wait3A_204] : memref<2x10000x64xbf16, #tpu.memory_space<hbm>> -> memref<1x10000x64xbf16, #tpu.memory_space<hbm>>
      %dma_wait3A_206 = tpu.memref_squeeze %dma_wait3A_205 : memref<1x10000x64xbf16, #tpu.memory_space<hbm>> -> memref<10000x64xbf16, #tpu.memory_space<hbm>>
      %dma_wait3A_207 = arith.constant 0 : i32
      %dma_wait3A_208 = arith.constant 0 : i32
      %dma_wait3A_209 = tpu.memref_slice %dma_wait3A_206[%dma_wait3A_207, %dma_wait3A_208] : memref<10000x64xbf16, #tpu.memory_space<hbm>> -> memref<10000x64xbf16, #tpu.memory_space<hbm>>
      tpu.wait_indirect_dma semaphore(%arg10 : memref<!tpu.dma_semaphore, #tpu.memory_space<semaphore_mem>>) src(%dma_wait3A_209 : memref<10000x64xbf16, #tpu.memory_space<hbm>>) dst(%dma_wait3A_199 : memref<128x64xbf16, #tpu.memory_space<vmem>>)
      %dma_start3A_210 = arith.constant 2 : i32
      %dma_start3A_211 = arith.constant 1 : i32
      %dma_start3A_212 = arith.constant 0 : i32
      %dma_start3A_213 = arith.constant 0 : i32
      %dma_start3A_214 = tpu.memref_slice %arg6[%dma_start3A_210, %dma_start3A_212, %dma_start3A_213] : memref<4x128x64xbf16, #tpu.memory_space<vmem>> -> memref<1x128x64xbf16, #tpu.memory_space<vmem>>
      %dma_start3A_215 = tpu.memref_squeeze %dma_start3A_214 : memref<1x128x64xbf16, #tpu.memory_space<vmem>> -> memref<128x64xbf16, #tpu.memory_space<vmem>>
      %dma_start3A_216 = arith.constant 0 : i32
      %dma_start3A_217 = tpu.memref_slice %arg5[%mul3A_193, %dma_start3A_211, %dma_start3A_216] : memref<157x2x128xi32, #tpu.memory_space<vmem>> -> memref<1x1x128xi32, #tpu.memory_space<vmem>>
      %dma_start3A_218 = tpu.memref_squeeze %dma_start3A_217 : memref<1x1x128xi32, #tpu.memory_space<vmem>> -> memref<128xi32, #tpu.memory_space<vmem>>
      %dma_start3A_219 = arith.constant 0 : i32
      %dma_start3A_220 = arith.constant 0 : i32
      %dma_start3A_221 = tpu.memref_slice %arg7[%dma_start3A_219, %dma_start3A_220] : memref<10240x64xbf16, #tpu.memory_space<vmem_shared>> -> memref<10240x64xbf16, #tpu.memory_space<vmem_shared>>
      tpu.enqueue_indirect_dma source(%dma_start3A_215 : memref<128x64xbf16, #tpu.memory_space<vmem>>) target(%dma_start3A_221 : memref<10240x64xbf16, #tpu.memory_space<vmem_shared>>) offsets(%dma_start3A_218 : memref<128xi32, #tpu.memory_space<vmem>>) semaphore(%arg14 : memref<!tpu.dma_semaphore, #tpu.memory_space<semaphore_mem>>) {add = true}
      %add3A_222 = arith.constant 1 : i32
      %add3A_223 = arith.addi %mul3A_193, %add3A_222 : i32
      %dma_wait3A_224 = arith.constant 0 : i32
      %dma_wait3A_225 = arith.constant 3 : i32
      %dma_wait3A_226 = arith.constant 0 : i32
      %dma_wait3A_227 = arith.constant 0 : i32
      %dma_wait3A_228 = tpu.memref_slice %arg6[%dma_wait3A_225, %dma_wait3A_226, %dma_wait3A_227] : memref<4x128x64xbf16, #tpu.memory_space<vmem>> -> memref<1x128x64xbf16, #tpu.memory_space<vmem>>
      %dma_wait3A_229 = tpu.memref_squeeze %dma_wait3A_228 : memref<1x128x64xbf16, #tpu.memory_space<vmem>> -> memref<128x64xbf16, #tpu.memory_space<vmem>>
      %dma_wait3A_230 = arith.constant 0 : i32
      %dma_wait3A_231 = tpu.memref_slice %arg5[%add3A_223, %dma_wait3A_224, %dma_wait3A_230] : memref<157x2x128xi32, #tpu.memory_space<vmem>> -> memref<1x1x128xi32, #tpu.memory_space<vmem>>
      %dma_wait3A_232 = tpu.memref_squeeze %dma_wait3A_231 : memref<1x1x128xi32, #tpu.memory_space<vmem>> -> memref<128xi32, #tpu.memory_space<vmem>>
      %dma_wait3A_233 = arith.constant 0 : i32
      %dma_wait3A_234 = arith.constant 0 : i32
      %dma_wait3A_235 = tpu.memref_slice %arg2[%arg0, %dma_wait3A_233, %dma_wait3A_234] : memref<2x10000x64xbf16, #tpu.memory_space<hbm>> -> memref<1x10000x64xbf16, #tpu.memory_space<hbm>>
      %dma_wait3A_236 = tpu.memref_squeeze %dma_wait3A_235 : memref<1x10000x64xbf16, #tpu.memory_space<hbm>> -> memref<10000x64xbf16, #tpu.memory_space<hbm>>
      %dma_wait3A_237 = arith.constant 0 : i32
      %dma_wait3A_238 = arith.constant 0 : i32
      %dma_wait3A_239 = tpu.memref_slice %dma_wait3A_236[%dma_wait3A_237, %dma_wait3A_238] : memref<10000x64xbf16, #tpu.memory_space<hbm>> -> memref<10000x64xbf16, #tpu.memory_space<hbm>>
      tpu.wait_indirect_dma semaphore(%arg11 : memref<!tpu.dma_semaphore, #tpu.memory_space<semaphore_mem>>) src(%dma_wait3A_239 : memref<10000x64xbf16, #tpu.memory_space<hbm>>) dst(%dma_wait3A_229 : memref<128x64xbf16, #tpu.memory_space<vmem>>)
      %add3A_240 = arith.constant 1 : i32
      %add3A_241 = arith.addi %mul3A_193, %add3A_240 : i32
      %dma_start3A_242 = arith.constant 3 : i32
      %dma_start3A_243 = arith.constant 1 : i32
      %dma_start3A_244 = arith.constant 0 : i32
      %dma_start3A_245 = arith.constant 0 : i32
      %dma_start3A_246 = tpu.memref_slice %arg6[%dma_start3A_242, %dma_start3A_244, %dma_start3A_245] : memref<4x128x64xbf16, #tpu.memory_space<vmem>> -> memref<1x128x64xbf16, #tpu.memory_space<vmem>>
      %dma_start3A_247 = tpu.memref_squeeze %dma_start3A_246 : memref<1x128x64xbf16, #tpu.memory_space<vmem>> -> memref<128x64xbf16, #tpu.memory_space<vmem>>
      %dma_start3A_248 = arith.constant 0 : i32
      %dma_start3A_249 = tpu.memref_slice %arg5[%add3A_241, %dma_start3A_243, %dma_start3A_248] : memref<157x2x128xi32, #tpu.memory_space<vmem>> -> memref<1x1x128xi32, #tpu.memory_space<vmem>>
      %dma_start3A_250 = tpu.memref_squeeze %dma_start3A_249 : memref<1x1x128xi32, #tpu.memory_space<vmem>> -> memref<128xi32, #tpu.memory_space<vmem>>
      %dma_start3A_251 = arith.constant 0 : i32
      %dma_start3A_252 = arith.constant 0 : i32
      %dma_start3A_253 = tpu.memref_slice %arg7[%dma_start3A_251, %dma_start3A_252] : memref<10240x64xbf16, #tpu.memory_space<vmem_shared>> -> memref<10240x64xbf16, #tpu.memory_space<vmem_shared>>
      tpu.enqueue_indirect_dma source(%dma_start3A_247 : memref<128x64xbf16, #tpu.memory_space<vmem>>) target(%dma_start3A_253 : memref<10240x64xbf16, #tpu.memory_space<vmem_shared>>) offsets(%dma_start3A_250 : memref<128xi32, #tpu.memory_space<vmem>>) semaphore(%arg15 : memref<!tpu.dma_semaphore, #tpu.memory_space<semaphore_mem>>) {add = true}
      %gt3A_254 = arith.constant 0 : i32
      %gt3A_255 = arith.cmpi sgt, %add3A_191, %gt3A_254 : i32
      %convert_element_type3A_256 = arith.extui %gt3A_255 : i1 to i32
      %cond3A_257 = arith.constant 0 : i32
      %cond3A_258 = arith.cmpi ne, %convert_element_type3A_256, %cond3A_257 : i32
      scf.if %cond3A_258 {
        %dma_wait3A_264 = arith.constant 0 : i32
        %dma_wait3A_265 = arith.constant 0 : i32
        %dma_wait3A_266 = arith.constant 0 : i32
        %dma_wait3A_267 = tpu.memref_slice %arg6[%dma_wait3A_264, %dma_wait3A_265, %dma_wait3A_266] : memref<4x128x64xbf16, #tpu.memory_space<vmem>> -> memref<1x128x64xbf16, #tpu.memory_space<vmem>>
        %dma_wait3A_268 = tpu.memref_squeeze %dma_wait3A_267 : memref<1x128x64xbf16, #tpu.memory_space<vmem>> -> memref<128x64xbf16, #tpu.memory_space<vmem>>
        %dma_wait3A_269 = arith.constant 0 : i32
        %dma_wait3A_270 = arith.constant 0 : i32
        %dma_wait3A_271 = tpu.memref_slice %arg7[%dma_wait3A_269, %dma_wait3A_270] : memref<10240x64xbf16, #tpu.memory_space<vmem_shared>> -> memref<128x64xbf16, #tpu.memory_space<vmem_shared>>
        %dma_wait3A_272 = arith.constant 0 : i32
        %dma_wait3A_273 = arith.constant 0 : i32
        %dma_wait3A_274 = tpu.memref_slice %arg7[%dma_wait3A_272, %dma_wait3A_273] : memref<10240x64xbf16, #tpu.memory_space<vmem_shared>> -> memref<128x64xbf16, #tpu.memory_space<vmem_shared>>
        %dma_wait3A_275 = arith.constant 0 : i32
        %dma_wait3A_276 = arith.constant 0 : i32
        %dma_wait3A_277 = tpu.memref_slice %arg6[%dma_wait3A_264, %dma_wait3A_275, %dma_wait3A_276] : memref<4x128x64xbf16, #tpu.memory_space<vmem>> -> memref<1x128x64xbf16, #tpu.memory_space<vmem>>
        %dma_wait3A_278 = tpu.memref_squeeze %dma_wait3A_277 : memref<1x128x64xbf16, #tpu.memory_space<vmem>> -> memref<128x64xbf16, #tpu.memory_space<vmem>>
        tpu.wait_dma2 semaphore(%arg12 : memref<!tpu.dma_semaphore, #tpu.memory_space<semaphore_mem>>) src(%dma_wait3A_278 : memref<128x64xbf16, #tpu.memory_space<vmem>>) dst(%dma_wait3A_274 : memref<128x64xbf16, #tpu.memory_space<vmem_shared>>)
        %dma_wait3A_279 = arith.constant 1 : i32
        %dma_wait3A_280 = arith.constant 0 : i32
        %dma_wait3A_281 = arith.constant 0 : i32
        %dma_wait3A_282 = tpu.memref_slice %arg6[%dma_wait3A_279, %dma_wait3A_280, %dma_wait3A_281] : memref<4x128x64xbf16, #tpu.memory_space<vmem>> -> memref<1x128x64xbf16, #tpu.memory_space<vmem>>
        %dma_wait3A_283 = tpu.memref_squeeze %dma_wait3A_282 : memref<1x128x64xbf16, #tpu.memory_space<vmem>> -> memref<128x64xbf16, #tpu.memory_space<vmem>>
        %dma_wait3A_284 = arith.constant 0 : i32
        %dma_wait3A_285 = arith.constant 0 : i32
        %dma_wait3A_286 = tpu.memref_slice %arg7[%dma_wait3A_284, %dma_wait3A_285] : memref<10240x64xbf16, #tpu.memory_space<vmem_shared>> -> memref<128x64xbf16, #tpu.memory_space<vmem_shared>>
        %dma_wait3A_287 = arith.constant 0 : i32
        %dma_wait3A_288 = arith.constant 0 : i32
        %dma_wait3A_289 = tpu.memref_slice %arg7[%dma_wait3A_287, %dma_wait3A_288] : memref<10240x64xbf16, #tpu.memory_space<vmem_shared>> -> memref<128x64xbf16, #tpu.memory_space<vmem_shared>>
        %dma_wait3A_290 = arith.constant 0 : i32
        %dma_wait3A_291 = arith.constant 0 : i32
        %dma_wait3A_292 = tpu.memref_slice %arg6[%dma_wait3A_279, %dma_wait3A_290, %dma_wait3A_291] : memref<4x128x64xbf16, #tpu.memory_space<vmem>> -> memref<1x128x64xbf16, #tpu.memory_space<vmem>>
        %dma_wait3A_293 = tpu.memref_squeeze %dma_wait3A_292 : memref<1x128x64xbf16, #tpu.memory_space<vmem>> -> memref<128x64xbf16, #tpu.memory_space<vmem>>
        tpu.wait_dma2 semaphore(%arg13 : memref<!tpu.dma_semaphore, #tpu.memory_space<semaphore_mem>>) src(%dma_wait3A_293 : memref<128x64xbf16, #tpu.memory_space<vmem>>) dst(%dma_wait3A_289 : memref<128x64xbf16, #tpu.memory_space<vmem_shared>>)
      } else {
      }
      %lt3A_259 = arith.constant 77 : i32
      %lt3A_260 = arith.cmpi slt, %add3A_191, %lt3A_259 : i32
      %convert_element_type3A_261 = arith.extui %lt3A_260 : i1 to i32
      %cond3A_262 = arith.constant 0 : i32
      %cond3A_263 = arith.cmpi ne, %convert_element_type3A_261, %cond3A_262 : i32
      scf.if %cond3A_263 {
        %add3A_264 = arith.constant 2 : i32
        %add3A_265 = arith.addi %mul3A_193, %add3A_264 : i32
        %dma_start3A_266 = arith.constant 0 : i32
        %dma_start3A_267 = arith.constant 0 : i32
        %dma_start3A_268 = arith.constant 0 : i32
        %dma_start3A_269 = arith.constant 0 : i32
        %dma_start3A_270 = tpu.memref_slice %arg6[%dma_start3A_267, %dma_start3A_268, %dma_start3A_269] : memref<4x128x64xbf16, #tpu.memory_space<vmem>> -> memref<1x128x64xbf16, #tpu.memory_space<vmem>>
        %dma_start3A_271 = tpu.memref_squeeze %dma_start3A_270 : memref<1x128x64xbf16, #tpu.memory_space<vmem>> -> memref<128x64xbf16, #tpu.memory_space<vmem>>
        %dma_start3A_272 = arith.constant 0 : i32
        %dma_start3A_273 = tpu.memref_slice %arg5[%add3A_265, %dma_start3A_266, %dma_start3A_272] : memref<157x2x128xi32, #tpu.memory_space<vmem>> -> memref<1x1x128xi32, #tpu.memory_space<vmem>>
        %dma_start3A_274 = tpu.memref_squeeze %dma_start3A_273 : memref<1x1x128xi32, #tpu.memory_space<vmem>> -> memref<128xi32, #tpu.memory_space<vmem>>
        %dma_start3A_275 = arith.constant 0 : i32
        %dma_start3A_276 = arith.constant 0 : i32
        %dma_start3A_277 = tpu.memref_slice %arg2[%arg0, %dma_start3A_275, %dma_start3A_276] : memref<2x10000x64xbf16, #tpu.memory_space<hbm>> -> memref<1x10000x64xbf16, #tpu.memory_space<hbm>>
        %dma_start3A_278 = tpu.memref_squeeze %dma_start3A_277 : memref<1x10000x64xbf16, #tpu.memory_space<hbm>> -> memref<10000x64xbf16, #tpu.memory_space<hbm>>
        %dma_start3A_279 = arith.constant 0 : i32
        %dma_start3A_280 = arith.constant 0 : i32
        %dma_start3A_281 = tpu.memref_slice %dma_start3A_278[%dma_start3A_279, %dma_start3A_280] : memref<10000x64xbf16, #tpu.memory_space<hbm>> -> memref<10000x64xbf16, #tpu.memory_space<hbm>>
        tpu.enqueue_indirect_dma source(%dma_start3A_281 : memref<10000x64xbf16, #tpu.memory_space<hbm>>) target(%dma_start3A_271 : memref<128x64xbf16, #tpu.memory_space<vmem>>) offsets(%dma_start3A_274 : memref<128xi32, #tpu.memory_space<vmem>>) semaphore(%arg8 : memref<!tpu.dma_semaphore, #tpu.memory_space<semaphore_mem>>)
        %add3A_282 = arith.constant 3 : i32
        %add3A_283 = arith.addi %mul3A_193, %add3A_282 : i32
        %dma_start3A_284 = arith.constant 0 : i32
        %dma_start3A_285 = arith.constant 1 : i32
        %dma_start3A_286 = arith.constant 0 : i32
        %dma_start3A_287 = arith.constant 0 : i32
        %dma_start3A_288 = tpu.memref_slice %arg6[%dma_start3A_285, %dma_start3A_286, %dma_start3A_287] : memref<4x128x64xbf16, #tpu.memory_space<vmem>> -> memref<1x128x64xbf16, #tpu.memory_space<vmem>>
        %dma_start3A_289 = tpu.memref_squeeze %dma_start3A_288 : memref<1x128x64xbf16, #tpu.memory_space<vmem>> -> memref<128x64xbf16, #tpu.memory_space<vmem>>
        %dma_start3A_290 = arith.constant 0 : i32
        %dma_start3A_291 = tpu.memref_slice %arg5[%add3A_283, %dma_start3A_284, %dma_start3A_290] : memref<157x2x128xi32, #tpu.memory_space<vmem>> -> memref<1x1x128xi32, #tpu.memory_space<vmem>>
        %dma_start3A_292 = tpu.memref_squeeze %dma_start3A_291 : memref<1x1x128xi32, #tpu.memory_space<vmem>> -> memref<128xi32, #tpu.memory_space<vmem>>
        %dma_start3A_293 = arith.constant 0 : i32
        %dma_start3A_294 = arith.constant 0 : i32
        %dma_start3A_295 = tpu.memref_slice %arg2[%arg0, %dma_start3A_293, %dma_start3A_294] : memref<2x10000x64xbf16, #tpu.memory_space<hbm>> -> memref<1x10000x64xbf16, #tpu.memory_space<hbm>>
        %dma_start3A_296 = tpu.memref_squeeze %dma_start3A_295 : memref<1x10000x64xbf16, #tpu.memory_space<hbm>> -> memref<10000x64xbf16, #tpu.memory_space<hbm>>
        %dma_start3A_297 = arith.constant 0 : i32
        %dma_start3A_298 = arith.constant 0 : i32
        %dma_start3A_299 = tpu.memref_slice %dma_start3A_296[%dma_start3A_297, %dma_start3A_298] : memref<10000x64xbf16, #tpu.memory_space<hbm>> -> memref<10000x64xbf16, #tpu.memory_space<hbm>>
        tpu.enqueue_indirect_dma source(%dma_start3A_299 : memref<10000x64xbf16, #tpu.memory_space<hbm>>) target(%dma_start3A_289 : memref<128x64xbf16, #tpu.memory_space<vmem>>) offsets(%dma_start3A_292 : memref<128xi32, #tpu.memory_space<vmem>>) semaphore(%arg9 : memref<!tpu.dma_semaphore, #tpu.memory_space<semaphore_mem>>)
      } else {
      }
    }
    %scan3A_69 = arith.constant 39 : i32
    %dma_wait3A = arith.constant 2 : i32
    %dma_wait3A_70 = arith.constant 0 : i32
    %dma_wait3A_71 = arith.constant 0 : i32
    %dma_wait3A_72 = tpu.memref_slice %arg6[%dma_wait3A, %dma_wait3A_70, %dma_wait3A_71] : memref<4x128x64xbf16, #tpu.memory_space<vmem>> -> memref<1x128x64xbf16, #tpu.memory_space<vmem>>
    %dma_wait3A_73 = tpu.memref_squeeze %dma_wait3A_72 : memref<1x128x64xbf16, #tpu.memory_space<vmem>> -> memref<128x64xbf16, #tpu.memory_space<vmem>>
    %dma_wait3A_74 = arith.constant 0 : i32
    %dma_wait3A_75 = arith.constant 0 : i32
    %dma_wait3A_76 = tpu.memref_slice %arg7[%dma_wait3A_74, %dma_wait3A_75] : memref<10240x64xbf16, #tpu.memory_space<vmem_shared>> -> memref<128x64xbf16, #tpu.memory_space<vmem_shared>>
    %dma_wait3A_77 = arith.constant 0 : i32
    %dma_wait3A_78 = arith.constant 0 : i32
    %dma_wait3A_79 = tpu.memref_slice %arg7[%dma_wait3A_77, %dma_wait3A_78] : memref<10240x64xbf16, #tpu.memory_space<vmem_shared>> -> memref<128x64xbf16, #tpu.memory_space<vmem_shared>>
    %dma_wait3A_80 = arith.constant 0 : i32
    %dma_wait3A_81 = arith.constant 0 : i32
    %dma_wait3A_82 = tpu.memref_slice %arg6[%dma_wait3A, %dma_wait3A_80, %dma_wait3A_81] : memref<4x128x64xbf16, #tpu.memory_space<vmem>> -> memref<1x128x64xbf16, #tpu.memory_space<vmem>>
    %dma_wait3A_83 = tpu.memref_squeeze %dma_wait3A_82 : memref<1x128x64xbf16, #tpu.memory_space<vmem>> -> memref<128x64xbf16, #tpu.memory_space<vmem>>
    tpu.wait_dma2 semaphore(%arg14 : memref<!tpu.dma_semaphore, #tpu.memory_space<semaphore_mem>>) src(%dma_wait3A_83 : memref<128x64xbf16, #tpu.memory_space<vmem>>) dst(%dma_wait3A_79 : memref<128x64xbf16, #tpu.memory_space<vmem_shared>>)
    %dma_wait3A_84 = arith.constant 3 : i32
    %dma_wait3A_85 = arith.constant 0 : i32
    %dma_wait3A_86 = arith.constant 0 : i32
    %dma_wait3A_87 = tpu.memref_slice %arg6[%dma_wait3A_84, %dma_wait3A_85, %dma_wait3A_86] : memref<4x128x64xbf16, #tpu.memory_space<vmem>> -> memref<1x128x64xbf16, #tpu.memory_space<vmem>>
    %dma_wait3A_88 = tpu.memref_squeeze %dma_wait3A_87 : memref<1x128x64xbf16, #tpu.memory_space<vmem>> -> memref<128x64xbf16, #tpu.memory_space<vmem>>
    %dma_wait3A_89 = arith.constant 0 : i32
    %dma_wait3A_90 = arith.constant 0 : i32
    %dma_wait3A_91 = tpu.memref_slice %arg7[%dma_wait3A_89, %dma_wait3A_90] : memref<10240x64xbf16, #tpu.memory_space<vmem_shared>> -> memref<128x64xbf16, #tpu.memory_space<vmem_shared>>
    %dma_wait3A_92 = arith.constant 0 : i32
    %dma_wait3A_93 = arith.constant 0 : i32
    %dma_wait3A_94 = tpu.memref_slice %arg7[%dma_wait3A_92, %dma_wait3A_93] : memref<10240x64xbf16, #tpu.memory_space<vmem_shared>> -> memref<128x64xbf16, #tpu.memory_space<vmem_shared>>
    %dma_wait3A_95 = arith.constant 0 : i32
    %dma_wait3A_96 = arith.constant 0 : i32
    %dma_wait3A_97 = tpu.memref_slice %arg6[%dma_wait3A_84, %dma_wait3A_95, %dma_wait3A_96] : memref<4x128x64xbf16, #tpu.memory_space<vmem>> -> memref<1x128x64xbf16, #tpu.memory_space<vmem>>
    %dma_wait3A_98 = tpu.memref_squeeze %dma_wait3A_97 : memref<1x128x64xbf16, #tpu.memory_space<vmem>> -> memref<128x64xbf16, #tpu.memory_space<vmem>>
    tpu.wait_dma2 semaphore(%arg15 : memref<!tpu.dma_semaphore, #tpu.memory_space<semaphore_mem>>) src(%dma_wait3A_98 : memref<128x64xbf16, #tpu.memory_space<vmem>>) dst(%dma_wait3A_94 : memref<128x64xbf16, #tpu.memory_space<vmem_shared>>)
    %lt3A_99 = arith.constant 4 : i32
    %lt3A_100 = arith.cmpi slt, %arg1, %lt3A_99 : i32
    %convert_element_type3A_101 = arith.extui %lt3A_100 : i1 to i32
    %cond3A_102 = arith.constant 0 : i32
    %cond3A_103 = arith.cmpi ne, %convert_element_type3A_101, %cond3A_102 : i32
    scf.if %cond3A_103 {
      %run_scoped3A_114 = arith.constant 156 : i32
      %run_scoped3A_115 = arith.constant 0 : i32
      %run_scoped3A_116 = arith.constant 0 : i32
      "tpu.region"() ({
        %run_scoped3A_120 = tpu.sem_alloc : memref<!tpu.dma_semaphore, #tpu.memory_space<semaphore_mem>>
        %dma_start3A_121 = arith.constant 0 : i32
        %dma_start3A_122 = arith.constant 0 : i32
        %dma_start3A_123 = tpu.memref_slice %arg6[%run_scoped3A_116, %dma_start3A_121, %dma_start3A_122] : memref<4x128x64xbf16, #tpu.memory_space<vmem>> -> memref<1x128x64xbf16, #tpu.memory_space<vmem>>
        %dma_start3A_124 = tpu.memref_squeeze %dma_start3A_123 : memref<1x128x64xbf16, #tpu.memory_space<vmem>> -> memref<128x64xbf16, #tpu.memory_space<vmem>>
        %dma_start3A_125 = arith.constant 0 : i32
        %dma_start3A_126 = tpu.memref_slice %arg5[%run_scoped3A_114, %run_scoped3A_115, %dma_start3A_125] : memref<157x2x128xi32, #tpu.memory_space<vmem>> -> memref<1x1x128xi32, #tpu.memory_space<vmem>>
        %dma_start3A_127 = tpu.memref_squeeze %dma_start3A_126 : memref<1x1x128xi32, #tpu.memory_space<vmem>> -> memref<128xi32, #tpu.memory_space<vmem>>
        %dma_start3A_128 = arith.constant 0 : i32
        %dma_start3A_129 = arith.constant 0 : i32
        %dma_start3A_130 = tpu.memref_slice %arg2[%arg0, %dma_start3A_128, %dma_start3A_129] : memref<2x10000x64xbf16, #tpu.memory_space<hbm>> -> memref<1x10000x64xbf16, #tpu.memory_space<hbm>>
        %dma_start3A_131 = tpu.memref_squeeze %dma_start3A_130 : memref<1x10000x64xbf16, #tpu.memory_space<hbm>> -> memref<10000x64xbf16, #tpu.memory_space<hbm>>
        %dma_start3A_132 = arith.constant 0 : i32
        %dma_start3A_133 = arith.constant 0 : i32
        %dma_start3A_134 = tpu.memref_slice %dma_start3A_131[%dma_start3A_132, %dma_start3A_133] : memref<10000x64xbf16, #tpu.memory_space<hbm>> -> memref<10000x64xbf16, #tpu.memory_space<hbm>>
        tpu.enqueue_indirect_dma source(%dma_start3A_134 : memref<10000x64xbf16, #tpu.memory_space<hbm>>) target(%dma_start3A_124 : memref<128x64xbf16, #tpu.memory_space<vmem>>) offsets(%dma_start3A_127 : memref<128xi32, #tpu.memory_space<vmem>>) semaphore(%run_scoped3A_120 : memref<!tpu.dma_semaphore, #tpu.memory_space<semaphore_mem>>)
        %dma_wait3A_135 = arith.constant 0 : i32
        %dma_wait3A_136 = arith.constant 0 : i32
        %dma_wait3A_137 = tpu.memref_slice %arg6[%run_scoped3A_116, %dma_wait3A_135, %dma_wait3A_136] : memref<4x128x64xbf16, #tpu.memory_space<vmem>> -> memref<1x128x64xbf16, #tpu.memory_space<vmem>>
        %dma_wait3A_138 = tpu.memref_squeeze %dma_wait3A_137 : memref<1x128x64xbf16, #tpu.memory_space<vmem>> -> memref<128x64xbf16, #tpu.memory_space<vmem>>
        %dma_wait3A_139 = arith.constant 0 : i32
        %dma_wait3A_140 = tpu.memref_slice %arg5[%run_scoped3A_114, %run_scoped3A_115, %dma_wait3A_139] : memref<157x2x128xi32, #tpu.memory_space<vmem>> -> memref<1x1x128xi32, #tpu.memory_space<vmem>>
        %dma_wait3A_141 = tpu.memref_squeeze %dma_wait3A_140 : memref<1x1x128xi32, #tpu.memory_space<vmem>> -> memref<128xi32, #tpu.memory_space<vmem>>
        %dma_wait3A_142 = arith.constant 0 : i32
        %dma_wait3A_143 = arith.constant 0 : i32
        %dma_wait3A_144 = tpu.memref_slice %arg2[%arg0, %dma_wait3A_142, %dma_wait3A_143] : memref<2x10000x64xbf16, #tpu.memory_space<hbm>> -> memref<1x10000x64xbf16, #tpu.memory_space<hbm>>
        %dma_wait3A_145 = tpu.memref_squeeze %dma_wait3A_144 : memref<1x10000x64xbf16, #tpu.memory_space<hbm>> -> memref<10000x64xbf16, #tpu.memory_space<hbm>>
        %dma_wait3A_146 = arith.constant 0 : i32
        %dma_wait3A_147 = arith.constant 0 : i32
        %dma_wait3A_148 = tpu.memref_slice %dma_wait3A_145[%dma_wait3A_146, %dma_wait3A_147] : memref<10000x64xbf16, #tpu.memory_space<hbm>> -> memref<10000x64xbf16, #tpu.memory_space<hbm>>
        tpu.wait_indirect_dma semaphore(%run_scoped3A_120 : memref<!tpu.dma_semaphore, #tpu.memory_space<semaphore_mem>>) src(%dma_wait3A_148 : memref<10000x64xbf16, #tpu.memory_space<hbm>>) dst(%dma_wait3A_138 : memref<128x64xbf16, #tpu.memory_space<vmem>>)
        tpu.yield
      }) : () -> ()
      %run_scoped3A_117 = arith.constant 0 : i32
      %run_scoped3A_118 = arith.constant 156 : i32
      %run_scoped3A_119 = arith.constant 1 : i32
      "tpu.region"() ({
        %run_scoped3A_120 = tpu.sem_alloc : memref<!tpu.dma_semaphore, #tpu.memory_space<semaphore_mem>>
        %dma_start3A_121 = arith.constant 0 : i32
        %dma_start3A_122 = arith.constant 0 : i32
        %dma_start3A_123 = tpu.memref_slice %arg6[%run_scoped3A_117, %dma_start3A_121, %dma_start3A_122] : memref<4x128x64xbf16, #tpu.memory_space<vmem>> -> memref<1x128x64xbf16, #tpu.memory_space<vmem>>
        %dma_start3A_124 = tpu.memref_squeeze %dma_start3A_123 : memref<1x128x64xbf16, #tpu.memory_space<vmem>> -> memref<128x64xbf16, #tpu.memory_space<vmem>>
        %dma_start3A_125 = arith.constant 0 : i32
        %dma_start3A_126 = tpu.memref_slice %arg5[%run_scoped3A_118, %run_scoped3A_119, %dma_start3A_125] : memref<157x2x128xi32, #tpu.memory_space<vmem>> -> memref<1x1x128xi32, #tpu.memory_space<vmem>>
        %dma_start3A_127 = tpu.memref_squeeze %dma_start3A_126 : memref<1x1x128xi32, #tpu.memory_space<vmem>> -> memref<128xi32, #tpu.memory_space<vmem>>
        %dma_start3A_128 = arith.constant 0 : i32
        %dma_start3A_129 = arith.constant 0 : i32
        %dma_start3A_130 = tpu.memref_slice %arg7[%dma_start3A_128, %dma_start3A_129] : memref<10240x64xbf16, #tpu.memory_space<vmem_shared>> -> memref<10240x64xbf16, #tpu.memory_space<vmem_shared>>
        tpu.enqueue_indirect_dma source(%dma_start3A_124 : memref<128x64xbf16, #tpu.memory_space<vmem>>) target(%dma_start3A_130 : memref<10240x64xbf16, #tpu.memory_space<vmem_shared>>) offsets(%dma_start3A_127 : memref<128xi32, #tpu.memory_space<vmem>>) semaphore(%run_scoped3A_120 : memref<!tpu.dma_semaphore, #tpu.memory_space<semaphore_mem>>) {add = true}
        %dma_wait3A_131 = arith.constant 0 : i32
        %dma_wait3A_132 = arith.constant 0 : i32
        %dma_wait3A_133 = tpu.memref_slice %arg6[%run_scoped3A_117, %dma_wait3A_131, %dma_wait3A_132] : memref<4x128x64xbf16, #tpu.memory_space<vmem>> -> memref<1x128x64xbf16, #tpu.memory_space<vmem>>
        %dma_wait3A_134 = tpu.memref_squeeze %dma_wait3A_133 : memref<1x128x64xbf16, #tpu.memory_space<vmem>> -> memref<128x64xbf16, #tpu.memory_space<vmem>>
        %dma_wait3A_135 = arith.constant 0 : i32
        %dma_wait3A_136 = tpu.memref_slice %arg5[%run_scoped3A_118, %run_scoped3A_119, %dma_wait3A_135] : memref<157x2x128xi32, #tpu.memory_space<vmem>> -> memref<1x1x128xi32, #tpu.memory_space<vmem>>
        %dma_wait3A_137 = tpu.memref_squeeze %dma_wait3A_136 : memref<1x1x128xi32, #tpu.memory_space<vmem>> -> memref<128xi32, #tpu.memory_space<vmem>>
        %dma_wait3A_138 = arith.constant 0 : i32
        %dma_wait3A_139 = arith.constant 0 : i32
        %dma_wait3A_140 = tpu.memref_slice %arg7[%dma_wait3A_138, %dma_wait3A_139] : memref<10240x64xbf16, #tpu.memory_space<vmem_shared>> -> memref<10240x64xbf16, #tpu.memory_space<vmem_shared>>
        tpu.wait_indirect_dma semaphore(%run_scoped3A_120 : memref<!tpu.dma_semaphore, #tpu.memory_space<semaphore_mem>>) src(%dma_wait3A_134 : memref<128x64xbf16, #tpu.memory_space<vmem>>) dst(%dma_wait3A_140 : memref<10240x64xbf16, #tpu.memory_space<vmem_shared>>)
        tpu.yield
      }) : () -> ()
    } else {
    }
    %barrier3A_104 = arith.constant 0 : index
    tpu.barrier barrier_id(%barrier3A_104)
    %lt3A_105 = arith.constant 15 : i32
    %lt3A_106 = arith.cmpi slt, %arg1, %lt3A_105 : i32
    %convert_element_type3A_107 = arith.extui %lt3A_106 : i1 to i32
    %cond3A_108 = arith.constant 0 : i32
    %cond3A_109 = arith.cmpi ne, %convert_element_type3A_107, %cond3A_108 : i32
    scf.if %cond3A_109 {
      %mul3A_114 = arith.constant 640 : i32
      %mul3A_115 = arith.muli %arg1, %mul3A_114 : i32
      %mul3A_116 = arith.constant 640 : i32
      %mul3A_117 = arith.muli %arg1, %mul3A_116 : i32
      "tpu.region"() ({
        %run_scoped3A_118 = tpu.sem_alloc : memref<!tpu.dma_semaphore, #tpu.memory_space<semaphore_mem>>
        %dma_start3A_119 = arith.constant 0 : i32
        %dma_start3A_120 = arith.constant 0 : i32
        %dma_start3A_121 = tpu.memref_slice %arg4[%arg0, %dma_start3A_119, %dma_start3A_120] : memref<2x10000x64xbf16, #tpu.memory_space<hbm>> -> memref<1x10000x64xbf16, #tpu.memory_space<hbm>>
        %dma_start3A_122 = tpu.memref_squeeze %dma_start3A_121 : memref<1x10000x64xbf16, #tpu.memory_space<hbm>> -> memref<10000x64xbf16, #tpu.memory_space<hbm>>
        %dma_start3A_123 = arith.constant 0 : i32
        %dma_start3A_124 = tpu.memref_slice %dma_start3A_122[%mul3A_117, %dma_start3A_123] : memref<10000x64xbf16, #tpu.memory_space<hbm>> -> memref<640x64xbf16, #tpu.memory_space<hbm>>
        %dma_start3A_125 = arith.constant 0 : i32
        %dma_start3A_126 = tpu.memref_slice %arg7[%mul3A_115, %dma_start3A_125] : memref<10240x64xbf16, #tpu.memory_space<vmem_shared>> -> memref<640x64xbf16, #tpu.memory_space<vmem_shared>>
        tpu.enqueue_dma source(%dma_start3A_126 : memref<640x64xbf16, #tpu.memory_space<vmem_shared>>) target(%dma_start3A_124 : memref<640x64xbf16, #tpu.memory_space<hbm>>) target_semaphore(%run_scoped3A_118 : memref<!tpu.dma_semaphore, #tpu.memory_space<semaphore_mem>>)
        %dma_wait3A_127 = arith.constant 0 : i32
        %dma_wait3A_128 = arith.constant 0 : i32
        %dma_wait3A_129 = tpu.memref_slice %arg4[%arg0, %dma_wait3A_127, %dma_wait3A_128] : memref<2x10000x64xbf16, #tpu.memory_space<hbm>> -> memref<1x10000x64xbf16, #tpu.memory_space<hbm>>
        %dma_wait3A_130 = tpu.memref_squeeze %dma_wait3A_129 : memref<1x10000x64xbf16, #tpu.memory_space<hbm>> -> memref<10000x64xbf16, #tpu.memory_space<hbm>>
        %dma_wait3A_131 = arith.constant 0 : i32
        %dma_wait3A_132 = tpu.memref_slice %dma_wait3A_130[%mul3A_117, %dma_wait3A_131] : memref<10000x64xbf16, #tpu.memory_space<hbm>> -> memref<640x64xbf16, #tpu.memory_space<hbm>>
        %dma_wait3A_133 = arith.constant 0 : i32
        %dma_wait3A_134 = tpu.memref_slice %arg7[%mul3A_115, %dma_wait3A_133] : memref<10240x64xbf16, #tpu.memory_space<vmem_shared>> -> memref<640x64xbf16, #tpu.memory_space<vmem_shared>>
        tpu.wait_dma2 semaphore(%run_scoped3A_118 : memref<!tpu.dma_semaphore, #tpu.memory_space<semaphore_mem>>) src(%dma_wait3A_134 : memref<640x64xbf16, #tpu.memory_space<vmem_shared>>) dst(%dma_wait3A_132 : memref<640x64xbf16, #tpu.memory_space<hbm>>)
        tpu.yield
      }) : () -> ()
    } else {
    }
    %eq3A = arith.constant 15 : i32
    %eq3A_110 = arith.cmpi eq, %arg1, %eq3A : i32
    %convert_element_type3A_111 = arith.extui %eq3A_110 : i1 to i32
    %cond3A_112 = arith.constant 0 : i32
    %cond3A_113 = arith.cmpi ne, %convert_element_type3A_111, %cond3A_112 : i32
    scf.if %cond3A_113 {
      "tpu.region"() ({
        %run_scoped3A_114 = tpu.sem_alloc : memref<!tpu.dma_semaphore, #tpu.memory_space<semaphore_mem>>
        %dma_start3A_115 = arith.constant 0 : i32
        %dma_start3A_116 = arith.constant 0 : i32
        %dma_start3A_117 = tpu.memref_slice %arg4[%arg0, %dma_start3A_115, %dma_start3A_116] : memref<2x10000x64xbf16, #tpu.memory_space<hbm>> -> memref<1x10000x64xbf16, #tpu.memory_space<hbm>>
        %dma_start3A_118 = tpu.memref_squeeze %dma_start3A_117 : memref<1x10000x64xbf16, #tpu.memory_space<hbm>> -> memref<10000x64xbf16, #tpu.memory_space<hbm>>
        %dma_start3A_119 = arith.constant 9600 : i32
        %dma_start3A_120 = arith.constant 0 : i32
        %dma_start3A_121 = tpu.memref_slice %dma_start3A_118[%dma_start3A_119, %dma_start3A_120] : memref<10000x64xbf16, #tpu.memory_space<hbm>> -> memref<400x64xbf16, #tpu.memory_space<hbm>>
        %dma_start3A_122 = arith.constant 9600 : i32
        %dma_start3A_123 = arith.constant 0 : i32
        %dma_start3A_124 = tpu.memref_slice %arg7[%dma_start3A_122, %dma_start3A_123] : memref<10240x64xbf16, #tpu.memory_space<vmem_shared>> -> memref<400x64xbf16, #tpu.memory_space<vmem_shared>>
        tpu.enqueue_dma source(%dma_start3A_124 : memref<400x64xbf16, #tpu.memory_space<vmem_shared>>) target(%dma_start3A_121 : memref<400x64xbf16, #tpu.memory_space<hbm>>) target_semaphore(%run_scoped3A_114 : memref<!tpu.dma_semaphore, #tpu.memory_space<semaphore_mem>>)
        %dma_wait3A_125 = arith.constant 0 : i32
        %dma_wait3A_126 = arith.constant 0 : i32
        %dma_wait3A_127 = tpu.memref_slice %arg4[%arg0, %dma_wait3A_125, %dma_wait3A_126] : memref<2x10000x64xbf16, #tpu.memory_space<hbm>> -> memref<1x10000x64xbf16, #tpu.memory_space<hbm>>
        %dma_wait3A_128 = tpu.memref_squeeze %dma_wait3A_127 : memref<1x10000x64xbf16, #tpu.memory_space<hbm>> -> memref<10000x64xbf16, #tpu.memory_space<hbm>>
        %dma_wait3A_129 = arith.constant 9600 : i32
        %dma_wait3A_130 = arith.constant 0 : i32
        %dma_wait3A_131 = tpu.memref_slice %dma_wait3A_128[%dma_wait3A_129, %dma_wait3A_130] : memref<10000x64xbf16, #tpu.memory_space<hbm>> -> memref<400x64xbf16, #tpu.memory_space<hbm>>
        %dma_wait3A_132 = arith.constant 9600 : i32
        %dma_wait3A_133 = arith.constant 0 : i32
        %dma_wait3A_134 = tpu.memref_slice %arg7[%dma_wait3A_132, %dma_wait3A_133] : memref<10240x64xbf16, #tpu.memory_space<vmem_shared>> -> memref<400x64xbf16, #tpu.memory_space<vmem_shared>>
        tpu.wait_dma2 semaphore(%run_scoped3A_114 : memref<!tpu.dma_semaphore, #tpu.memory_space<semaphore_mem>>) src(%dma_wait3A_134 : memref<400x64xbf16, #tpu.memory_space<vmem_shared>>) dst(%dma_wait3A_131 : memref<400x64xbf16, #tpu.memory_space<hbm>>)
        tpu.yield
      }) : () -> ()
    } else {
    }
    return
  }
}

#map = affine_map<(d0, d1) -> (0, 0, 0)>
#map1 = affine_map<(d0, d1) -> (0, 0)>
module attributes {stable_mosaic.version = 14 : i64} {
  func.func @_sc_degree_body(%arg0: i32, %arg1: i32, %arg2: memref<2500x2x128xi32, #tpu.memory_space<hbm>>, %arg3: memref<2x10240xf32, #tpu.memory_space<hbm>>, %arg4: memref<79x2x128xi32, #tpu.memory_space<vmem>>, %arg5: memref<128xf32, #tpu.memory_space<vmem>>, %arg6: memref<640xf32, #tpu.memory_space<vmem>>, %arg7: memref<10240xf32, #tpu.memory_space<vmem_shared>>) attributes {dimension_semantics = [#tpu.dimension_semantics<core_parallel>, #tpu.dimension_semantics<subcore_parallel>], iteration_bounds = array<i64: 2, 16>, scalar_prefetch = 0 : i64, scratch_operands = 4 : i64, tpu.core_type = #tpu.core_type<sc_vector_subcore>, window_params = [{transform_indices = #map}, {transform_indices = #map1}]} {
    %broadcast_in_dim3A = arith.constant 1.000000e+00 : f32
    %broadcast_in_dim3A_0 = vector.broadcast %broadcast_in_dim3A : f32 to vector<16xf32>
    %swap3A = arith.constant 0 : index
    %swap3A_1 = tpu.vector_load %arg5[%swap3A] {strides = array<i32>} : memref<128xf32, #tpu.memory_space<vmem>>, vector<16xf32>,
    %swap3A_2 = vector.shape_cast %swap3A_1 : vector<16xf32> to vector<16xf32>
    %swap3A_3 = vector.shape_cast %broadcast_in_dim3A_0 : vector<16xf32> to vector<16xf32>
    tpu.vector_store %arg5[%swap3A], %swap3A_3 {strides = array<i32>} : memref<128xf32, #tpu.memory_space<vmem>>, vector<16xf32>,
    %broadcast_in_dim3A_4 = arith.constant 1.000000e+00 : f32
    %broadcast_in_dim3A_5 = vector.broadcast %broadcast_in_dim3A_4 : f32 to vector<16xf32>
    %swap3A_6 = arith.constant 16 : index
    %swap3A_7 = tpu.vector_load %arg5[%swap3A_6] {strides = array<i32>} : memref<128xf32, #tpu.memory_space<vmem>>, vector<16xf32>,
    %swap3A_8 = vector.shape_cast %swap3A_7 : vector<16xf32> to vector<16xf32>
    %swap3A_9 = vector.shape_cast %broadcast_in_dim3A_5 : vector<16xf32> to vector<16xf32>
    tpu.vector_store %arg5[%swap3A_6], %swap3A_9 {strides = array<i32>} : memref<128xf32, #tpu.memory_space<vmem>>, vector<16xf32>,
    %broadcast_in_dim3A_10 = arith.constant 1.000000e+00 : f32
    %broadcast_in_dim3A_11 = vector.broadcast %broadcast_in_dim3A_10 : f32 to vector<16xf32>
    %swap3A_12 = arith.constant 32 : index
    %swap3A_13 = tpu.vector_load %arg5[%swap3A_12] {strides = array<i32>} : memref<128xf32, #tpu.memory_space<vmem>>, vector<16xf32>,
    %swap3A_14 = vector.shape_cast %swap3A_13 : vector<16xf32> to vector<16xf32>
    %swap3A_15 = vector.shape_cast %broadcast_in_dim3A_11 : vector<16xf32> to vector<16xf32>
    tpu.vector_store %arg5[%swap3A_12], %swap3A_15 {strides = array<i32>} : memref<128xf32, #tpu.memory_space<vmem>>, vector<16xf32>,
    %broadcast_in_dim3A_16 = arith.constant 1.000000e+00 : f32
    %broadcast_in_dim3A_17 = vector.broadcast %broadcast_in_dim3A_16 : f32 to vector<16xf32>
    %swap3A_18 = arith.constant 48 : index
    %swap3A_19 = tpu.vector_load %arg5[%swap3A_18] {strides = array<i32>} : memref<128xf32, #tpu.memory_space<vmem>>, vector<16xf32>,
    %swap3A_20 = vector.shape_cast %swap3A_19 : vector<16xf32> to vector<16xf32>
    %swap3A_21 = vector.shape_cast %broadcast_in_dim3A_17 : vector<16xf32> to vector<16xf32>
    tpu.vector_store %arg5[%swap3A_18], %swap3A_21 {strides = array<i32>} : memref<128xf32, #tpu.memory_space<vmem>>, vector<16xf32>,
    %broadcast_in_dim3A_22 = arith.constant 1.000000e+00 : f32
    %broadcast_in_dim3A_23 = vector.broadcast %broadcast_in_dim3A_22 : f32 to vector<16xf32>
    %swap3A_24 = arith.constant 64 : index
    %swap3A_25 = tpu.vector_load %arg5[%swap3A_24] {strides = array<i32>} : memref<128xf32, #tpu.memory_space<vmem>>, vector<16xf32>,
    %swap3A_26 = vector.shape_cast %swap3A_25 : vector<16xf32> to vector<16xf32>
    %swap3A_27 = vector.shape_cast %broadcast_in_dim3A_23 : vector<16xf32> to vector<16xf32>
    tpu.vector_store %arg5[%swap3A_24], %swap3A_27 {strides = array<i32>} : memref<128xf32, #tpu.memory_space<vmem>>, vector<16xf32>,
    %broadcast_in_dim3A_28 = arith.constant 1.000000e+00 : f32
    %broadcast_in_dim3A_29 = vector.broadcast %broadcast_in_dim3A_28 : f32 to vector<16xf32>
    %swap3A_30 = arith.constant 80 : index
    %swap3A_31 = tpu.vector_load %arg5[%swap3A_30] {strides = array<i32>} : memref<128xf32, #tpu.memory_space<vmem>>, vector<16xf32>,
    %swap3A_32 = vector.shape_cast %swap3A_31 : vector<16xf32> to vector<16xf32>
    %swap3A_33 = vector.shape_cast %broadcast_in_dim3A_29 : vector<16xf32> to vector<16xf32>
    tpu.vector_store %arg5[%swap3A_30], %swap3A_33 {strides = array<i32>} : memref<128xf32, #tpu.memory_space<vmem>>, vector<16xf32>,
    %broadcast_in_dim3A_34 = arith.constant 1.000000e+00 : f32
    %broadcast_in_dim3A_35 = vector.broadcast %broadcast_in_dim3A_34 : f32 to vector<16xf32>
    %swap3A_36 = arith.constant 96 : index
    %swap3A_37 = tpu.vector_load %arg5[%swap3A_36] {strides = array<i32>} : memref<128xf32, #tpu.memory_space<vmem>>, vector<16xf32>,
    %swap3A_38 = vector.shape_cast %swap3A_37 : vector<16xf32> to vector<16xf32>
    %swap3A_39 = vector.shape_cast %broadcast_in_dim3A_35 : vector<16xf32> to vector<16xf32>
    tpu.vector_store %arg5[%swap3A_36], %swap3A_39 {strides = array<i32>} : memref<128xf32, #tpu.memory_space<vmem>>, vector<16xf32>,
    %broadcast_in_dim3A_40 = arith.constant 1.000000e+00 : f32
    %broadcast_in_dim3A_41 = vector.broadcast %broadcast_in_dim3A_40 : f32 to vector<16xf32>
    %swap3A_42 = arith.constant 112 : index
    %swap3A_43 = tpu.vector_load %arg5[%swap3A_42] {strides = array<i32>} : memref<128xf32, #tpu.memory_space<vmem>>, vector<16xf32>,
    %swap3A_44 = vector.shape_cast %swap3A_43 : vector<16xf32> to vector<16xf32>
    %swap3A_45 = vector.shape_cast %broadcast_in_dim3A_41 : vector<16xf32> to vector<16xf32>
    tpu.vector_store %arg5[%swap3A_42], %swap3A_45 {strides = array<i32>} : memref<128xf32, #tpu.memory_space<vmem>>, vector<16xf32>,
    %scan3A = arith.constant 0 : i32
    %scan3A_46 = arith.constant 0 : i32
    %scan3A_47 = arith.constant 40 : i32
    %scan3A_48 = arith.addi %scan3A_46, %scan3A_47 : i32
    %scan3A_49 = arith.constant 1 : i32
    scf.for %scan3A_74 = %scan3A_46 to %scan3A_48 step %scan3A_49  : i32 {
      %broadcast_in_dim3A_75 = arith.constant 0.000000e+00 : f32
      %broadcast_in_dim3A_76 = vector.broadcast %broadcast_in_dim3A_75 : f32 to vector<16xf32>
      %mul3A_77 = arith.constant 16 : i32
      %mul3A_78 = arith.muli %scan3A_74, %mul3A_77 : i32
      %swap3A_79 = arith.index_cast %mul3A_78 : i32 to index
      %swap3A_80 = tpu.vector_load %arg6[%swap3A_79] {strides = array<i32>} : memref<640xf32, #tpu.memory_space<vmem>>, vector<16xf32>,
      %swap3A_81 = vector.shape_cast %swap3A_80 : vector<16xf32> to vector<16xf32>
      %swap3A_82 = vector.shape_cast %broadcast_in_dim3A_76 : vector<16xf32> to vector<16xf32>
      tpu.vector_store %arg6[%swap3A_79], %swap3A_82 {strides = array<i32>} : memref<640xf32, #tpu.memory_space<vmem>>, vector<16xf32>,
    }
    %scan3A_50 = arith.constant 40 : i32
    %mul3A = arith.constant 640 : i32
    %mul3A_51 = arith.muli %arg1, %mul3A : i32
    "tpu.region"() ({
      %run_scoped3A = tpu.sem_alloc : memref<!tpu.dma_semaphore, #tpu.memory_space<semaphore_mem>>
      %dma_start3A = tpu.memref_slice %arg7[%mul3A_51] : memref<10240xf32, #tpu.memory_space<vmem_shared>> -> memref<640xf32, #tpu.memory_space<vmem_shared>>
      %dma_start3A_74 = tpu.memref_slice %arg7[%mul3A_51] : memref<10240xf32, #tpu.memory_space<vmem_shared>> -> memref<640xf32, #tpu.memory_space<vmem_shared>>
      tpu.enqueue_dma source(%arg6 : memref<640xf32, #tpu.memory_space<vmem>>) target(%dma_start3A_74 : memref<640xf32, #tpu.memory_space<vmem_shared>>) target_semaphore(%run_scoped3A : memref<!tpu.dma_semaphore, #tpu.memory_space<semaphore_mem>>)
      %dma_wait3A = tpu.memref_slice %arg7[%mul3A_51] : memref<10240xf32, #tpu.memory_space<vmem_shared>> -> memref<640xf32, #tpu.memory_space<vmem_shared>>
      %dma_wait3A_75 = tpu.memref_slice %arg7[%mul3A_51] : memref<10240xf32, #tpu.memory_space<vmem_shared>> -> memref<640xf32, #tpu.memory_space<vmem_shared>>
      tpu.wait_dma2 semaphore(%run_scoped3A : memref<!tpu.dma_semaphore, #tpu.memory_space<semaphore_mem>>) src(%arg6 : memref<640xf32, #tpu.memory_space<vmem>>) dst(%dma_wait3A_75 : memref<640xf32, #tpu.memory_space<vmem_shared>>)
      tpu.yield
    }) : () -> ()
    %mul3A_52 = arith.constant 16 : i32
    %mul3A_53 = arith.muli %arg0, %mul3A_52 : i32
    %add3A = arith.addi %mul3A_53, %arg1 : i32
    %mul3A_54 = arith.constant 78 : i32
    %mul3A_55 = arith.muli %add3A, %mul3A_54 : i32
    "tpu.region"() ({
      %run_scoped3A = tpu.sem_alloc : memref<!tpu.dma_semaphore, #tpu.memory_space<semaphore_mem>>
      %dma_start3A = arith.constant 0 : i32
      %dma_start3A_74 = arith.constant 0 : i32
      %dma_start3A_75 = arith.constant 0 : i32
      %dma_start3A_76 = tpu.memref_slice %arg4[%dma_start3A, %dma_start3A_74, %dma_start3A_75] : memref<79x2x128xi32, #tpu.memory_space<vmem>> -> memref<78x2x128xi32, #tpu.memory_space<vmem>>
      %dma_start3A_77 = arith.constant 0 : i32
      %dma_start3A_78 = arith.constant 0 : i32
      %dma_start3A_79 = tpu.memref_slice %arg2[%mul3A_55, %dma_start3A_77, %dma_start3A_78] : memref<2500x2x128xi32, #tpu.memory_space<hbm>> -> memref<78x2x128xi32, #tpu.memory_space<hbm>>
      %dma_start3A_80 = arith.constant 0 : i32
      %dma_start3A_81 = arith.constant 0 : i32
      %dma_start3A_82 = arith.constant 0 : i32
      %dma_start3A_83 = tpu.memref_slice %arg4[%dma_start3A_80, %dma_start3A_81, %dma_start3A_82] : memref<79x2x128xi32, #tpu.memory_space<vmem>> -> memref<78x2x128xi32, #tpu.memory_space<vmem>>
      %dma_start3A_84 = arith.constant 0 : i32
      %dma_start3A_85 = arith.constant 0 : i32
      %dma_start3A_86 = tpu.memref_slice %arg2[%mul3A_55, %dma_start3A_84, %dma_start3A_85] : memref<2500x2x128xi32, #tpu.memory_space<hbm>> -> memref<78x2x128xi32, #tpu.memory_space<hbm>>
      tpu.enqueue_dma source(%dma_start3A_86 : memref<78x2x128xi32, #tpu.memory_space<hbm>>) target(%dma_start3A_83 : memref<78x2x128xi32, #tpu.memory_space<vmem>>) target_semaphore(%run_scoped3A : memref<!tpu.dma_semaphore, #tpu.memory_space<semaphore_mem>>)
      %dma_wait3A = arith.constant 0 : i32
      %dma_wait3A_87 = arith.constant 0 : i32
      %dma_wait3A_88 = arith.constant 0 : i32
      %dma_wait3A_89 = tpu.memref_slice %arg4[%dma_wait3A, %dma_wait3A_87, %dma_wait3A_88] : memref<79x2x128xi32, #tpu.memory_space<vmem>> -> memref<78x2x128xi32, #tpu.memory_space<vmem>>
      %dma_wait3A_90 = arith.constant 0 : i32
      %dma_wait3A_91 = arith.constant 0 : i32
      %dma_wait3A_92 = tpu.memref_slice %arg2[%mul3A_55, %dma_wait3A_90, %dma_wait3A_91] : memref<2500x2x128xi32, #tpu.memory_space<hbm>> -> memref<78x2x128xi32, #tpu.memory_space<hbm>>
      %dma_wait3A_93 = arith.constant 0 : i32
      %dma_wait3A_94 = arith.constant 0 : i32
      %dma_wait3A_95 = arith.constant 0 : i32
      %dma_wait3A_96 = tpu.memref_slice %arg4[%dma_wait3A_93, %dma_wait3A_94, %dma_wait3A_95] : memref<79x2x128xi32, #tpu.memory_space<vmem>> -> memref<78x2x128xi32, #tpu.memory_space<vmem>>
      %dma_wait3A_97 = arith.constant 0 : i32
      %dma_wait3A_98 = arith.constant 0 : i32
      %dma_wait3A_99 = tpu.memref_slice %arg2[%mul3A_55, %dma_wait3A_97, %dma_wait3A_98] : memref<2500x2x128xi32, #tpu.memory_space<hbm>> -> memref<78x2x128xi32, #tpu.memory_space<hbm>>
      tpu.wait_dma2 semaphore(%run_scoped3A : memref<!tpu.dma_semaphore, #tpu.memory_space<semaphore_mem>>) src(%dma_wait3A_99 : memref<78x2x128xi32, #tpu.memory_space<hbm>>) dst(%dma_wait3A_96 : memref<78x2x128xi32, #tpu.memory_space<vmem>>)
      tpu.yield
    }) : () -> ()
    %lt3A = arith.constant 4 : i32
    %lt3A_56 = arith.cmpi slt, %add3A, %lt3A : i32
    %convert_element_type3A = arith.extui %lt3A_56 : i1 to i32
    %cond3A = arith.constant 0 : i32
    %cond3A_57 = arith.cmpi ne, %convert_element_type3A, %cond3A : i32
    scf.if %cond3A_57 {
      %add3A_74 = arith.constant 2496 : i32
      %add3A_75 = arith.addi %add3A_74, %add3A : i32
      "tpu.region"() ({
        %run_scoped3A = tpu.sem_alloc : memref<!tpu.dma_semaphore, #tpu.memory_space<semaphore_mem>>
        %dma_start3A = arith.constant 78 : i32
        %dma_start3A_76 = arith.constant 0 : i32
        %dma_start3A_77 = arith.constant 0 : i32
        %dma_start3A_78 = tpu.memref_slice %arg4[%dma_start3A, %dma_start3A_76, %dma_start3A_77] : memref<79x2x128xi32, #tpu.memory_space<vmem>> -> memref<1x2x128xi32, #tpu.memory_space<vmem>>
        %dma_start3A_79 = arith.constant 0 : i32
        %dma_start3A_80 = arith.constant 0 : i32
        %dma_start3A_81 = tpu.memref_slice %arg2[%add3A_75, %dma_start3A_79, %dma_start3A_80] : memref<2500x2x128xi32, #tpu.memory_space<hbm>> -> memref<1x2x128xi32, #tpu.memory_space<hbm>>
        %dma_start3A_82 = arith.constant 78 : i32
        %dma_start3A_83 = arith.constant 0 : i32
        %dma_start3A_84 = arith.constant 0 : i32
        %dma_start3A_85 = tpu.memref_slice %arg4[%dma_start3A_82, %dma_start3A_83, %dma_start3A_84] : memref<79x2x128xi32, #tpu.memory_space<vmem>> -> memref<1x2x128xi32, #tpu.memory_space<vmem>>
        %dma_start3A_86 = arith.constant 0 : i32
        %dma_start3A_87 = arith.constant 0 : i32
        %dma_start3A_88 = tpu.memref_slice %arg2[%add3A_75, %dma_start3A_86, %dma_start3A_87] : memref<2500x2x128xi32, #tpu.memory_space<hbm>> -> memref<1x2x128xi32, #tpu.memory_space<hbm>>
        tpu.enqueue_dma source(%dma_start3A_88 : memref<1x2x128xi32, #tpu.memory_space<hbm>>) target(%dma_start3A_85 : memref<1x2x128xi32, #tpu.memory_space<vmem>>) target_semaphore(%run_scoped3A : memref<!tpu.dma_semaphore, #tpu.memory_space<semaphore_mem>>)
        %dma_wait3A = arith.constant 78 : i32
        %dma_wait3A_89 = arith.constant 0 : i32
        %dma_wait3A_90 = arith.constant 0 : i32
        %dma_wait3A_91 = tpu.memref_slice %arg4[%dma_wait3A, %dma_wait3A_89, %dma_wait3A_90] : memref<79x2x128xi32, #tpu.memory_space<vmem>> -> memref<1x2x128xi32, #tpu.memory_space<vmem>>
        %dma_wait3A_92 = arith.constant 0 : i32
        %dma_wait3A_93 = arith.constant 0 : i32
        %dma_wait3A_94 = tpu.memref_slice %arg2[%add3A_75, %dma_wait3A_92, %dma_wait3A_93] : memref<2500x2x128xi32, #tpu.memory_space<hbm>> -> memref<1x2x128xi32, #tpu.memory_space<hbm>>
        %dma_wait3A_95 = arith.constant 78 : i32
        %dma_wait3A_96 = arith.constant 0 : i32
        %dma_wait3A_97 = arith.constant 0 : i32
        %dma_wait3A_98 = tpu.memref_slice %arg4[%dma_wait3A_95, %dma_wait3A_96, %dma_wait3A_97] : memref<79x2x128xi32, #tpu.memory_space<vmem>> -> memref<1x2x128xi32, #tpu.memory_space<vmem>>
        %dma_wait3A_99 = arith.constant 0 : i32
        %dma_wait3A_100 = arith.constant 0 : i32
        %dma_wait3A_101 = tpu.memref_slice %arg2[%add3A_75, %dma_wait3A_99, %dma_wait3A_100] : memref<2500x2x128xi32, #tpu.memory_space<hbm>> -> memref<1x2x128xi32, #tpu.memory_space<hbm>>
        tpu.wait_dma2 semaphore(%run_scoped3A : memref<!tpu.dma_semaphore, #tpu.memory_space<semaphore_mem>>) src(%dma_wait3A_101 : memref<1x2x128xi32, #tpu.memory_space<hbm>>) dst(%dma_wait3A_98 : memref<1x2x128xi32, #tpu.memory_space<vmem>>)
        tpu.yield
      }) : () -> ()
    } else {
    }
    %barrier3A = arith.constant 0 : index
    tpu.barrier barrier_id(%barrier3A)
    %scan3A_58 = arith.constant 0 : i32
    %scan3A_59 = arith.constant 0 : i32
    %scan3A_60 = arith.constant 78 : i32
    %scan3A_61 = arith.addi %scan3A_59, %scan3A_60 : i32
    %scan3A_62 = arith.constant 1 : i32
    scf.for %scan3A_74 = %scan3A_59 to %scan3A_61 step %scan3A_62  : i32 {
      %run_scoped3A = arith.constant 1 : i32
      "tpu.region"() ({
        %run_scoped3A_75 = tpu.sem_alloc : memref<!tpu.dma_semaphore, #tpu.memory_space<semaphore_mem>>
        %dma_start3A = arith.constant 0 : i32
        %dma_start3A_76 = tpu.memref_slice %arg4[%scan3A_74, %run_scoped3A, %dma_start3A] : memref<79x2x128xi32, #tpu.memory_space<vmem>> -> memref<1x1x128xi32, #tpu.memory_space<vmem>>
        %dma_start3A_77 = tpu.memref_squeeze %dma_start3A_76 : memref<1x1x128xi32, #tpu.memory_space<vmem>> -> memref<128xi32, #tpu.memory_space<vmem>>
        %dma_start3A_78 = arith.constant 0 : i32
        %dma_start3A_79 = tpu.memref_slice %arg7[%dma_start3A_78] : memref<10240xf32, #tpu.memory_space<vmem_shared>> -> memref<10240xf32, #tpu.memory_space<vmem_shared>>
        tpu.enqueue_indirect_dma source(%arg5 : memref<128xf32, #tpu.memory_space<vmem>>) target(%dma_start3A_79 : memref<10240xf32, #tpu.memory_space<vmem_shared>>) offsets(%dma_start3A_77 : memref<128xi32, #tpu.memory_space<vmem>>) semaphore(%run_scoped3A_75 : memref<!tpu.dma_semaphore, #tpu.memory_space<semaphore_mem>>) {add = true}
        %dma_wait3A = arith.constant 0 : i32
        %dma_wait3A_80 = tpu.memref_slice %arg4[%scan3A_74, %run_scoped3A, %dma_wait3A] : memref<79x2x128xi32, #tpu.memory_space<vmem>> -> memref<1x1x128xi32, #tpu.memory_space<vmem>>
        %dma_wait3A_81 = tpu.memref_squeeze %dma_wait3A_80 : memref<1x1x128xi32, #tpu.memory_space<vmem>> -> memref<128xi32, #tpu.memory_space<vmem>>
        %dma_wait3A_82 = arith.constant 0 : i32
        %dma_wait3A_83 = tpu.memref_slice %arg7[%dma_wait3A_82] : memref<10240xf32, #tpu.memory_space<vmem_shared>> -> memref<10240xf32, #tpu.memory_space<vmem_shared>>
        tpu.wait_indirect_dma semaphore(%run_scoped3A_75 : memref<!tpu.dma_semaphore, #tpu.memory_space<semaphore_mem>>) src(%arg5 : memref<128xf32, #tpu.memory_space<vmem>>) dst(%dma_wait3A_83 : memref<10240xf32, #tpu.memory_space<vmem_shared>>)
        tpu.yield
      }) : () -> ()
    }
    %scan3A_63 = arith.constant 78 : i32
    %lt3A_64 = arith.constant 4 : i32
    %lt3A_65 = arith.cmpi slt, %add3A, %lt3A_64 : i32
    %convert_element_type3A_66 = arith.extui %lt3A_65 : i1 to i32
    %cond3A_67 = arith.constant 0 : i32
    %cond3A_68 = arith.cmpi ne, %convert_element_type3A_66, %cond3A_67 : i32
    scf.if %cond3A_68 {
      %run_scoped3A = arith.constant 78 : i32
      %run_scoped3A_74 = arith.constant 1 : i32
      "tpu.region"() ({
        %run_scoped3A_75 = tpu.sem_alloc : memref<!tpu.dma_semaphore, #tpu.memory_space<semaphore_mem>>
        %dma_start3A = arith.constant 0 : i32
        %dma_start3A_76 = tpu.memref_slice %arg4[%run_scoped3A, %run_scoped3A_74, %dma_start3A] : memref<79x2x128xi32, #tpu.memory_space<vmem>> -> memref<1x1x128xi32, #tpu.memory_space<vmem>>
        %dma_start3A_77 = tpu.memref_squeeze %dma_start3A_76 : memref<1x1x128xi32, #tpu.memory_space<vmem>> -> memref<128xi32, #tpu.memory_space<vmem>>
        %dma_start3A_78 = arith.constant 0 : i32
        %dma_start3A_79 = tpu.memref_slice %arg7[%dma_start3A_78] : memref<10240xf32, #tpu.memory_space<vmem_shared>> -> memref<10240xf32, #tpu.memory_space<vmem_shared>>
        tpu.enqueue_indirect_dma source(%arg5 : memref<128xf32, #tpu.memory_space<vmem>>) target(%dma_start3A_79 : memref<10240xf32, #tpu.memory_space<vmem_shared>>) offsets(%dma_start3A_77 : memref<128xi32, #tpu.memory_space<vmem>>) semaphore(%run_scoped3A_75 : memref<!tpu.dma_semaphore, #tpu.memory_space<semaphore_mem>>) {add = true}
        %dma_wait3A = arith.constant 0 : i32
        %dma_wait3A_80 = tpu.memref_slice %arg4[%run_scoped3A, %run_scoped3A_74, %dma_wait3A] : memref<79x2x128xi32, #tpu.memory_space<vmem>> -> memref<1x1x128xi32, #tpu.memory_space<vmem>>
        %dma_wait3A_81 = tpu.memref_squeeze %dma_wait3A_80 : memref<1x1x128xi32, #tpu.memory_space<vmem>> -> memref<128xi32, #tpu.memory_space<vmem>>
        %dma_wait3A_82 = arith.constant 0 : i32
        %dma_wait3A_83 = tpu.memref_slice %arg7[%dma_wait3A_82] : memref<10240xf32, #tpu.memory_space<vmem_shared>> -> memref<10240xf32, #tpu.memory_space<vmem_shared>>
        tpu.wait_indirect_dma semaphore(%run_scoped3A_75 : memref<!tpu.dma_semaphore, #tpu.memory_space<semaphore_mem>>) src(%arg5 : memref<128xf32, #tpu.memory_space<vmem>>) dst(%dma_wait3A_83 : memref<10240xf32, #tpu.memory_space<vmem_shared>>)
        tpu.yield
      }) : () -> ()
    } else {
    }
    %barrier3A_69 = arith.constant 0 : index
    tpu.barrier barrier_id(%barrier3A_69)
    %mul3A_70 = arith.constant 640 : i32
    %mul3A_71 = arith.muli %arg1, %mul3A_70 : i32
    %mul3A_72 = arith.constant 640 : i32
    %mul3A_73 = arith.muli %arg1, %mul3A_72 : i32
    "tpu.region"() ({
      %run_scoped3A = tpu.sem_alloc : memref<!tpu.dma_semaphore, #tpu.memory_space<semaphore_mem>>
      %dma_start3A = arith.constant 0 : i32
      %dma_start3A_74 = tpu.memref_slice %arg3[%arg0, %dma_start3A] : memref<2x10240xf32, #tpu.memory_space<hbm>> -> memref<1x10240xf32, #tpu.memory_space<hbm>>
      %dma_start3A_75 = tpu.memref_squeeze %dma_start3A_74 : memref<1x10240xf32, #tpu.memory_space<hbm>> -> memref<10240xf32, #tpu.memory_space<hbm>>
      %dma_start3A_76 = tpu.memref_slice %dma_start3A_75[%mul3A_73] : memref<10240xf32, #tpu.memory_space<hbm>> -> memref<640xf32, #tpu.memory_space<hbm>>
      %dma_start3A_77 = tpu.memref_slice %arg7[%mul3A_71] : memref<10240xf32, #tpu.memory_space<vmem_shared>> -> memref<640xf32, #tpu.memory_space<vmem_shared>>
      tpu.enqueue_dma source(%dma_start3A_77 : memref<640xf32, #tpu.memory_space<vmem_shared>>) target(%dma_start3A_76 : memref<640xf32, #tpu.memory_space<hbm>>) target_semaphore(%run_scoped3A : memref<!tpu.dma_semaphore, #tpu.memory_space<semaphore_mem>>)
      %dma_wait3A = arith.constant 0 : i32
      %dma_wait3A_78 = tpu.memref_slice %arg3[%arg0, %dma_wait3A] : memref<2x10240xf32, #tpu.memory_space<hbm>> -> memref<1x10240xf32, #tpu.memory_space<hbm>>
      %dma_wait3A_79 = tpu.memref_squeeze %dma_wait3A_78 : memref<1x10240xf32, #tpu.memory_space<hbm>> -> memref<10240xf32, #tpu.memory_space<hbm>>
      %dma_wait3A_80 = tpu.memref_slice %dma_wait3A_79[%mul3A_73] : memref<10240xf32, #tpu.memory_space<hbm>> -> memref<640xf32, #tpu.memory_space<hbm>>
      %dma_wait3A_81 = tpu.memref_slice %arg7[%mul3A_71] : memref<10240xf32, #tpu.memory_space<vmem_shared>> -> memref<640xf32, #tpu.memory_space<vmem_shared>>
      tpu.wait_dma2 semaphore(%run_scoped3A : memref<!tpu.dma_semaphore, #tpu.memory_space<semaphore_mem>>) src(%dma_wait3A_81 : memref<640xf32, #tpu.memory_space<vmem_shared>>) dst(%dma_wait3A_80 : memref<640xf32, #tpu.memory_space<hbm>>)
      tpu.yield
    }) : () -> ()
    return
  }
}

module attributes {stable_mosaic.version = 14 : i64} {
  func.func @_tc_scale_body(%arg0: i32, %arg1: memref<2000x128xf32, #tpu.memory_space<vmem>>, %arg2: memref<128x128xf32, #tpu.memory_space<vmem>>, %arg3: memref<2000x2xf32, #tpu.memory_space<vmem>>, %arg4: memref<2x2000x64xbf16, #tpu.memory_space<vmem>>) attributes {dimension_semantics = [#tpu.dimension_semantics<arbitrary>], iteration_bounds = array<i64: 5>, scalar_prefetch = 0 : i64, scratch_operands = 0 : i64, tpu.core_type = #tpu.core_type<tc>, window_params = [{transform_indices = @transform_0, window_bounds = array<i64: 2000, 128>}, {pipeline_mode = #tpu.pipeline_mode<synchronous>, transform_indices = @transform_1, window_bounds = array<i64: 128, 128>}, {transform_indices = @transform_2, window_bounds = array<i64: 2000, 2>}, {transform_indices = @transform_3, window_bounds = array<i64: 2, 2000, 64>}]} {
    %get3A = arith.constant 0 : index
    %get3A_0 = arith.constant 0 : index
    %get3A_1 = vector.load %arg1[%get3A, %get3A_0] : memref<2000x128xf32, #tpu.memory_space<vmem>>, vector<2000x128xf32>
    %get3A_2 = arith.constant 0 : index
    %get3A_3 = arith.constant 0 : index
    %get3A_4 = vector.load %arg2[%get3A_2, %get3A_3] : memref<128x128xf32, #tpu.memory_space<vmem>>, vector<128x128xf32>
    %dot_general3A = arith.constant dense<0.000000e+00> : vector<2000x128xf32>
    %dot_general3A_5 = tpu.matmul %get3A_1, %get3A_4, %dot_general3A {dimension_numbers = #tpu.dot_dimension_numbers<[1], [0], [0], [1], [0, 0, 1, 1], [], []>, transpose_lhs_hint = false} : vector<2000x128xf32>, vector<128x128xf32>, vector<2000x128xf32> -> vector<2000x128xf32>
    %get3A_6 = arith.constant 0 : index
    %get3A_7 = arith.constant 0 : index
    %get3A_8 = vector.load %arg3[%get3A_6, %get3A_7] : memref<2000x2xf32, #tpu.memory_space<vmem>>, vector<2000x2xf32>
    %slice3A = vector.extract_strided_slice %get3A_8 {offsets = [0, 0], sizes = [2000, 1], strides = [1, 1]} : vector<2000x2xf32> to vector<2000x1xf32>
    %squeeze3A = vector.shape_cast %slice3A : vector<2000x1xf32> to vector<2000xf32>
    %add3A = arith.constant 1.000000e+00 : f32
    %add3A_9 = vector.broadcast %add3A : f32 to vector<2000xf32>
    %add3A_10 = arith.addf %add3A_9, %squeeze3A : vector<2000xf32>
    %slice3A_11 = vector.extract_strided_slice %get3A_8 {offsets = [0, 1], sizes = [2000, 1], strides = [1, 1]} : vector<2000x2xf32> to vector<2000x1xf32>
    %squeeze3A_12 = vector.shape_cast %slice3A_11 : vector<2000x1xf32> to vector<2000xf32>
    %add3A_13 = arith.addf %add3A_10, %squeeze3A_12 : vector<2000xf32>
    %rsqrt3A = math.rsqrt %add3A_13 : vector<2000xf32>
    %broadcast_in_dim3A = vector.shape_cast %rsqrt3A : vector<2000xf32> to vector<2000x1xf32>
    %mul3A = vector.broadcast %broadcast_in_dim3A : vector<2000x1xf32> to vector<2000x128xf32>
    %mul3A_14 = arith.mulf %dot_general3A_5, %mul3A : vector<2000x128xf32>
    %slice3A_15 = vector.extract_strided_slice %mul3A_14 {offsets = [0, 0], sizes = [2000, 64], strides = [1, 1]} : vector<2000x128xf32> to vector<2000x64xf32>
    %convert_element_type3A = arith.truncf %slice3A_15 : vector<2000x64xf32> to vector<2000x64xbf16>
    %swap3A = arith.constant 0 : index
    %swap3A_16 = arith.constant 0 : index
    %swap3A_17 = arith.constant 0 : index
    %swap3A_18 = vector.load %arg4[%swap3A, %swap3A_16, %swap3A_17] : memref<2x2000x64xbf16, #tpu.memory_space<vmem>>, vector<1x2000x64xbf16>
    %swap3A_19 = vector.shape_cast %swap3A_18 : vector<1x2000x64xbf16> to vector<2000x64xbf16>
    %swap3A_20 = vector.shape_cast %convert_element_type3A : vector<2000x64xbf16> to vector<1x2000x64xbf16>
    tpu.vector_store %arg4[%swap3A, %swap3A_16, %swap3A_17], %swap3A_20 {strides = array<i32>} : memref<2x2000x64xbf16, #tpu.memory_space<vmem>>, vector<1x2000x64xbf16>,
    %slice3A_21 = vector.extract_strided_slice %mul3A_14 {offsets = [0, 64], sizes = [2000, 64], strides = [1, 1]} : vector<2000x128xf32> to vector<2000x64xf32>
    %convert_element_type3A_22 = arith.truncf %slice3A_21 : vector<2000x64xf32> to vector<2000x64xbf16>
    %swap3A_23 = arith.constant 1 : index
    %swap3A_24 = arith.constant 0 : index
    %swap3A_25 = arith.constant 0 : index
    %swap3A_26 = vector.load %arg4[%swap3A_23, %swap3A_24, %swap3A_25] : memref<2x2000x64xbf16, #tpu.memory_space<vmem>>, vector<1x2000x64xbf16>
    %swap3A_27 = vector.shape_cast %swap3A_26 : vector<1x2000x64xbf16> to vector<2000x64xbf16>
    %swap3A_28 = vector.shape_cast %convert_element_type3A_22 : vector<2000x64xbf16> to vector<1x2000x64xbf16>
    tpu.vector_store %arg4[%swap3A_23, %swap3A_24, %swap3A_25], %swap3A_28 {strides = array<i32>} : memref<2x2000x64xbf16, #tpu.memory_space<vmem>>, vector<1x2000x64xbf16>,
    return
  }
  func.func @transform_0(%arg0: i32) -> (i32, i32) {
    %c0_i32 = arith.constant 0 : i32
    %c0_i32_0 = arith.constant 0 : i32
    return %arg0, %c0_i32 : i32, i32
  }
  func.func @transform_1(%arg0: i32) -> (i32, i32) {
    %c0_i32 = arith.constant 0 : i32
    %c0_i32_0 = arith.constant 0 : i32
    %c0_i32_1 = arith.constant 0 : i32
    return %c0_i32, %c0_i32_0 : i32, i32
  }
  func.func @transform_2(%arg0: i32) -> (i32, i32) {
    %c0_i32 = arith.constant 0 : i32
    %c0_i32_0 = arith.constant 0 : i32
    return %arg0, %c0_i32 : i32, i32
  }
  func.func @transform_3(%arg0: i32) -> (i32, i32, i32) {
    %c0_i32 = arith.constant 0 : i32
    %c0_i32_0 = arith.constant 0 : i32
    %c0_i32_1 = arith.constant 0 : i32
    return %c0_i32, %arg0, %c0_i32_0 : i32, i32, i32
  }
}

module attributes {stable_mosaic.version = 14 : i64} {
  func.func @_tc_layer2_body(%arg0: i32, %arg1: memref<2x2000x64xbf16, #tpu.memory_space<vmem>>, %arg2: memref<2x2000x64xbf16, #tpu.memory_space<vmem>>, %arg3: memref<2000x2xf32, #tpu.memory_space<vmem>>, %arg4: memref<1x128xf32, #tpu.memory_space<vmem>>, %arg5: memref<128x128xf32, #tpu.memory_space<vmem>>, %arg6: memref<2x2000x64xbf16, #tpu.memory_space<vmem>>) attributes {dimension_semantics = [#tpu.dimension_semantics<arbitrary>], iteration_bounds = array<i64: 5>, scalar_prefetch = 0 : i64, scratch_operands = 0 : i64, tpu.core_type = #tpu.core_type<tc>, window_params = [{transform_indices = @transform_0, window_bounds = array<i64: 2, 2000, 64>}, {transform_indices = @transform_1, window_bounds = array<i64: 2, 2000, 64>}, {transform_indices = @transform_2, window_bounds = array<i64: 2000, 2>}, {pipeline_mode = #tpu.pipeline_mode<synchronous>, transform_indices = @transform_3, window_bounds = array<i64: 1, 128>}, {pipeline_mode = #tpu.pipeline_mode<synchronous>, transform_indices = @transform_4, window_bounds = array<i64: 128, 128>}, {transform_indices = @transform_5, window_bounds = array<i64: 2, 2000, 64>}]} {
    %get3A = arith.constant 0 : index
    %get3A_0 = arith.constant 0 : index
    %get3A_1 = vector.load %arg3[%get3A, %get3A_0] : memref<2000x2xf32, #tpu.memory_space<vmem>>, vector<2000x2xf32>
    %slice3A = vector.extract_strided_slice %get3A_1 {offsets = [0, 0], sizes = [2000, 1], strides = [1, 1]} : vector<2000x2xf32> to vector<2000x1xf32>
    %squeeze3A = vector.shape_cast %slice3A : vector<2000x1xf32> to vector<2000xf32>
    %add3A = arith.constant 1.000000e+00 : f32
    %add3A_2 = vector.broadcast %add3A : f32 to vector<2000xf32>
    %add3A_3 = arith.addf %add3A_2, %squeeze3A : vector<2000xf32>
    %slice3A_4 = vector.extract_strided_slice %get3A_1 {offsets = [0, 1], sizes = [2000, 1], strides = [1, 1]} : vector<2000x2xf32> to vector<2000x1xf32>
    %squeeze3A_5 = vector.shape_cast %slice3A_4 : vector<2000x1xf32> to vector<2000xf32>
    %add3A_6 = arith.addf %add3A_3, %squeeze3A_5 : vector<2000xf32>
    %rsqrt3A = math.rsqrt %add3A_6 : vector<2000xf32>
    %broadcast_in_dim3A = vector.shape_cast %rsqrt3A : vector<2000xf32> to vector<2000x1xf32>
    %get3A_7 = arith.constant 0 : index
    %get3A_8 = arith.constant 0 : index
    %get3A_9 = arith.constant 0 : index
    %get3A_10 = vector.load %arg1[%get3A_7, %get3A_8, %get3A_9] : memref<2x2000x64xbf16, #tpu.memory_space<vmem>>, vector<1x2000x64xbf16>
    %get3A_11 = vector.shape_cast %get3A_10 : vector<1x2000x64xbf16> to vector<2000x64xbf16>
    %get3A_12 = arith.constant 1 : index
    %get3A_13 = arith.constant 0 : index
    %get3A_14 = arith.constant 0 : index
    %get3A_15 = vector.load %arg1[%get3A_12, %get3A_13, %get3A_14] : memref<2x2000x64xbf16, #tpu.memory_space<vmem>>, vector<1x2000x64xbf16>
    %get3A_16 = vector.shape_cast %get3A_15 : vector<1x2000x64xbf16> to vector<2000x64xbf16>
    %concatenate3A = tpu.concatenate %get3A_11, %get3A_16 in 1 : vector<2000x64xbf16>, vector<2000x64xbf16> -> vector<2000x128xbf16>
    %convert_element_type3A = arith.extf %concatenate3A : vector<2000x128xbf16> to vector<2000x128xf32>
    %get3A_17 = arith.constant 0 : index
    %get3A_18 = arith.constant 0 : index
    %get3A_19 = arith.constant 0 : index
    %get3A_20 = vector.load %arg2[%get3A_17, %get3A_18, %get3A_19] : memref<2x2000x64xbf16, #tpu.memory_space<vmem>>, vector<1x2000x64xbf16>
    %get3A_21 = vector.shape_cast %get3A_20 : vector<1x2000x64xbf16> to vector<2000x64xbf16>
    %get3A_22 = arith.constant 1 : index
    %get3A_23 = arith.constant 0 : index
    %get3A_24 = arith.constant 0 : index
    %get3A_25 = vector.load %arg2[%get3A_22, %get3A_23, %get3A_24] : memref<2x2000x64xbf16, #tpu.memory_space<vmem>>, vector<1x2000x64xbf16>
    %get3A_26 = vector.shape_cast %get3A_25 : vector<1x2000x64xbf16> to vector<2000x64xbf16>
    %concatenate3A_27 = tpu.concatenate %get3A_21, %get3A_26 in 1 : vector<2000x64xbf16>, vector<2000x64xbf16> -> vector<2000x128xbf16>
    %convert_element_type3A_28 = arith.extf %concatenate3A_27 : vector<2000x128xbf16> to vector<2000x128xf32>
    %add3A_29 = arith.addf %convert_element_type3A, %convert_element_type3A_28 : vector<2000x128xf32>
    %mul3A = vector.broadcast %broadcast_in_dim3A : vector<2000x1xf32> to vector<2000x128xf32>
    %mul3A_30 = arith.mulf %mul3A, %add3A_29 : vector<2000x128xf32>
    %get3A_31 = arith.constant 0 : index
    %get3A_32 = arith.constant 0 : index
    %get3A_33 = vector.load %arg4[%get3A_31, %get3A_32] : memref<1x128xf32, #tpu.memory_space<vmem>>, vector<1x128xf32>
    %add3A_34 = vector.broadcast %get3A_33 : vector<1x128xf32> to vector<2000x128xf32>
    %add3A_35 = arith.addf %mul3A_30, %add3A_34 : vector<2000x128xf32>
    %max3A = arith.constant 0.000000e+00 : f32
    %max3A_36 = vector.broadcast %max3A : f32 to vector<2000x128xf32>
    %max3A_37 = arith.maximumf %add3A_35, %max3A_36 : vector<2000x128xf32>
    %get3A_38 = arith.constant 0 : index
    %get3A_39 = arith.constant 0 : index
    %get3A_40 = vector.load %arg5[%get3A_38, %get3A_39] : memref<128x128xf32, #tpu.memory_space<vmem>>, vector<128x128xf32>
    %dot_general3A = arith.constant dense<0.000000e+00> : vector<2000x128xf32>
    %dot_general3A_41 = tpu.matmul %max3A_37, %get3A_40, %dot_general3A {dimension_numbers = #tpu.dot_dimension_numbers<[1], [0], [0], [1], [0, 0, 1, 1], [], []>, transpose_lhs_hint = false} : vector<2000x128xf32>, vector<128x128xf32>, vector<2000x128xf32> -> vector<2000x128xf32>
    %mul3A_42 = vector.broadcast %broadcast_in_dim3A : vector<2000x1xf32> to vector<2000x128xf32>
    %mul3A_43 = arith.mulf %dot_general3A_41, %mul3A_42 : vector<2000x128xf32>
    %slice3A_44 = vector.extract_strided_slice %mul3A_43 {offsets = [0, 0], sizes = [2000, 64], strides = [1, 1]} : vector<2000x128xf32> to vector<2000x64xf32>
    %convert_element_type3A_45 = arith.truncf %slice3A_44 : vector<2000x64xf32> to vector<2000x64xbf16>
    %swap3A = arith.constant 0 : index
    %swap3A_46 = arith.constant 0 : index
    %swap3A_47 = arith.constant 0 : index
    %swap3A_48 = vector.load %arg6[%swap3A, %swap3A_46, %swap3A_47] : memref<2x2000x64xbf16, #tpu.memory_space<vmem>>, vector<1x2000x64xbf16>
    %swap3A_49 = vector.shape_cast %swap3A_48 : vector<1x2000x64xbf16> to vector<2000x64xbf16>
    %swap3A_50 = vector.shape_cast %convert_element_type3A_45 : vector<2000x64xbf16> to vector<1x2000x64xbf16>
    tpu.vector_store %arg6[%swap3A, %swap3A_46, %swap3A_47], %swap3A_50 {strides = array<i32>} : memref<2x2000x64xbf16, #tpu.memory_space<vmem>>, vector<1x2000x64xbf16>,
    %slice3A_51 = vector.extract_strided_slice %mul3A_43 {offsets = [0, 64], sizes = [2000, 64], strides = [1, 1]} : vector<2000x128xf32> to vector<2000x64xf32>
    %convert_element_type3A_52 = arith.truncf %slice3A_51 : vector<2000x64xf32> to vector<2000x64xbf16>
    %swap3A_53 = arith.constant 1 : index
    %swap3A_54 = arith.constant 0 : index
    %swap3A_55 = arith.constant 0 : index
    %swap3A_56 = vector.load %arg6[%swap3A_53, %swap3A_54, %swap3A_55] : memref<2x2000x64xbf16, #tpu.memory_space<vmem>>, vector<1x2000x64xbf16>
    %swap3A_57 = vector.shape_cast %swap3A_56 : vector<1x2000x64xbf16> to vector<2000x64xbf16>
    %swap3A_58 = vector.shape_cast %convert_element_type3A_52 : vector<2000x64xbf16> to vector<1x2000x64xbf16>
    tpu.vector_store %arg6[%swap3A_53, %swap3A_54, %swap3A_55], %swap3A_58 {strides = array<i32>} : memref<2x2000x64xbf16, #tpu.memory_space<vmem>>, vector<1x2000x64xbf16>,
    return
  }
  func.func @transform_0(%arg0: i32) -> (i32, i32, i32) {
    %c0_i32 = arith.constant 0 : i32
    %c0_i32_0 = arith.constant 0 : i32
    %c0_i32_1 = arith.constant 0 : i32
    return %c0_i32, %arg0, %c0_i32_0 : i32, i32, i32
  }
  func.func @transform_1(%arg0: i32) -> (i32, i32, i32) {
    %c0_i32 = arith.constant 0 : i32
    %c0_i32_0 = arith.constant 0 : i32
    %c0_i32_1 = arith.constant 0 : i32
    return %c0_i32, %arg0, %c0_i32_0 : i32, i32, i32
  }
  func.func @transform_2(%arg0: i32) -> (i32, i32) {
    %c0_i32 = arith.constant 0 : i32
    %c0_i32_0 = arith.constant 0 : i32
    return %arg0, %c0_i32 : i32, i32
  }
  func.func @transform_3(%arg0: i32) -> (i32, i32) {
    %c0_i32 = arith.constant 0 : i32
    %c0_i32_0 = arith.constant 0 : i32
    %c0_i32_1 = arith.constant 0 : i32
    return %c0_i32, %c0_i32_0 : i32, i32
  }
  func.func @transform_4(%arg0: i32) -> (i32, i32) {
    %c0_i32 = arith.constant 0 : i32
    %c0_i32_0 = arith.constant 0 : i32
    %c0_i32_1 = arith.constant 0 : i32
    return %c0_i32, %c0_i32_0 : i32, i32
  }
  func.func @transform_5(%arg0: i32) -> (i32, i32, i32) {
    %c0_i32 = arith.constant 0 : i32
    %c0_i32_0 = arith.constant 0 : i32
    %c0_i32_1 = arith.constant 0 : i32
    return %c0_i32, %arg0, %c0_i32_0 : i32, i32, i32
  }
}

module attributes {stable_mosaic.version = 14 : i64} {
  func.func @_tc_out_body(%arg0: i32, %arg1: memref<2x2000x64xbf16, #tpu.memory_space<vmem>>, %arg2: memref<2x2000x64xbf16, #tpu.memory_space<vmem>>, %arg3: memref<2000x2xf32, #tpu.memory_space<vmem>>, %arg4: memref<1x128xf32, #tpu.memory_space<vmem>>, %arg5: memref<2000x128xf32, #tpu.memory_space<vmem>>, %arg6: memref<2000x128xf32, #tpu.memory_space<vmem>>) attributes {dimension_semantics = [#tpu.dimension_semantics<arbitrary>], iteration_bounds = array<i64: 5>, scalar_prefetch = 0 : i64, scratch_operands = 0 : i64, tpu.core_type = #tpu.core_type<tc>, window_params = [{transform_indices = @transform_0, window_bounds = array<i64: 2, 2000, 64>}, {transform_indices = @transform_1, window_bounds = array<i64: 2, 2000, 64>}, {transform_indices = @transform_2, window_bounds = array<i64: 2000, 2>}, {pipeline_mode = #tpu.pipeline_mode<synchronous>, transform_indices = @transform_3, window_bounds = array<i64: 1, 128>}, {transform_indices = @transform_4, window_bounds = array<i64: 2000, 128>}, {transform_indices = @transform_5, window_bounds = array<i64: 2000, 128>}]} {
    %get3A = arith.constant 0 : index
    %get3A_0 = arith.constant 0 : index
    %get3A_1 = vector.load %arg3[%get3A, %get3A_0] : memref<2000x2xf32, #tpu.memory_space<vmem>>, vector<2000x2xf32>
    %slice3A = vector.extract_strided_slice %get3A_1 {offsets = [0, 0], sizes = [2000, 1], strides = [1, 1]} : vector<2000x2xf32> to vector<2000x1xf32>
    %squeeze3A = vector.shape_cast %slice3A : vector<2000x1xf32> to vector<2000xf32>
    %add3A = arith.constant 1.000000e+00 : f32
    %add3A_2 = vector.broadcast %add3A : f32 to vector<2000xf32>
    %add3A_3 = arith.addf %add3A_2, %squeeze3A : vector<2000xf32>
    %slice3A_4 = vector.extract_strided_slice %get3A_1 {offsets = [0, 1], sizes = [2000, 1], strides = [1, 1]} : vector<2000x2xf32> to vector<2000x1xf32>
    %squeeze3A_5 = vector.shape_cast %slice3A_4 : vector<2000x1xf32> to vector<2000xf32>
    %add3A_6 = arith.addf %add3A_3, %squeeze3A_5 : vector<2000xf32>
    %rsqrt3A = math.rsqrt %add3A_6 : vector<2000xf32>
    %broadcast_in_dim3A = vector.shape_cast %rsqrt3A : vector<2000xf32> to vector<2000x1xf32>
    %get3A_7 = arith.constant 0 : index
    %get3A_8 = arith.constant 0 : index
    %get3A_9 = arith.constant 0 : index
    %get3A_10 = vector.load %arg1[%get3A_7, %get3A_8, %get3A_9] : memref<2x2000x64xbf16, #tpu.memory_space<vmem>>, vector<1x2000x64xbf16>
    %get3A_11 = vector.shape_cast %get3A_10 : vector<1x2000x64xbf16> to vector<2000x64xbf16>
    %get3A_12 = arith.constant 1 : index
    %get3A_13 = arith.constant 0 : index
    %get3A_14 = arith.constant 0 : index
    %get3A_15 = vector.load %arg1[%get3A_12, %get3A_13, %get3A_14] : memref<2x2000x64xbf16, #tpu.memory_space<vmem>>, vector<1x2000x64xbf16>
    %get3A_16 = vector.shape_cast %get3A_15 : vector<1x2000x64xbf16> to vector<2000x64xbf16>
    %concatenate3A = tpu.concatenate %get3A_11, %get3A_16 in 1 : vector<2000x64xbf16>, vector<2000x64xbf16> -> vector<2000x128xbf16>
    %convert_element_type3A = arith.extf %concatenate3A : vector<2000x128xbf16> to vector<2000x128xf32>
    %get3A_17 = arith.constant 0 : index
    %get3A_18 = arith.constant 0 : index
    %get3A_19 = arith.constant 0 : index
    %get3A_20 = vector.load %arg2[%get3A_17, %get3A_18, %get3A_19] : memref<2x2000x64xbf16, #tpu.memory_space<vmem>>, vector<1x2000x64xbf16>
    %get3A_21 = vector.shape_cast %get3A_20 : vector<1x2000x64xbf16> to vector<2000x64xbf16>
    %get3A_22 = arith.constant 1 : index
    %get3A_23 = arith.constant 0 : index
    %get3A_24 = arith.constant 0 : index
    %get3A_25 = vector.load %arg2[%get3A_22, %get3A_23, %get3A_24] : memref<2x2000x64xbf16, #tpu.memory_space<vmem>>, vector<1x2000x64xbf16>
    %get3A_26 = vector.shape_cast %get3A_25 : vector<1x2000x64xbf16> to vector<2000x64xbf16>
    %concatenate3A_27 = tpu.concatenate %get3A_21, %get3A_26 in 1 : vector<2000x64xbf16>, vector<2000x64xbf16> -> vector<2000x128xbf16>
    %convert_element_type3A_28 = arith.extf %concatenate3A_27 : vector<2000x128xbf16> to vector<2000x128xf32>
    %add3A_29 = arith.addf %convert_element_type3A, %convert_element_type3A_28 : vector<2000x128xf32>
    %mul3A = vector.broadcast %broadcast_in_dim3A : vector<2000x1xf32> to vector<2000x128xf32>
    %mul3A_30 = arith.mulf %mul3A, %add3A_29 : vector<2000x128xf32>
    %get3A_31 = arith.constant 0 : index
    %get3A_32 = arith.constant 0 : index
    %get3A_33 = vector.load %arg4[%get3A_31, %get3A_32] : memref<1x128xf32, #tpu.memory_space<vmem>>, vector<1x128xf32>
    %add3A_34 = vector.broadcast %get3A_33 : vector<1x128xf32> to vector<2000x128xf32>
    %add3A_35 = arith.addf %mul3A_30, %add3A_34 : vector<2000x128xf32>
    %reduce_max3A = arith.constant dense<0xFF800000> : vector<2000xf32>
    %reduce_max3A_36 = vector.multi_reduction <maximumf>, %add3A_35, %reduce_max3A [1] : vector<2000x128xf32> to vector<2000xf32>
    %broadcast_in_dim3A_37 = vector.shape_cast %reduce_max3A_36 : vector<2000xf32> to vector<2000x1xf32>
    %sub3A = vector.broadcast %broadcast_in_dim3A_37 : vector<2000x1xf32> to vector<2000x128xf32>
    %sub3A_38 = arith.subf %add3A_35, %sub3A : vector<2000x128xf32>
    %sub3A_39 = vector.broadcast %broadcast_in_dim3A_37 : vector<2000x1xf32> to vector<2000x128xf32>
    %sub3A_40 = arith.subf %add3A_35, %sub3A_39 : vector<2000x128xf32>
    %exp3A = math.exp %sub3A_40 : vector<2000x128xf32>
    %reduce_sum3A = arith.constant dense<0.000000e+00> : vector<2000xf32>
    %reduce_sum3A_41 = vector.multi_reduction <add>, %exp3A, %reduce_sum3A [1] : vector<2000x128xf32> to vector<2000xf32>
    %broadcast_in_dim3A_42 = vector.shape_cast %reduce_sum3A_41 : vector<2000xf32> to vector<2000x1xf32>
    %log3A = math.log %broadcast_in_dim3A_42 : vector<2000x1xf32>
    %sub3A_43 = vector.broadcast %log3A : vector<2000x1xf32> to vector<2000x128xf32>
    %sub3A_44 = arith.subf %sub3A_38, %sub3A_43 : vector<2000x128xf32>
    %swap3A = arith.constant 0 : index
    %swap3A_45 = arith.constant 0 : index
    %swap3A_46 = vector.load %arg5[%swap3A, %swap3A_45] : memref<2000x128xf32, #tpu.memory_space<vmem>>, vector<2000x128xf32>
    tpu.vector_store %arg5[%swap3A, %swap3A_45], %sub3A_44 {strides = array<i32>} : memref<2000x128xf32, #tpu.memory_space<vmem>>, vector<2000x128xf32>,
    %swap3A_47 = arith.constant 0 : index
    %swap3A_48 = arith.constant 0 : index
    %swap3A_49 = vector.load %arg6[%swap3A_47, %swap3A_48] : memref<2000x128xf32, #tpu.memory_space<vmem>>, vector<2000x128xf32>
    tpu.vector_store %arg6[%swap3A_47, %swap3A_48], %add3A_35 {strides = array<i32>} : memref<2000x128xf32, #tpu.memory_space<vmem>>, vector<2000x128xf32>,
    return
  }
  func.func @transform_0(%arg0: i32) -> (i32, i32, i32) {
    %c0_i32 = arith.constant 0 : i32
    %c0_i32_0 = arith.constant 0 : i32
    %c0_i32_1 = arith.constant 0 : i32
    return %c0_i32, %arg0, %c0_i32_0 : i32, i32, i32
  }
  func.func @transform_1(%arg0: i32) -> (i32, i32, i32) {
    %c0_i32 = arith.constant 0 : i32
    %c0_i32_0 = arith.constant 0 : i32
    %c0_i32_1 = arith.constant 0 : i32
    return %c0_i32, %arg0, %c0_i32_0 : i32, i32, i32
  }
  func.func @transform_2(%arg0: i32) -> (i32, i32) {
    %c0_i32 = arith.constant 0 : i32
    %c0_i32_0 = arith.constant 0 : i32
    return %arg0, %c0_i32 : i32, i32
  }
  func.func @transform_3(%arg0: i32) -> (i32, i32) {
    %c0_i32 = arith.constant 0 : i32
    %c0_i32_0 = arith.constant 0 : i32
    %c0_i32_1 = arith.constant 0 : i32
    return %c0_i32, %c0_i32_0 : i32, i32
  }
  func.func @transform_4(%arg0: i32) -> (i32, i32) {
    %c0_i32 = arith.constant 0 : i32
    %c0_i32_0 = arith.constant 0 : i32
    return %arg0, %c0_i32 : i32, i32
  }
  func.func @transform_5(%arg0: i32) -> (i32, i32) {
    %c0_i32 = arith.constant 0 : i32
    %c0_i32_0 = arith.constant 0 : i32
    return %arg0, %c0_i32 : i32, i32
  }
}

</mosaic_0001>

<sc_bundles>
// kernel: kernel.11.cloned.1.call-start
scs
__scs_entry_jumppad:
0x0: {  	(pc) =	sbr.rel $0x88, $3  }
0x1: {  	(tag) =	ssettag $0x0;
	lr =	simm.s32 $0x1  }
0x2: {  	[smem:$0x3F9B] =	sst lr;
	_ =	strace $0xD0000000  }
0x3: {  	_ = 	snop  }
0x4: {  	_ = 	snop  }
0x5: {  	_ = 	snop  }
0x6: {  	_ = 	snop  }
0x7: {  	_ = 	snop  }
__scs_overlays_trampoline_lowered:
0x8: {  	[smem:$0x3FAA] =	sst s0  }
0x9: {  	[smem:$0x3FAB] =	sst s1  }
0xa: {  	[smem:$0x3FAC] =	sst s2  }
0xb: {  	[smem:$0x3FAD] =	sst s3  }
0xc: {  	[smem:$0x3FAE] =	sst s4  }
0xd: {  	[smem:$0x3FAF] =	sst s5  }
0xe: {  	[smem:$0x3FB0] =	sst s6  }
0xf: {  	[smem:$0x3FB1] =	sst s7  }
0x10: {  	[smem:$0x3FB2] =	sst s8  }
0x11: {  	[smem:$0x3FB3] =	sst s9;
	s0 =	simm.s32 @!p0 $0x0  }
0x12: {  	s1 =	sld [smem:$0x3F99];
	s0 =	simm.s32 @p0 $0x1  }
0x13: {  	[smem:$0x3FB4] =	sst s0;
	s0 =	simm.s32 @!p1 $0x0  }
0x14: {  	s2 =	sld [smem:$0x3F98];
	s0 =	simm.s32 @p1 $0x1  }
0x15: {  	[smem:$0x3FB5] =	sst s0;
	s0 =	simm.s32 @!p2 $0x0  }
0x16: {  	s3 =	sld [smem:$0x3FDB];
	s0 =	simm.s32 @p2 $0x1  }
0x17: {  	s4 =	simm.s32 $0x1BF5;
	[smem:$0x3FB7] =	sst s0  }
0x18: {  	s0 =	sld [smem:$0x3F9A];
	_ =	swait.ge [sflag:s4], $0x0  }
0x19: {  	s7 =	sld [smem:$0x3F9B]  }
0x1a: {  	s8 =	sadd.s32 $0xFFFFE003, lr  }
0x1b: {  	s9 =	sadd.s32 $0xFFFFFEF7, lr;
	s5 =	simm.s32 $0xFFFFFFFF;
	p2 =	slt.u32 s8, $0xFFFFF086  }
0x1c: {  	p1 =	slt.u32 s9, $0xF7A;
	s5 =	simm.s32 @!p2 $0x0  }
0x1d: {  	s5 =	simm.s32 @p1 $0x1;
	p0 =	seq.s32 s7, s2  }
0x1e: {  	s7 =	smul.u32 @!p0 $0xF7A, s2;
	p2 =	seq.s32 @!p0 s5, $0x0  }
0x1f: {  	s9 =	smul.u32 $0xF7A, s1;
	s8 =	simm.s32 @!p0 $0x1BF5;
	p2 =	por !p2, p0  }
0x20: {  	[sflag:s8] =	ssyncset.s32 @!p0 $0xFFFFF086;
	s6 =	sadd.s32 @!p0 s3, s7;
	s7 =	simm.s32 @!p0 $0x108  }
0x21: {  	s3 =	sadd.s32 s3, s9;
	s6 =	sadd.s32 @!p0 $0x88, s6;
	s7 =	simm.s32 @p2 $0x1082  }
0x22: {  	[simem:s7], [sflag:s8] =	dma.local @!p0 [hbm:s6], $0xF7A  }
0x23: {  	s9 =	sor.u32 $0xD0000000, s2;
	s6 =	simm.s32 $0x108;
	_ =	swait.ge @!p0 [sflag:s8], $0x0  }
0x24: {  	s3 =	sadd.s32 $0x88, s3;
	s6 =	simm.s32 @!p1 $0x1082;
	[sflag:s4] =	ssyncset.s32 $0xFFFFF086  }
0x25: {  	[simem:s6], [sflag:s4] =	dma.local [hbm:s3], $0xF7A  }
0x26: {  	[smem:$0x3F9B] =	sst s1;
	(tag) =	ssettag s2;
	_ =	strace s9  }
0x27: {  	s1 =	sld [smem:$0x3FAB]  }
0x28: {  	s2 =	sld [smem:$0x3FAC]  }
0x29: {  	s4 =	sld [smem:$0x3FAE]  }
0x2a: {  	p0 =	seq.s32 s5, $0x0;
	s5 =	sld [smem:$0x3FAF]  }
0x2b: {  	s6 =	sld [smem:$0x3FB0]  }
0x2c: {  	s7 =	sld [smem:$0x3FB1]  }
0x2d: {  	s3 =	simm.s32 $0x108;
	s8 =	sld [smem:$0x3FB2]  }
0x2e: {  	s3 =	simm.s32 @!p0 $0x1082;
	s9 =	sld [smem:$0x3FB3]  }
0x2f: {  	lr =	sadd.s32 s0, s3;
	s0 =	sld [smem:$0x3FAA]  }
0x30: {  	s3 =	sld [smem:$0x3FAD]  }
0x31: {  	[smem:$0x3FB6] =	sst s10  }
0x32: {  	s10 =	sld [smem:$0x3FB4];
	_ =	sdelay $0x3  }
0x33: {  	p0 =	seq.s32 s10, $0x1;
	s10 =	sld [smem:$0x3FB6];
	_ =	sdelay $0x3  }
0x34: {  	[smem:$0x3FB6] =	sst s10  }
0x35: {  	s10 =	sld [smem:$0x3FB5];
	_ =	sdelay $0x3  }
0x36: {  	p1 =	seq.s32 s10, $0x1;
	s10 =	sld [smem:$0x3FB6];
	_ =	sdelay $0x3  }
0x37: {  	[smem:$0x3FB6] =	sst s10  }
0x38: {  	s10 =	sld [smem:$0x3FB7]  }
0x39: {  	_ = 	snop;
	(pc) =	sbr.ind lr, $3  }
0x3a: {  	_ = 	snop  }
0x3b: {  	_ = 	snop  }
0x3c: {  	p2 =	seq.s32 s10, $0x1;
	s10 =	sld [smem:$0x3FB6]  }
0x3d: {  	_ =	shalt  }
0x3e: {  	_ =	shalt  }
0x3f: {  	_ =	shalt  }
0x40: {  	_ =	shalt  }
0x41: {  	_ =	shalt  }
0x42: {  	_ =	shalt  }
0x43: {  	_ =	shalt  }
0x44: {  	_ =	shalt  }
0x45: {  	_ =	shalt  }
0x46: {  	_ =	shalt  }
0x47: {  	_ =	shalt  }
0x48: {  	_ =	shalt  }
0x49: {  	_ =	shalt  }
0x4a: {  	_ =	shalt  }
0x4b: {  	_ =	shalt  }
0x4c: {  	_ =	shalt  }
0x4d: {  	_ =	shalt  }
0x4e: {  	_ =	shalt  }
0x4f: {  	_ =	shalt  }
0x50: {  	_ =	shalt  }
0x51: {  	_ =	shalt  }
0x52: {  	_ =	shalt  }
0x53: {  	_ =	shalt  }
0x54: {  	_ =	shalt  }
0x55: {  	_ =	shalt  }
0x56: {  	_ =	shalt  }
0x57: {  	_ =	shalt  }
0x58: {  	_ =	shalt  }
0x59: {  	_ =	shalt  }
0x5a: {  	_ =	shalt  }
0x5b: {  	_ =	shalt  }
0x5c: {  	_ =	shalt  }
0x5d: {  	_ =	shalt  }
0x5e: {  	_ =	shalt  }
0x5f: {  	_ =	shalt  }
0x60: {  	_ =	shalt  }
0x61: {  	_ =	shalt  }
0x62: {  	_ =	shalt  }
0x63: {  	_ =	shalt  }
0x64: {  	_ =	shalt  }
0x65: {  	_ =	shalt  }
0x66: {  	_ =	shalt  }
0x67: {  	_ =	shalt  }
0x68: {  	_ =	shalt  }
0x69: {  	_ =	shalt  }
0x6a: {  	_ =	shalt  }
0x6b: {  	_ =	shalt  }
0x6c: {  	_ =	shalt  }
0x6d: {  	_ =	shalt  }
0x6e: {  	_ =	shalt  }
0x6f: {  	_ =	shalt  }
0x70: {  	_ =	shalt  }
0x71: {  	_ =	shalt  }
0x72: {  	_ =	shalt  }
0x73: {  	_ =	shalt  }
0x74: {  	_ =	shalt  }
0x75: {  	_ =	shalt  }
0x76: {  	_ =	shalt  }
0x77: {  	_ =	shalt  }
0x78: {  	_ =	shalt  }
0x79: {  	_ =	shalt  }
0x7a: {  	_ =	shalt  }
0x7b: {  	_ =	shalt  }
0x7c: {  	_ =	shalt  }
0x7d: {  	_ =	shalt  }
0x7e: {  	_ =	shalt  }
0x7f: {  	_ =	shalt  }
0x80: {  	_ =	shalt  }
0x81: {  	_ =	shalt  }
0x82: {  	_ =	shalt  }
0x83: {  	_ =	shalt  }
0x84: {  	_ =	shalt  }
0x85: {  	_ =	shalt  }
0x86: {  	_ =	shalt  }
0x87: {  	_ =	shalt  }
.Lfunc_end0:
.L_simem_size_0:
called_computation.1_lowered:
.L_overlay_start_0:
0x88: {  	s2 =	sld [smem:$0x3FD9]  }
0x89: {  	s3 =	sld [smem:$0x3FFE];
	_ =	sdelay $0x1  }
0x8a: {  	s1 =	srdreg.scid  }
0x8b: {  	s0 =	sand.u32 $0x1, s1  }
0x8c: {  	s15 =	sshll.u32 s0, $0xA;
	s2 =	sadd.s32 s3, s2  }
0x8d: {  	s2 =	sadd.s32 s2, s15  }
0x8e: {  	[smem:$0x3FC2] =	sst s2  }
0x8f: {  	_ = 	snop  }
0x90: {  	s2 =	sld [smem:$0x3FD0];
	_ =	sdelay $0x2  }
0x91: {  	s4 =	simm.s32 $0xA;
	s5 =	simm.s32 $0x10;
	s16 =	sld [smem:$0x3FC8]  }
0x92: {  	[smem:s5], [sflag:s4] =	dma.local [hbm:s2], $0x1  }
0x93: {  	_ =	swait.eq [sflag:s4], $0x1  }
0x94: {  	[sflag:s4] =	ssyncset.done $0x0  }
0x95: {  	s17 =	sld [smem:$0x10];
	[sflag:s4] =	ssyncadd.s32 $0xFFFFFFFF  }
0x96: {  	s18 =	sld [smem:$0x11];
	(tm) =	ssettm $0x1  }
0x97: {  	s19 =	sld [smem:$0x3FFB];
	_ =	sdelay $0x3  }
0x98: {  	_ =	strace s19  }
0x99: {  	s5 =	sld [smem:$0x3FFC];
	_ =	sdelay $0x3  }
0x9a: {  	_ =	strace s5  }
0x9b: {  	s5 =	sld [smem:$0x3FFD];
	_ =	sdelay $0x3  }
0x9c: {  	_ =	strace s5  }
0x9d: {  	_ =	strace $0x8FFFFFFF  }
0x9e: {  	s20 =	sld [smem:$0x3FDB];
	_ =	sdelay $0x1  }
0x9f: {  	s6 =	simm.s32 $_scs_section_size  }
0xa0: {  	s7 =	simm.s32 $_size__tile_overlayer_lowered;
	s8 =	simm.s32 $_tile_overlayer_lowered  }
0xa1: {  	s23 =	simm.s32 $0x1BFF;
	s22 =	sshll.u32 s8, $0x1;
	s5 =	sadd.s32 s6, s20  }
0xa2: {  	s9 =	simm.s32 $0x0;
	s21 =	sshll.u32 s7, $0x1;
	s7 =	sadd.s32 s22, s5  }
0xa3: {  	[timem:s9], [sflag:s23] =	dma.local [hbm:s7], s21  }
0xa4: {  	_ =	swait.ge [sflag:s23], s21  }
0xa5: {  	s6 =	ssub.s32 $0x0, s21;
	[sflag:s23] =	ssyncset.done $0x0  }
0xa6: {  	[sflag:s23] =	ssyncadd.s32 s6;
	_ =	sdelay $0x1  }
0xa7: {  	s24 =	simm.s32 $0x1B8B  }
0xa8: {  	_ =	swait.ge [sflag:s24], $0x1  }
0xa9: {  	[sflag:s24] =	ssyncset.done $0x0  }
0xaa: {  	s25 =	simm.s32 $0x1B8E;
	[sflag:s24] =	ssyncadd.s32 $0xFFFFFFFF  }
0xab: {  	s26 =	simm.s32 $execute0_lowered;
	[smem:$0x3FD2] =	sst s25  }
0xac: {  	s6 =	sshll.u32 s26, $0x1;
	_ =	strace $0x80000049;
	[dreg:$0x1] =	wrdreg $0xFFFFFFFF  }
0xad: {  	s28 =	simm.s32 $_size_execute0_lowered;
	s5 =	sadd.s32 s5, s6;
	[dreg:$0x0] =	wrdreg $0x0  }
0xae: {  	s6 =	sshll.u32 s28, $0x1;
	[dreg:$0x2] =	wrdreg s5  }
0xaf: {  	[dreg:$0x3] =	wrdreg s6  }
0xb0: {  	[dreg:$0x4] =	wrdreg $0xC0  }
0xb1: {  	_ =	task [dreg:s9], $0x5FFFF  }
0xb2: {  	[dreg:$0x1] =	wrdreg $0xFFFFFFFF  }
0xb3: {  	[dreg:$0x0] =	wrdreg $0x60  }
0xb4: {  	[dreg:$0x2] =	wrdreg s18  }
0xb5: {  	[dreg:$0x3] =	wrdreg s16  }
0xb6: {  	[dreg:$0x4] =	wrdreg s17  }
0xb7: {  	[dreg:$0x5] =	wrdreg $0xDD000  }
0xb8: {  	[dreg:$0x6] =	wrdreg $0x9  }
0xb9: {  	_ =	task.clear_ibuf [dreg:s9], $0x7FFFF;
	_ =	strace $0x90000049  }
0xba: {  	s29 =	simm.s32 $0x9;
	_ =	strace $0x8000004B  }
0xbb: {  	_ =	swait.ge [sflag:s29], $0x1  }
0xbc: {  	[sflag:s29] =	ssyncadd.s32 $0xFFFFFFFF  }
0xbd: {  	_ =	strace $0x9000004B  }
0xbe: {  	_ =	sfence  }
0xbf: {  	s30 =	sld [smem:$0x0];
	_ =	sdelay $0x2  }
0xc0: {  	s31 =	sshll.u32 s1, $0xD;
	s1 =	sshrl.u32 s1, $0x2  }
0xc1: {  	s3 =	sand.u32 $0x4000, s31;
	s1 =	sadd.s32 s1, s30  }
0xc2: {  	s0 =	sor.u32 s3, s0;
	s1 =	sshll.u32 s1, $0x11  }
0xc3: {  	s0 =	sor.u32 s1, s0  }
0xc4: {  	s0 =	sadd.s32 $0x8F2B, s0  }
0xc5: {  	[sflag:s0] =	ssyncadd.remote.s32 $0x1  }
0xc6: {  	_ =	sfence.sel $0xFFFF  }
0xc7: {  	[dreg:$0x0] =	wrdreg $0xFFFFFFFF;
	(pc) =	sbr.abs _section_cstart, $3  }
0xc8: {  	[dreg:$0x1] =	wrdreg $0xFFFFFFFF  }
0xc9: {  	_ =	task.clear_ibuf [dreg:s9], $0x2FFFF;
	_ =	strace $0x9FFFFFFF  }
0xca: {  	(tm) =	ssettm $0x7FFFFFFF  }
0xcb: {  	_ =	shalt  }
tec
execute0_lowered:
.L_overlay_start_1:
0x0: {  	(tag) =	ssettag $0x1  }
0x1: {  	s0 =	rddreg [dreg:$0x0]  }
0x2: {  	s1 =	rddreg [dreg:$0x1]  }
0x3: {  	s3 =	rddreg [dreg:$0x2]  }
0x4: {  	s2 =	rddreg [dreg:$0x3]  }
0x5: {  	s17 =	stileid.u32;
	s5 =	simm.s32 $0x0;
	s4 =	srdreg.scid  }
0x6: {  	s15 =	simm.s32 $0x9;
	s16 =	simm.s32 $0x80;
	s18 =	simm.s32 $0xAD00  }
0x7: {  	s19 =	simm.s32 $0x1;
	s20 =	simm.s32 $0x2;
	s23 =	simm.s32 $0xBD00  }
0x8: {  	s28 =	simm.s32 $0xCD00;
	s29 =	simm.s32 $0x3;
	s31 =	simm.s32 $0x4  }
0x9: {  	s21 =	simm.s32 $0x8;
	s22 =	simm.s32 $0x0;
	s12 =	smul.u32 $0xA000, s17  }
0xa: {  	[smem:$0x7FF] =	sst s5;
	s8 =	sand.u32 $0x1, s4;
	s24 =	smul.u32 $0x14000, s17  }
0xb: {  	s10 =	smul.u32 $0x1380, s17;
	s11 =	sshll.u32 s17, $0x5;
	s26 =	sadd.s32 $0x4B000, s2  }
0xc: {  	p0 =	sgt.u32 s17, $0x3;
	p1 =	seq.s32 s17, $0xF;
	s17 =	simm.s32 $0x7  }
0xd: {  	_ =	strace $0x8000004A;
	s25 =	ssub.s32 $0x2, s8;
	s14 =	smul.u32 $0x9C40, s8  }
0xe: {  	s6 =	sshrl.u32 s25, $0x1;
	s7 =	sshrl.u32 s12, $0x1;
	s9 =	sshrl.u32 s24, $0x2  }
0xf: {  	s30 =	sshrl.u32 s12, $0x4;
	s12 =	simm.s32 $0x6;
	s13 =	ssub.s32 s25, s6  }
0x10: {  	s4 =	sadd.s32 s7, s2;
	s9 =	sadd.s32 s9, s2;
	s3 =	sadd.s32 s3, s14  }
0x11: {  	s25 =	simm.s32 $0x5;
	s5 =	sadd.s32 $0x1000, s9;
	s6 =	sadd.s32 $0x2000, s9  }
.Ltmp0:
0x12: {  	s7 =	sadd.s32 $0x3000, s9;
	s8 =	sadd.s32 $0x4000, s9;
	(pc) =	sbr.rel .LBB2_1-.Ltmp0, $4  }
0x13: {  	s9 =	sadd.s32 s1, s10;
	s1 =	sadd.s32 s11, s1;
	s11 =	sadd.s32 s0, s14  }
0x14: {  	s13 =	smax.u32 s13, $0x1;
	s14 =	simm.s32 $0x9D00;
	[dreg:$0x5] =	wrdreg s3  }
0x15: {  	s24 =	sadd.s32 s30, s3;
	s0 =	sshrl.u32 s26, $0x3;
	s3 =	simm.s32 $0x9B80  }
0x16: {  	v0 =	vimm.bf16 $0.0e+00;
	s10 =	sadd.s32 $0x13800, s1;
	[dreg:$0x6] =	wrdreg s0;
	s1 =	simm.s32 $0x9A80  }
.LBB2_9:
0x17: {  	s0 =	rddreg [dreg:$0x5]  }
0x18: {  	s26 =	rddreg [dreg:$0x6];
	s30 =	simm.s32 $0x1FC9;
	s0 =	sadd.s32 $0x9600, s0  }
0x19: {  	[hbm:s0], [sflag:s30] =	dma.local [spmem:s26], $0x640  }
0x1a: {  	_ =	swait.ge [sflag:s15], $0x640  }
0x1b: {  	[sflag:s15] =	ssyncset.done $0x0  }
0x1c: {  	[sflag:s15] =	ssyncadd.s32 $0xFFFFF9C0  }
.LBB2_10:
0x1d: {  	s22 =	sadd.s32 $0x1, s22  }
0x1e: {  	p2 =	sne.s32 s22, s13  }
.Ltmp1:
0x1f: {  	_ = 	snop;
	(pc) =	sbr.rel @!p2 .LBB2_11-.Ltmp1, $1  }
0x20: {  	_ =	sdelay $0x3  }
.LBB2_1:
0x21: {  	s26 =	simm.s32 $0x80;
	s30 =	simm.s32 $0x0  }
.LBB2_2:
0x22: {  	p2 =	sne.s32 s26, $0x3F80;
	[tilespmem:s30+$0x9D00] =	vst v0;
	s0 =	smov.u32 s26;
	s26 =	sadd.s32 $0x80, s26  }
.Ltmp2:
0x23: {  	[tilespmem:s30+$0x9D10] =	vst v0;
	(pc) =	sbr.rel @p2 .LBB2_2-.Ltmp2, $2  }
0x24: {  	_ =	sdelay $0x2  }
0x25: {  	s30 =	sshra.s32 s0, $0x2  }
0x26: {  	[tilespmem:s30+$0x9D00] =	vst v0  }
0x27: {  	[tilespmem:s30+$0x9D10] =	vst v0  }
0x28: {  	[spmem:s4] =	stream.linear.scatter [tilespmem:s14], [sflag:$0x9], $0x1000, $0x38;
	[tilespmem:$0x12D00] =	vst v63  }
0x29: {  	_ =	swait.ge [sflag:s15], $0x1000  }
0x2a: {  	[sflag:s15] =	ssyncset.done $0x0  }
0x2b: {  	[sflag:s15] =	ssyncadd.s32 $0xFFFFF000  }
0x2c: {  	[spmem:s5] =	stream.linear.scatter [tilespmem:s14], [sflag:$0x9], $0x1000, $0x38;
	[tilespmem:$0x12D00] =	vst v63  }
0x2d: {  	_ =	swait.ge [sflag:s15], $0x1000  }
0x2e: {  	[sflag:s15] =	ssyncset.done $0x0  }
0x2f: {  	[sflag:s15] =	ssyncadd.s32 $0xFFFFF000  }
0x30: {  	[spmem:s6] =	stream.linear.scatter [tilespmem:s14], [sflag:$0x9], $0x1000, $0x38;
	[tilespmem:$0x12D00] =	vst v63  }
0x31: {  	_ =	swait.ge [sflag:s15], $0x1000  }
0x32: {  	[sflag:s15] =	ssyncset.done $0x0  }
0x33: {  	[sflag:s15] =	ssyncadd.s32 $0xFFFFF000  }
0x34: {  	[spmem:s7] =	stream.linear.scatter [tilespmem:s14], [sflag:$0x9], $0x1000, $0x38;
	[tilespmem:$0x12D00] =	vst v63  }
0x35: {  	_ =	swait.ge [sflag:s15], $0x1000  }
0x36: {  	[sflag:s15] =	ssyncset.done $0x0  }
0x37: {  	[sflag:s15] =	ssyncadd.s32 $0xFFFFF000  }
0x38: {  	[spmem:s8] =	stream.linear.scatter [tilespmem:s14], [sflag:$0x9], $0x1000, $0x38;
	[tilespmem:$0x12D00] =	vst v63  }
0x39: {  	_ =	swait.ge [sflag:s15], $0x1000  }
0x3a: {  	[sflag:s15] =	ssyncset.done $0x0  }
0x3b: {  	s0 =	simm.s32 $0x0;
	[sflag:s15] =	ssyncadd.s32 $0xFFFFF000  }
0x3c: {  	[tilespmem:s0], [sflag:$0x9] =	stream.linear.gather [hbm4b:s9+s0], $0x9C00, $0x38;
	[tilespmem:$0x12D00] =	vst v63  }
0x3d: {  	_ =	swait.ge [sflag:s15], $0x9C00  }
0x3e: {  	[sflag:s15] =	ssyncset.done $0x0  }
0x3f: {  	s26 =	simm.s32 @!p0 $0x9C00;
	s0 =	simm.s32 @!p0 $0x0;
	[sflag:s15] =	ssyncadd.s32 $0xFFFF6400  }
0x40: {  	[tilespmem:s26], [sflag:$0x9] =	stream.linear.gather @!p0 [hbm4b:s10+s0], $0x100, $0x38;
	[tilespmem:$0x12D00] =	vst v63  }
0x41: {  	s0 =	simm.s32 @!p0 $0x9  }
0x42: {  	_ =	swait.ge @!p0 [sflag:s0], $0x100  }
0x43: {  	[sflag:s0] =	ssyncset.done @!p0 $0x0  }
0x44: {  	[sflag:s0] =	ssyncadd.s32 @!p0 $0xFFFFFF00  }
0x45: {  	s26 =	simm.s32 $0x0;
	[bflag:$0x0] =	sbarrier.arrive $0xFFFF  }
0x46: {  	[tilespmem:s14], [sflag:$0x1] =	stream.indirect.gather [hbm4b:s11+s16], $0x20, s26, s16, $0xb8;
	[tilespmem:$0x12D00] =	vst v63  }
0x47: {  	s26 =	simm.s32 $0x100  }
0x48: {  	[tilespmem:s18], [sflag:$0x2] =	stream.indirect.gather [hbm4b:s11+s16], $0x20, s26, s16, $0xb8;
	[tilespmem:$0x12D00] =	vst v63  }
0x49: {  	_ =	swait.ge [sflag:s19], $0x1000  }
0x4a: {  	[sflag:s19] =	ssyncset.done $0x0  }
0x4b: {  	[sflag:s19] =	ssyncadd.s32 $0xFFFFF000  }
0x4c: {  	[spmem:s2] =	stream.indirect.scatter.add.bf16 [tilespmem:s14], [sflag:$0x5], $0x20, s16, s16, $0xb8;
	[tilespmem:$0x12D00] =	vst v63  }
0x4d: {  	_ =	swait.ge [sflag:s20], $0x1000  }
0x4e: {  	[sflag:s20] =	ssyncset.done $0x0  }
0x4f: {  	s26 =	simm.s32 $0x180;
	[sflag:s20] =	ssyncadd.s32 $0xFFFFF000  }
0x50: {  	[spmem:s2] =	stream.indirect.scatter.add.bf16 [tilespmem:s18], [sflag:$0x6], $0x20, s26, s16, $0xb8;
	[tilespmem:$0x12D00] =	vst v63  }
0x51: {  	s26 =	simm.s32 $0x200  }
0x52: {  	[tilespmem:s23], [sflag:$0x3] =	stream.indirect.gather [hbm4b:s11+s16], $0x20, s26, s16, $0xb8;
	[tilespmem:$0x12D00] =	vst v63  }
0x53: {  	s26 =	simm.s32 $0x300  }
0x54: {  	[tilespmem:s28], [sflag:$0x4] =	stream.indirect.gather [hbm4b:s11+s16], $0x20, s26, s16, $0xb8;
	[tilespmem:$0x12D00] =	vst v63  }
0x55: {  	_ =	swait.ge [sflag:s29], $0x1000  }
0x56: {  	[sflag:s29] =	ssyncset.done $0x0  }
0x57: {  	s26 =	simm.s32 $0x280;
	[sflag:s29] =	ssyncadd.s32 $0xFFFFF000  }
0x58: {  	[spmem:s2] =	stream.indirect.scatter.add.bf16 [tilespmem:s23], [sflag:$0x7], $0x20, s26, s16, $0xb8;
	[tilespmem:$0x12D00] =	vst v63  }
0x59: {  	_ =	swait.ge [sflag:s31], $0x1000  }
0x5a: {  	[sflag:s31] =	ssyncset.done $0x0  }
0x5b: {  	s26 =	simm.s32 $0x380;
	[sflag:s31] =	ssyncadd.s32 $0xFFFFF000  }
0x5c: {  	[spmem:s2] =	stream.indirect.scatter.add.bf16 [tilespmem:s28], [sflag:$0x8], $0x20, s26, s16, $0xb8;
	[tilespmem:$0x12D00] =	vst v63  }
0x5d: {  	_ =	swait.ge [sflag:s25], $0x1000  }
0x5e: {  	[sflag:s25] =	ssyncset.done $0x0  }
0x5f: {  	[sflag:s25] =	ssyncadd.s32 $0xFFFFF000  }
0x60: {  	_ =	swait.ge [sflag:s12], $0x1000  }
0x61: {  	[sflag:s12] =	ssyncset.done $0x0  }
0x62: {  	s26 =	simm.s32 $0x400;
	[sflag:s12] =	ssyncadd.s32 $0xFFFFF000  }
0x63: {  	[tilespmem:s14], [sflag:$0x1] =	stream.indirect.gather [hbm4b:s11+s16], $0x20, s26, s16, $0xb8;
	[tilespmem:$0x12D00] =	vst v63  }
0x64: {  	s26 =	simm.s32 $0x500  }
0x65: {  	[tilespmem:s18], [sflag:$0x2] =	stream.indirect.gather [hbm4b:s11+s16], $0x20, s26, s16, $0xb8;
	[tilespmem:$0x12D00] =	vst v63  }
0x66: {  	_ =	swait.ge [sflag:s19], $0x1000  }
0x67: {  	[sflag:s19] =	ssyncset.done $0x0  }
0x68: {  	s26 =	simm.s32 $0x480;
	[sflag:s19] =	ssyncadd.s32 $0xFFFFF000  }
0x69: {  	[spmem:s2] =	stream.indirect.scatter.add.bf16 [tilespmem:s14], [sflag:$0x5], $0x20, s26, s16, $0xb8;
	[tilespmem:$0x12D00] =	vst v63  }
0x6a: {  	_ =	swait.ge [sflag:s20], $0x1000  }
0x6b: {  	[sflag:s20] =	ssyncset.done $0x0  }
0x6c: {  	s26 =	simm.s32 $0x580;
	[sflag:s20] =	ssyncadd.s32 $0xFFFFF000  }
0x6d: {  	[spmem:s2] =	stream.indirect.scatter.add.bf16 [tilespmem:s18], [sflag:$0x6], $0x20, s26, s16, $0xb8;
	[tilespmem:$0x12D00] =	vst v63  }
0x6e: {  	_ =	swait.ge [sflag:s17], $0x1000  }
0x6f: {  	[sflag:s17] =	ssyncset.done $0x0  }
0x70: {  	[sflag:s17] =	ssyncadd.s32 $0xFFFFF000  }
0x71: {  	_ =	swait.ge [sflag:s21], $0x1000  }
0x72: {  	[sflag:s21] =	ssyncset.done $0x0  }
0x73: {  	s26 =	simm.s32 $0x600;
	[sflag:s21] =	ssyncadd.s32 $0xFFFFF000  }
0x74: {  	[tilespmem:s23], [sflag:$0x3] =	stream.indirect.gather [hbm4b:s11+s16], $0x20, s26, s16, $0xb8;
	[tilespmem:$0x12D00] =	vst v63  }
0x75: {  	s26 =	simm.s32 $0x700  }
0x76: {  	[tilespmem:s28], [sflag:$0x4] =	stream.indirect.gather [hbm4b:s11+s16], $0x20, s26, s16, $0xb8;
	[tilespmem:$0x12D00] =	vst v63  }
0x77: {  	_ =	swait.ge [sflag:s29], $0x1000  }
0x78: {  	[sflag:s29] =	ssyncset.done $0x0  }
0x79: {  	s26 =	simm.s32 $0x680;
	[sflag:s29] =	ssyncadd.s32 $0xFFFFF000  }
0x7a: {  	[spmem:s2] =	stream.indirect.scatter.add.bf16 [tilespmem:s23], [sflag:$0x7], $0x20, s26, s16, $0xb8;
	[tilespmem:$0x12D00] =	vst v63  }
0x7b: {  	_ =	swait.ge [sflag:s31], $0x1000  }
0x7c: {  	[sflag:s31] =	ssyncset.done $0x0  }
0x7d: {  	s26 =	simm.s32 $0x780;
	[sflag:s31] =	ssyncadd.s32 $0xFFFFF000  }
0x7e: {  	[spmem:s2] =	stream.indirect.scatter.add.bf16 [tilespmem:s28], [sflag:$0x8], $0x20, s26, s16, $0xb8;
	[tilespmem:$0x12D00] =	vst v63  }
0x7f: {  	_ =	swait.ge [sflag:s25], $0x1000  }
0x80: {  	[sflag:s25] =	ssyncset.done $0x0  }
0x81: {  	[sflag:s25] =	ssyncadd.s32 $0xFFFFF000  }
0x82: {  	_ =	swait.ge [sflag:s12], $0x1000  }
0x83: {  	[sflag:s12] =	ssyncset.done $0x0  }
0x84: {  	s26 =	simm.s32 $0x800;
	[sflag:s12] =	ssyncadd.s32 $0xFFFFF000  }
0x85: {  	[tilespmem:s14], [sflag:$0x1] =	stream.indirect.gather [hbm4b:s11+s16], $0x20, s26, s16, $0xb8;
	[tilespmem:$0x12D00] =	vst v63  }
0x86: {  	s30 =	simm.s32 $0x900;
	s26 =	simm.s32 $0x1000  }
.LBB2_4:
0x87: {  	[tilespmem:s18], [sflag:$0x2] =	stream.indirect.gather [hbm4b:s11+s16], $0x20, s30, s16, $0xb8;
	[tilespmem:$0x12D00] =	vst v63  }
0x88: {  	s0 =	smov.u32 s26  }
0x89: {  	p2 =	sne.s32 s26, $0x24000;
	s26 =	sadd.s32 $0x1000, s26;
	_ =	swait.ge [sflag:s19], $0x1000  }
0x8a: {  	s30 =	sshra.s32 s0, $0x2;
	[sflag:s19] =	ssyncset.done $0x0  }
0x8b: {  	s0 =	sadd.s32 $0x480, s30;
	[sflag:s19] =	ssyncadd.s32 $0xFFFFF000  }
0x8c: {  	[spmem:s2] =	stream.indirect.scatter.add.bf16 [tilespmem:s14], [sflag:$0x5], $0x20, s0, s16, $0xb8;
	[tilespmem:$0x12D00] =	vst v63  }
0x8d: {  	_ =	swait.ge [sflag:s20], $0x1000  }
0x8e: {  	[sflag:s20] =	ssyncset.done $0x0  }
0x8f: {  	s0 =	sadd.s32 $0x580, s30;
	[sflag:s20] =	ssyncadd.s32 $0xFFFFF000  }
0x90: {  	[spmem:s2] =	stream.indirect.scatter.add.bf16 [tilespmem:s18], [sflag:$0x6], $0x20, s0, s16, $0xb8;
	[tilespmem:$0x12D00] =	vst v63  }
0x91: {  	_ =	swait.ge [sflag:s17], $0x1000  }
0x92: {  	[sflag:s17] =	ssyncset.done $0x0  }
0x93: {  	[sflag:s17] =	ssyncadd.s32 $0xFFFFF000  }
0x94: {  	_ =	swait.ge [sflag:s21], $0x1000  }
0x95: {  	[sflag:s21] =	ssyncset.done $0x0  }
0x96: {  	s0 =	sadd.s32 $0x600, s30;
	[sflag:s21] =	ssyncadd.s32 $0xFFFFF000  }
0x97: {  	[tilespmem:s23], [sflag:$0x3] =	stream.indirect.gather [hbm4b:s11+s16], $0x20, s0, s16, $0xb8;
	[tilespmem:$0x12D00] =	vst v63  }
0x98: {  	s0 =	sadd.s32 $0x700, s30  }
0x99: {  	[tilespmem:s28], [sflag:$0x4] =	stream.indirect.gather [hbm4b:s11+s16], $0x20, s0, s16, $0xb8;
	[tilespmem:$0x12D00] =	vst v63  }
0x9a: {  	_ =	swait.ge [sflag:s29], $0x1000  }
0x9b: {  	[sflag:s29] =	ssyncset.done $0x0  }
0x9c: {  	s0 =	sadd.s32 $0x680, s30;
	[sflag:s29] =	ssyncadd.s32 $0xFFFFF000  }
0x9d: {  	[spmem:s2] =	stream.indirect.scatter.add.bf16 [tilespmem:s23], [sflag:$0x7], $0x20, s0, s16, $0xb8;
	[tilespmem:$0x12D00] =	vst v63  }
0x9e: {  	_ =	swait.ge [sflag:s31], $0x1000  }
0x9f: {  	[sflag:s31] =	ssyncset.done $0x0  }
0xa0: {  	s0 =	sadd.s32 $0x780, s30;
	[sflag:s31] =	ssyncadd.s32 $0xFFFFF000  }
0xa1: {  	[spmem:s2] =	stream.indirect.scatter.add.bf16 [tilespmem:s28], [sflag:$0x8], $0x20, s0, s16, $0xb8;
	[tilespmem:$0x12D00] =	vst v63  }
0xa2: {  	_ =	swait.ge [sflag:s25], $0x1000  }
0xa3: {  	[sflag:s25] =	ssyncset.done $0x0  }
0xa4: {  	[sflag:s25] =	ssyncadd.s32 $0xFFFFF000  }
.Ltmp3:
0xa5: {  	_ =	swait.ge [sflag:s12], $0x1000;
	(pc) =	sbr.rel @p2 .LBB2_4-.Ltmp3, $4  }
0xa6: {  	[sflag:s12] =	ssyncset.done $0x0  }
0xa7: {  	s0 =	sadd.s32 $0x800, s30;
	[sflag:s12] =	ssyncadd.s32 $0xFFFFF000  }
0xa8: {  	[tilespmem:s14], [sflag:$0x1] =	stream.indirect.gather [hbm4b:s11+s16], $0x20, s0, s16, $0xb8;
	[tilespmem:$0x12D00] =	vst v63  }
0xa9: {  	s30 =	sadd.s32 $0x900, s30  }
0xaa: {  	[tilespmem:s18], [sflag:$0x2] =	stream.indirect.gather [hbm4b:s11+s16], $0x20, s30, s16, $0xb8;
	[tilespmem:$0x12D00] =	vst v63  }
0xab: {  	_ =	swait.ge [sflag:s19], $0x1000  }
0xac: {  	[sflag:s19] =	ssyncset.done $0x0  }
0xad: {  	s0 =	simm.s32 $0x9880;
	[sflag:s19] =	ssyncadd.s32 $0xFFFFF000  }
0xae: {  	[spmem:s2] =	stream.indirect.scatter.add.bf16 [tilespmem:s14], [sflag:$0x5], $0x20, s0, s16, $0xb8;
	[tilespmem:$0x12D00] =	vst v63  }
0xaf: {  	_ =	swait.ge [sflag:s20], $0x1000  }
0xb0: {  	[sflag:s20] =	ssyncset.done $0x0  }
0xb1: {  	s30 =	simm.s32 $0x9980;
	[sflag:s20] =	ssyncadd.s32 $0xFFFFF000  }
0xb2: {  	[spmem:s2] =	stream.indirect.scatter.add.bf16 [tilespmem:s18], [sflag:$0x6], $0x20, s30, s16, $0xb8;
	[tilespmem:$0x12D00] =	vst v63  }
0xb3: {  	_ =	swait.ge [sflag:s17], $0x1000  }
0xb4: {  	[sflag:s17] =	ssyncset.done $0x0  }
0xb5: {  	[sflag:s17] =	ssyncadd.s32 $0xFFFFF000  }
0xb6: {  	_ =	swait.ge [sflag:s21], $0x1000  }
0xb7: {  	[sflag:s21] =	ssyncset.done $0x0  }
0xb8: {  	s26 =	simm.s32 $0x9A00;
	[sflag:s21] =	ssyncadd.s32 $0xFFFFF000  }
0xb9: {  	[tilespmem:s23], [sflag:$0x3] =	stream.indirect.gather [hbm4b:s11+s16], $0x20, s26, s16, $0xb8;
	[tilespmem:$0x12D00] =	vst v63  }
0xba: {  	s30 =	simm.s32 $0x9B00  }
0xbb: {  	[tilespmem:s28], [sflag:$0x4] =	stream.indirect.gather [hbm4b:s11+s16], $0x20, s30, s16, $0xb8;
	[tilespmem:$0x12D00] =	vst v63  }
0xbc: {  	_ =	swait.ge [sflag:s29], $0x1000  }
0xbd: {  	[sflag:s29] =	ssyncset.done $0x0  }
0xbe: {  	[sflag:s29] =	ssyncadd.s32 $0xFFFFF000  }
0xbf: {  	[spmem:s2] =	stream.indirect.scatter.add.bf16 [tilespmem:s23], [sflag:$0x7], $0x20, s1, s16, $0xb8;
	[tilespmem:$0x12D00] =	vst v63  }
0xc0: {  	_ =	swait.ge [sflag:s31], $0x1000  }
0xc1: {  	[sflag:s31] =	ssyncset.done $0x0  }
0xc2: {  	[sflag:s31] =	ssyncadd.s32 $0xFFFFF000  }
0xc3: {  	[spmem:s2] =	stream.indirect.scatter.add.bf16 [tilespmem:s28], [sflag:$0x8], $0x20, s3, s16, $0xb8;
	[tilespmem:$0x12D00] =	vst v63  }
0xc4: {  	_ =	swait.ge [sflag:s25], $0x1000  }
0xc5: {  	[sflag:s25] =	ssyncset.done $0x0  }
0xc6: {  	[sflag:s25] =	ssyncadd.s32 $0xFFFFF000  }
0xc7: {  	_ =	swait.ge [sflag:s12], $0x1000  }
0xc8: {  	[sflag:s12] =	ssyncset.done $0x0  }
0xc9: {  	[sflag:s12] =	ssyncadd.s32 $0xFFFFF000  }
0xca: {  	_ =	swait.ge [sflag:s17], $0x1000  }
.Ltmp4:
0xcb: {  	[sflag:s17] =	ssyncset.done $0x0;
	(pc) =	sbr.rel @p0 .LBB2_7-.Ltmp4, $4  }
0xcc: {  	[sflag:s17] =	ssyncadd.s32 $0xFFFFF000  }
0xcd: {  	_ =	swait.ge [sflag:s21], $0x1000  }
0xce: {  	[sflag:s21] =	ssyncset.done $0x0  }
0xcf: {  	[sflag:s21] =	ssyncadd.s32 $0xFFFFF000  }
0xd0: {  	s0 =	simm.s32 $0x9C00  }
0xd1: {  	[tilespmem:s14], [sflag:$0x9] =	stream.indirect.gather [hbm4b:s11+s16], $0x20, s0, s16, $0xb8;
	[tilespmem:$0x12D00] =	vst v63  }
0xd2: {  	_ =	swait.ge [sflag:s15], $0x1000  }
0xd3: {  	[sflag:s15] =	ssyncset.done $0x0  }
0xd4: {  	s30 =	simm.s32 $0x9C80;
	[sflag:s15] =	ssyncadd.s32 $0xFFFFF000  }
0xd5: {  	[spmem:s2] =	stream.indirect.scatter.add.bf16 [tilespmem:s14], [sflag:$0x9], $0x20, s30, s16, $0xb8;
	[tilespmem:$0x12D00] =	vst v63  }
.Ltmp5:
0xd6: {  	_ =	swait.ge [sflag:s15], $0x1000;
	(pc) =	sbr.rel .LBB2_8-.Ltmp5, $3  }
0xd7: {  	[sflag:s15] =	ssyncset.done $0x0  }
0xd8: {  	[sflag:s15] =	ssyncadd.s32 $0xFFFFF000  }
0xd9: {  	[bflag:$0x0] =	sbarrier.arrive $0xFFFF;
	_ =	sdelay $0x1  }
.LBB2_7:
.Ltmp6:
0xda: {  	(pc) =	sbr.rel @p1 .LBB2_9-.Ltmp6, $2  }
0xdb: {  	_ =	sdelay $0x1  }
0xdc: {  	[bflag:$0x0] =	sbarrier.arrive $0xFFFF;
	_ =	sdelay $0x1  }
.LBB2_8:
0xdd: {  	s0 =	stileid.u32  }
0xde: {  	s0 =	sshll.u32 s0, $0x6  }
.Ltmp7:
0xdf: {  	s26 =	sshrl.u32 s4, $0x3;
	s0 =	sor.u32 $0x1C09, s0;
	(pc) =	sbr.rel .LBB2_10-.Ltmp7, $4  }
0xe0: {  	[hbm:s24], [sflag:s0] =	dma.local [spmem:s26], $0xA00  }
0xe1: {  	_ =	swait.ge [sflag:s15], $0xA00  }
0xe2: {  	[sflag:s15] =	ssyncset.done $0x0  }
0xe3: {  	[sflag:s15] =	ssyncadd.s32 $0xFFFFF600  }
.LBB2_11:
0xe4: {  	_ =	sfence.sel $0x180000  }
0xe5: {  	[bflag:$0x0] =	sbarrier.arrive $0xFFFF  }
0xe6: {  	_ =	strace $0x9000004A  }
0xe7: {  	s0 =	stileid.u32;
	[bflag:$0x2] =	sbarrier.arrive $0xFFFF  }
0xe8: {  	p0 =	sne.s32 s0, $0x0;
	s0 =	rddreg [dreg:$0x4]  }
0xe9: {  	s0 =	sadd.s32 @!p0 $0x100000, s0  }
0xea: {  	[sflag:s0] =	ssyncadd.tile.s32 @!p0 $0x1;
	_ =	shalt  }
.Lfunc_end2:
_tile_overlayer_lowered:
.L_overlay_start_2:
0xeb: {  	(tag) =	ssettag $0x2  }
0xec: {  	s0 =	rddreg [dreg:$0x0];
	s2 =	stileid.u32  }
0xed: {  	s1 =	rddreg [dreg:$0x1];
	p0 =	sne.s32 s2, $0x0  }
0xee: {  	s3 =	rddreg [dreg:$0x2];
	[bflag:$0x3] =	sbarrier.arrive $0xFFFF;
	s2 =	simm.s32 @!p0 $0x1C09  }
0xef: {  	[timem:s3], [sflag:s2] =	dma.local @!p0 [hbm:s0], s1  }
0xf0: {  	s0 =	simm.s32 @!p0 $0x9  }
0xf1: {  	_ =	swait.ge @!p0 [sflag:s0], s1  }
0xf2: {  	s1 =	ssub.s32 @!p0 $0x0, s1;
	[sflag:s0] =	ssyncset.done @!p0 $0x0  }
0xf3: {  	[sflag:s0] =	ssyncadd.s32 @!p0 s1  }
0xf4: {  	[bflag:$0x3] =	sbarrier.arrive $0xFFFF  }
0xf5: {  	_ =	shalt  }

// kernel: kernel.14.cloned.1.call-start
scs
__scs_entry_jumppad:
0x0: {  	(pc) =	sbr.rel $0x88, $3  }
0x1: {  	(tag) =	ssettag $0x0;
	lr =	simm.s32 $0x1  }
0x2: {  	[smem:$0x3F9B] =	sst lr;
	_ =	strace $0xD0000000  }
0x3: {  	_ = 	snop  }
0x4: {  	_ = 	snop  }
0x5: {  	_ = 	snop  }
0x6: {  	_ = 	snop  }
0x7: {  	_ = 	snop  }
__scs_overlays_trampoline_lowered:
0x8: {  	[smem:$0x3FAA] =	sst s0  }
0x9: {  	[smem:$0x3FAB] =	sst s1  }
0xa: {  	[smem:$0x3FAC] =	sst s2  }
0xb: {  	[smem:$0x3FAD] =	sst s3  }
0xc: {  	[smem:$0x3FAE] =	sst s4  }
0xd: {  	[smem:$0x3FAF] =	sst s5  }
0xe: {  	[smem:$0x3FB0] =	sst s6  }
0xf: {  	[smem:$0x3FB1] =	sst s7  }
0x10: {  	[smem:$0x3FB2] =	sst s8  }
0x11: {  	[smem:$0x3FB3] =	sst s9;
	s0 =	simm.s32 @!p0 $0x0  }
0x12: {  	s1 =	sld [smem:$0x3F99];
	s0 =	simm.s32 @p0 $0x1  }
0x13: {  	[smem:$0x3FB4] =	sst s0;
	s0 =	simm.s32 @!p1 $0x0  }
0x14: {  	s2 =	sld [smem:$0x3F98];
	s0 =	simm.s32 @p1 $0x1  }
0x15: {  	[smem:$0x3FB5] =	sst s0;
	s0 =	simm.s32 @!p2 $0x0  }
0x16: {  	s3 =	sld [smem:$0x3FDB];
	s0 =	simm.s32 @p2 $0x1  }
0x17: {  	s4 =	simm.s32 $0x1BF5;
	[smem:$0x3FB7] =	sst s0  }
0x18: {  	s0 =	sld [smem:$0x3F9A];
	_ =	swait.ge [sflag:s4], $0x0  }
0x19: {  	s7 =	sld [smem:$0x3F9B]  }
0x1a: {  	s8 =	sadd.s32 $0xFFFFE003, lr  }
0x1b: {  	s9 =	sadd.s32 $0xFFFFFEF7, lr;
	s5 =	simm.s32 $0xFFFFFFFF;
	p2 =	slt.u32 s8, $0xFFFFF086  }
0x1c: {  	p1 =	slt.u32 s9, $0xF7A;
	s5 =	simm.s32 @!p2 $0x0  }
0x1d: {  	s5 =	simm.s32 @p1 $0x1;
	p0 =	seq.s32 s7, s2  }
0x1e: {  	s7 =	smul.u32 @!p0 $0xF7A, s2;
	p2 =	seq.s32 @!p0 s5, $0x0  }
0x1f: {  	s9 =	smul.u32 $0xF7A, s1;
	s8 =	simm.s32 @!p0 $0x1BF5;
	p2 =	por !p2, p0  }
0x20: {  	[sflag:s8] =	ssyncset.s32 @!p0 $0xFFFFF086;
	s6 =	sadd.s32 @!p0 s3, s7;
	s7 =	simm.s32 @!p0 $0x108  }
0x21: {  	s3 =	sadd.s32 s3, s9;
	s6 =	sadd.s32 @!p0 $0x88, s6;
	s7 =	simm.s32 @p2 $0x1082  }
0x22: {  	[simem:s7], [sflag:s8] =	dma.local @!p0 [hbm:s6], $0xF7A  }
0x23: {  	s9 =	sor.u32 $0xD0000000, s2;
	s6 =	simm.s32 $0x108;
	_ =	swait.ge @!p0 [sflag:s8], $0x0  }
0x24: {  	s3 =	sadd.s32 $0x88, s3;
	s6 =	simm.s32 @!p1 $0x1082;
	[sflag:s4] =	ssyncset.s32 $0xFFFFF086  }
0x25: {  	[simem:s6], [sflag:s4] =	dma.local [hbm:s3], $0xF7A  }
0x26: {  	[smem:$0x3F9B] =	sst s1;
	(tag) =	ssettag s2;
	_ =	strace s9  }
0x27: {  	s1 =	sld [smem:$0x3FAB]  }
0x28: {  	s2 =	sld [smem:$0x3FAC]  }
0x29: {  	s4 =	sld [smem:$0x3FAE]  }
0x2a: {  	p0 =	seq.s32 s5, $0x0;
	s5 =	sld [smem:$0x3FAF]  }
0x2b: {  	s6 =	sld [smem:$0x3FB0]  }
0x2c: {  	s7 =	sld [smem:$0x3FB1]  }
0x2d: {  	s3 =	simm.s32 $0x108;
	s8 =	sld [smem:$0x3FB2]  }
0x2e: {  	s3 =	simm.s32 @!p0 $0x1082;
	s9 =	sld [smem:$0x3FB3]  }
0x2f: {  	lr =	sadd.s32 s0, s3;
	s0 =	sld [smem:$0x3FAA]  }
0x30: {  	s3 =	sld [smem:$0x3FAD]  }
0x31: {  	[smem:$0x3FB6] =	sst s10  }
0x32: {  	s10 =	sld [smem:$0x3FB4];
	_ =	sdelay $0x3  }
0x33: {  	p0 =	seq.s32 s10, $0x1;
	s10 =	sld [smem:$0x3FB6];
	_ =	sdelay $0x3  }
0x34: {  	[smem:$0x3FB6] =	sst s10  }
0x35: {  	s10 =	sld [smem:$0x3FB5];
	_ =	sdelay $0x3  }
0x36: {  	p1 =	seq.s32 s10, $0x1;
	s10 =	sld [smem:$0x3FB6];
	_ =	sdelay $0x3  }
0x37: {  	[smem:$0x3FB6] =	sst s10  }
0x38: {  	s10 =	sld [smem:$0x3FB7]  }
0x39: {  	_ = 	snop;
	(pc) =	sbr.ind lr, $3  }
0x3a: {  	_ = 	snop  }
0x3b: {  	_ = 	snop  }
0x3c: {  	p2 =	seq.s32 s10, $0x1;
	s10 =	sld [smem:$0x3FB6]  }
0x3d: {  	_ =	shalt  }
0x3e: {  	_ =	shalt  }
0x3f: {  	_ =	shalt  }
0x40: {  	_ =	shalt  }
0x41: {  	_ =	shalt  }
0x42: {  	_ =	shalt  }
0x43: {  	_ =	shalt  }
0x44: {  	_ =	shalt  }
0x45: {  	_ =	shalt  }
0x46: {  	_ =	shalt  }
0x47: {  	_ =	shalt  }
0x48: {  	_ =	shalt  }
0x49: {  	_ =	shalt  }
0x4a: {  	_ =	shalt  }
0x4b: {  	_ =	shalt  }
0x4c: {  	_ =	shalt  }
0x4d: {  	_ =	shalt  }
0x4e: {  	_ =	shalt  }
0x4f: {  	_ =	shalt  }
0x50: {  	_ =	shalt  }
0x51: {  	_ =	shalt  }
0x52: {  	_ =	shalt  }
0x53: {  	_ =	shalt  }
0x54: {  	_ =	shalt  }
0x55: {  	_ =	shalt  }
0x56: {  	_ =	shalt  }
0x57: {  	_ =	shalt  }
0x58: {  	_ =	shalt  }
0x59: {  	_ =	shalt  }
0x5a: {  	_ =	shalt  }
0x5b: {  	_ =	shalt  }
0x5c: {  	_ =	shalt  }
0x5d: {  	_ =	shalt  }
0x5e: {  	_ =	shalt  }
0x5f: {  	_ =	shalt  }
0x60: {  	_ =	shalt  }
0x61: {  	_ =	shalt  }
0x62: {  	_ =	shalt  }
0x63: {  	_ =	shalt  }
0x64: {  	_ =	shalt  }
0x65: {  	_ =	shalt  }
0x66: {  	_ =	shalt  }
0x67: {  	_ =	shalt  }
0x68: {  	_ =	shalt  }
0x69: {  	_ =	shalt  }
0x6a: {  	_ =	shalt  }
0x6b: {  	_ =	shalt  }
0x6c: {  	_ =	shalt  }
0x6d: {  	_ =	shalt  }
0x6e: {  	_ =	shalt  }
0x6f: {  	_ =	shalt  }
0x70: {  	_ =	shalt  }
0x71: {  	_ =	shalt  }
0x72: {  	_ =	shalt  }
0x73: {  	_ =	shalt  }
0x74: {  	_ =	shalt  }
0x75: {  	_ =	shalt  }
0x76: {  	_ =	shalt  }
0x77: {  	_ =	shalt  }
0x78: {  	_ =	shalt  }
0x79: {  	_ =	shalt  }
0x7a: {  	_ =	shalt  }
0x7b: {  	_ =	shalt  }
0x7c: {  	_ =	shalt  }
0x7d: {  	_ =	shalt  }
0x7e: {  	_ =	shalt  }
0x7f: {  	_ =	shalt  }
0x80: {  	_ =	shalt  }
0x81: {  	_ =	shalt  }
0x82: {  	_ =	shalt  }
0x83: {  	_ =	shalt  }
0x84: {  	_ =	shalt  }
0x85: {  	_ =	shalt  }
0x86: {  	_ =	shalt  }
0x87: {  	_ =	shalt  }
.Lfunc_end0:
.L_simem_size_0:
called_computation.2_lowered:
.L_overlay_start_0:
0x88: {  	s2 =	sld [smem:$0x3FD9]  }
0x89: {  	s3 =	sld [smem:$0x3FFE];
	_ =	sdelay $0x1  }
0x8a: {  	s1 =	srdreg.scid  }
0x8b: {  	s0 =	sand.u32 $0x1, s1  }
0x8c: {  	s15 =	sshll.u32 s0, $0xA;
	s2 =	sadd.s32 s3, s2  }
0x8d: {  	s2 =	sadd.s32 s2, s15  }
0x8e: {  	[smem:$0x3FC2] =	sst s2  }
0x8f: {  	_ = 	snop  }
0x90: {  	s2 =	sld [smem:$0x3FD0];
	_ =	sdelay $0x2  }
0x91: {  	s4 =	simm.s32 $0xA;
	s5 =	simm.s32 $0x10;
	s16 =	sld [smem:$0x3FC8]  }
0x92: {  	[smem:s5], [sflag:s4] =	dma.local [hbm:s2], $0x1  }
0x93: {  	_ =	swait.eq [sflag:s4], $0x1  }
0x94: {  	[sflag:s4] =	ssyncset.done $0x0  }
0x95: {  	s17 =	sld [smem:$0x10];
	[sflag:s4] =	ssyncadd.s32 $0xFFFFFFFF  }
0x96: {  	s18 =	sld [smem:$0x11];
	(tm) =	ssettm $0x1  }
0x97: {  	s19 =	sld [smem:$0x3FFB];
	_ =	sdelay $0x3  }
0x98: {  	_ =	strace s19  }
0x99: {  	s5 =	sld [smem:$0x3FFC];
	_ =	sdelay $0x3  }
0x9a: {  	_ =	strace s5  }
0x9b: {  	s5 =	sld [smem:$0x3FFD];
	_ =	sdelay $0x3  }
0x9c: {  	_ =	strace s5  }
0x9d: {  	_ =	strace $0x8FFFFFFF  }
0x9e: {  	s20 =	sld [smem:$0x3FDB];
	_ =	sdelay $0x1  }
0x9f: {  	s6 =	simm.s32 $_scs_section_size  }
0xa0: {  	s7 =	simm.s32 $_size__tile_overlayer_lowered;
	s8 =	simm.s32 $_tile_overlayer_lowered  }
0xa1: {  	s23 =	simm.s32 $0x1BFF;
	s22 =	sshll.u32 s8, $0x1;
	s5 =	sadd.s32 s6, s20  }
0xa2: {  	s9 =	simm.s32 $0x0;
	s21 =	sshll.u32 s7, $0x1;
	s7 =	sadd.s32 s22, s5  }
0xa3: {  	[timem:s9], [sflag:s23] =	dma.local [hbm:s7], s21  }
0xa4: {  	_ =	swait.ge [sflag:s23], s21  }
0xa5: {  	s6 =	ssub.s32 $0x0, s21;
	[sflag:s23] =	ssyncset.done $0x0  }
0xa6: {  	[sflag:s23] =	ssyncadd.s32 s6;
	_ =	sdelay $0x1  }
0xa7: {  	s24 =	simm.s32 $0x1B8B  }
0xa8: {  	_ =	swait.ge [sflag:s24], $0x1  }
0xa9: {  	[sflag:s24] =	ssyncset.done $0x0  }
0xaa: {  	s25 =	simm.s32 $0x1B8E;
	[sflag:s24] =	ssyncadd.s32 $0xFFFFFFFF  }
0xab: {  	s26 =	simm.s32 $execute0_lowered;
	[smem:$0x3FD2] =	sst s25  }
0xac: {  	s6 =	sshll.u32 s26, $0x1;
	_ =	strace $0x8000004C;
	[dreg:$0x1] =	wrdreg $0xFFFFFFFF  }
0xad: {  	s28 =	simm.s32 $_size_execute0_lowered;
	s5 =	sadd.s32 s5, s6;
	[dreg:$0x0] =	wrdreg $0x0  }
0xae: {  	s6 =	sshll.u32 s28, $0x1;
	[dreg:$0x2] =	wrdreg s5  }
0xaf: {  	[dreg:$0x3] =	wrdreg s6  }
0xb0: {  	[dreg:$0x4] =	wrdreg $0xC0  }
0xb1: {  	_ =	task [dreg:s9], $0x5FFFF  }
0xb2: {  	[dreg:$0x1] =	wrdreg $0xFFFFFFFF  }
0xb3: {  	[dreg:$0x0] =	wrdreg $0x60  }
0xb4: {  	[dreg:$0x2] =	wrdreg s18  }
0xb5: {  	[dreg:$0x3] =	wrdreg s16  }
0xb6: {  	[dreg:$0x4] =	wrdreg s17  }
0xb7: {  	[dreg:$0x5] =	wrdreg $0xDD000  }
0xb8: {  	[dreg:$0x6] =	wrdreg $0x9  }
0xb9: {  	_ =	task.clear_ibuf [dreg:s9], $0x7FFFF;
	_ =	strace $0x9000004C  }
0xba: {  	s29 =	simm.s32 $0x9;
	_ =	strace $0x8000004E  }
0xbb: {  	_ =	swait.ge [sflag:s29], $0x1  }
0xbc: {  	[sflag:s29] =	ssyncadd.s32 $0xFFFFFFFF  }
0xbd: {  	_ =	strace $0x9000004E  }
0xbe: {  	_ =	sfence  }
0xbf: {  	s30 =	sld [smem:$0x0];
	_ =	sdelay $0x2  }
0xc0: {  	s31 =	sshll.u32 s1, $0xD;
	s1 =	sshrl.u32 s1, $0x2  }
0xc1: {  	s3 =	sand.u32 $0x4000, s31;
	s1 =	sadd.s32 s1, s30  }
0xc2: {  	s0 =	sor.u32 s3, s0;
	s1 =	sshll.u32 s1, $0x11  }
0xc3: {  	s0 =	sor.u32 s1, s0  }
0xc4: {  	s0 =	sadd.s32 $0x8F2B, s0  }
0xc5: {  	[sflag:s0] =	ssyncadd.remote.s32 $0x1  }
0xc6: {  	_ =	sfence.sel $0xFFFF  }
0xc7: {  	[dreg:$0x0] =	wrdreg $0xFFFFFFFF;
	(pc) =	sbr.abs _section_cstart, $3  }
0xc8: {  	[dreg:$0x1] =	wrdreg $0xFFFFFFFF  }
0xc9: {  	_ =	task.clear_ibuf [dreg:s9], $0x2FFFF;
	_ =	strace $0x9FFFFFFF  }
0xca: {  	(tm) =	ssettm $0x7FFFFFFF  }
0xcb: {  	_ =	shalt  }
tec
execute0_lowered:
.L_overlay_start_1:
0x0: {  	(tag) =	ssettag $0x1  }
0x1: {  	s0 =	rddreg [dreg:$0x0]  }
0x2: {  	s1 =	rddreg [dreg:$0x1]  }
0x3: {  	s3 =	rddreg [dreg:$0x2]  }
0x4: {  	s2 =	rddreg [dreg:$0x3]  }
0x5: {  	s17 =	stileid.u32;
	s5 =	simm.s32 $0x0;
	s4 =	srdreg.scid  }
0x6: {  	s15 =	simm.s32 $0x9;
	s16 =	simm.s32 $0x80;
	s18 =	simm.s32 $0xAD00  }
0x7: {  	s19 =	simm.s32 $0x1;
	s20 =	simm.s32 $0x2;
	s23 =	simm.s32 $0xBD00  }
0x8: {  	s28 =	simm.s32 $0xCD00;
	s29 =	simm.s32 $0x3;
	s31 =	simm.s32 $0x4  }
0x9: {  	s21 =	simm.s32 $0x8;
	s22 =	simm.s32 $0x0;
	s12 =	smul.u32 $0xA000, s17  }
0xa: {  	[smem:$0x7FF] =	sst s5;
	s8 =	sand.u32 $0x1, s4;
	s24 =	smul.u32 $0x14000, s17  }
0xb: {  	s10 =	smul.u32 $0x1380, s17;
	s11 =	sshll.u32 s17, $0x5;
	s26 =	sadd.s32 $0x4B000, s2  }
0xc: {  	p0 =	sgt.u32 s17, $0x3;
	p1 =	seq.s32 s17, $0xF;
	s17 =	simm.s32 $0x7  }
0xd: {  	_ =	strace $0x8000004D;
	s25 =	ssub.s32 $0x2, s8;
	s14 =	smul.u32 $0x9C40, s8  }
0xe: {  	s6 =	sshrl.u32 s25, $0x1;
	s7 =	sshrl.u32 s12, $0x1;
	s9 =	sshrl.u32 s24, $0x2  }
0xf: {  	s30 =	sshrl.u32 s12, $0x4;
	s12 =	simm.s32 $0x6;
	s13 =	ssub.s32 s25, s6  }
0x10: {  	s4 =	sadd.s32 s7, s2;
	s9 =	sadd.s32 s9, s2;
	s3 =	sadd.s32 s3, s14  }
0x11: {  	s25 =	simm.s32 $0x5;
	s5 =	sadd.s32 $0x1000, s9;
	s6 =	sadd.s32 $0x2000, s9  }
.Ltmp0:
0x12: {  	s7 =	sadd.s32 $0x3000, s9;
	s8 =	sadd.s32 $0x4000, s9;
	(pc) =	sbr.rel .LBB2_1-.Ltmp0, $4  }
0x13: {  	s9 =	sadd.s32 s1, s10;
	s1 =	sadd.s32 s11, s1;
	s11 =	sadd.s32 s0, s14  }
0x14: {  	s13 =	smax.u32 s13, $0x1;
	s14 =	simm.s32 $0x9D00;
	[dreg:$0x5] =	wrdreg s3  }
0x15: {  	s24 =	sadd.s32 s30, s3;
	s0 =	sshrl.u32 s26, $0x3;
	s3 =	simm.s32 $0x9B80  }
0x16: {  	v0 =	vimm.bf16 $0.0e+00;
	s10 =	sadd.s32 $0x13800, s1;
	[dreg:$0x6] =	wrdreg s0;
	s1 =	simm.s32 $0x9A80  }
.LBB2_9:
0x17: {  	s0 =	rddreg [dreg:$0x5]  }
0x18: {  	s26 =	rddreg [dreg:$0x6];
	s30 =	simm.s32 $0x1FC9;
	s0 =	sadd.s32 $0x9600, s0  }
0x19: {  	[hbm:s0], [sflag:s30] =	dma.local [spmem:s26], $0x640  }
0x1a: {  	_ =	swait.ge [sflag:s15], $0x640  }
0x1b: {  	[sflag:s15] =	ssyncset.done $0x0  }
0x1c: {  	[sflag:s15] =	ssyncadd.s32 $0xFFFFF9C0  }
.LBB2_10:
0x1d: {  	s22 =	sadd.s32 $0x1, s22  }
0x1e: {  	p2 =	sne.s32 s22, s13  }
.Ltmp1:
0x1f: {  	_ = 	snop;
	(pc) =	sbr.rel @!p2 .LBB2_11-.Ltmp1, $1  }
0x20: {  	_ =	sdelay $0x3  }
.LBB2_1:
0x21: {  	s26 =	simm.s32 $0x80;
	s30 =	simm.s32 $0x0  }
.LBB2_2:
0x22: {  	p2 =	sne.s32 s26, $0x3F80;
	[tilespmem:s30+$0x9D00] =	vst v0;
	s0 =	smov.u32 s26;
	s26 =	sadd.s32 $0x80, s26  }
.Ltmp2:
0x23: {  	[tilespmem:s30+$0x9D10] =	vst v0;
	(pc) =	sbr.rel @p2 .LBB2_2-.Ltmp2, $2  }
0x24: {  	_ =	sdelay $0x2  }
0x25: {  	s30 =	sshra.s32 s0, $0x2  }
0x26: {  	[tilespmem:s30+$0x9D00] =	vst v0  }
0x27: {  	[tilespmem:s30+$0x9D10] =	vst v0  }
0x28: {  	[spmem:s4] =	stream.linear.scatter [tilespmem:s14], [sflag:$0x9], $0x1000, $0x38;
	[tilespmem:$0x12D00] =	vst v63  }
0x29: {  	_ =	swait.ge [sflag:s15], $0x1000  }
0x2a: {  	[sflag:s15] =	ssyncset.done $0x0  }
0x2b: {  	[sflag:s15] =	ssyncadd.s32 $0xFFFFF000  }
0x2c: {  	[spmem:s5] =	stream.linear.scatter [tilespmem:s14], [sflag:$0x9], $0x1000, $0x38;
	[tilespmem:$0x12D00] =	vst v63  }
0x2d: {  	_ =	swait.ge [sflag:s15], $0x1000  }
0x2e: {  	[sflag:s15] =	ssyncset.done $0x0  }
0x2f: {  	[sflag:s15] =	ssyncadd.s32 $0xFFFFF000  }
0x30: {  	[spmem:s6] =	stream.linear.scatter [tilespmem:s14], [sflag:$0x9], $0x1000, $0x38;
	[tilespmem:$0x12D00] =	vst v63  }
0x31: {  	_ =	swait.ge [sflag:s15], $0x1000  }
0x32: {  	[sflag:s15] =	ssyncset.done $0x0  }
0x33: {  	[sflag:s15] =	ssyncadd.s32 $0xFFFFF000  }
0x34: {  	[spmem:s7] =	stream.linear.scatter [tilespmem:s14], [sflag:$0x9], $0x1000, $0x38;
	[tilespmem:$0x12D00] =	vst v63  }
0x35: {  	_ =	swait.ge [sflag:s15], $0x1000  }
0x36: {  	[sflag:s15] =	ssyncset.done $0x0  }
0x37: {  	[sflag:s15] =	ssyncadd.s32 $0xFFFFF000  }
0x38: {  	[spmem:s8] =	stream.linear.scatter [tilespmem:s14], [sflag:$0x9], $0x1000, $0x38;
	[tilespmem:$0x12D00] =	vst v63  }
0x39: {  	_ =	swait.ge [sflag:s15], $0x1000  }
0x3a: {  	[sflag:s15] =	ssyncset.done $0x0  }
0x3b: {  	s0 =	simm.s32 $0x0;
	[sflag:s15] =	ssyncadd.s32 $0xFFFFF000  }
0x3c: {  	[tilespmem:s0], [sflag:$0x9] =	stream.linear.gather [hbm4b:s9+s0], $0x9C00, $0x38;
	[tilespmem:$0x12D00] =	vst v63  }
0x3d: {  	_ =	swait.ge [sflag:s15], $0x9C00  }
0x3e: {  	[sflag:s15] =	ssyncset.done $0x0  }
0x3f: {  	s26 =	simm.s32 @!p0 $0x9C00;
	s0 =	simm.s32 @!p0 $0x0;
	[sflag:s15] =	ssyncadd.s32 $0xFFFF6400  }
0x40: {  	[tilespmem:s26], [sflag:$0x9] =	stream.linear.gather @!p0 [hbm4b:s10+s0], $0x100, $0x38;
	[tilespmem:$0x12D00] =	vst v63  }
0x41: {  	s0 =	simm.s32 @!p0 $0x9  }
0x42: {  	_ =	swait.ge @!p0 [sflag:s0], $0x100  }
0x43: {  	[sflag:s0] =	ssyncset.done @!p0 $0x0  }
0x44: {  	[sflag:s0] =	ssyncadd.s32 @!p0 $0xFFFFFF00  }
0x45: {  	s26 =	simm.s32 $0x0;
	[bflag:$0x0] =	sbarrier.arrive $0xFFFF  }
0x46: {  	[tilespmem:s14], [sflag:$0x1] =	stream.indirect.gather [hbm4b:s11+s16], $0x20, s26, s16, $0xb8;
	[tilespmem:$0x12D00] =	vst v63  }
0x47: {  	s26 =	simm.s32 $0x100  }
0x48: {  	[tilespmem:s18], [sflag:$0x2] =	stream.indirect.gather [hbm4b:s11+s16], $0x20, s26, s16, $0xb8;
	[tilespmem:$0x12D00] =	vst v63  }
0x49: {  	_ =	swait.ge [sflag:s19], $0x1000  }
0x4a: {  	[sflag:s19] =	ssyncset.done $0x0  }
0x4b: {  	[sflag:s19] =	ssyncadd.s32 $0xFFFFF000  }
0x4c: {  	[spmem:s2] =	stream.indirect.scatter.add.bf16 [tilespmem:s14], [sflag:$0x5], $0x20, s16, s16, $0xb8;
	[tilespmem:$0x12D00] =	vst v63  }
0x4d: {  	_ =	swait.ge [sflag:s20], $0x1000  }
0x4e: {  	[sflag:s20] =	ssyncset.done $0x0  }
0x4f: {  	s26 =	simm.s32 $0x180;
	[sflag:s20] =	ssyncadd.s32 $0xFFFFF000  }
0x50: {  	[spmem:s2] =	stream.indirect.scatter.add.bf16 [tilespmem:s18], [sflag:$0x6], $0x20, s26, s16, $0xb8;
	[tilespmem:$0x12D00] =	vst v63  }
0x51: {  	s26 =	simm.s32 $0x200  }
0x52: {  	[tilespmem:s23], [sflag:$0x3] =	stream.indirect.gather [hbm4b:s11+s16], $0x20, s26, s16, $0xb8;
	[tilespmem:$0x12D00] =	vst v63  }
0x53: {  	s26 =	simm.s32 $0x300  }
0x54: {  	[tilespmem:s28], [sflag:$0x4] =	stream.indirect.gather [hbm4b:s11+s16], $0x20, s26, s16, $0xb8;
	[tilespmem:$0x12D00] =	vst v63  }
0x55: {  	_ =	swait.ge [sflag:s29], $0x1000  }
0x56: {  	[sflag:s29] =	ssyncset.done $0x0  }
0x57: {  	s26 =	simm.s32 $0x280;
	[sflag:s29] =	ssyncadd.s32 $0xFFFFF000  }
0x58: {  	[spmem:s2] =	stream.indirect.scatter.add.bf16 [tilespmem:s23], [sflag:$0x7], $0x20, s26, s16, $0xb8;
	[tilespmem:$0x12D00] =	vst v63  }
0x59: {  	_ =	swait.ge [sflag:s31], $0x1000  }
0x5a: {  	[sflag:s31] =	ssyncset.done $0x0  }
0x5b: {  	s26 =	simm.s32 $0x380;
	[sflag:s31] =	ssyncadd.s32 $0xFFFFF000  }
0x5c: {  	[spmem:s2] =	stream.indirect.scatter.add.bf16 [tilespmem:s28], [sflag:$0x8], $0x20, s26, s16, $0xb8;
	[tilespmem:$0x12D00] =	vst v63  }
0x5d: {  	_ =	swait.ge [sflag:s25], $0x1000  }
0x5e: {  	[sflag:s25] =	ssyncset.done $0x0  }
0x5f: {  	[sflag:s25] =	ssyncadd.s32 $0xFFFFF000  }
0x60: {  	_ =	swait.ge [sflag:s12], $0x1000  }
0x61: {  	[sflag:s12] =	ssyncset.done $0x0  }
0x62: {  	s26 =	simm.s32 $0x400;
	[sflag:s12] =	ssyncadd.s32 $0xFFFFF000  }
0x63: {  	[tilespmem:s14], [sflag:$0x1] =	stream.indirect.gather [hbm4b:s11+s16], $0x20, s26, s16, $0xb8;
	[tilespmem:$0x12D00] =	vst v63  }
0x64: {  	s26 =	simm.s32 $0x500  }
0x65: {  	[tilespmem:s18], [sflag:$0x2] =	stream.indirect.gather [hbm4b:s11+s16], $0x20, s26, s16, $0xb8;
	[tilespmem:$0x12D00] =	vst v63  }
0x66: {  	_ =	swait.ge [sflag:s19], $0x1000  }
0x67: {  	[sflag:s19] =	ssyncset.done $0x0  }
0x68: {  	s26 =	simm.s32 $0x480;
	[sflag:s19] =	ssyncadd.s32 $0xFFFFF000  }
0x69: {  	[spmem:s2] =	stream.indirect.scatter.add.bf16 [tilespmem:s14], [sflag:$0x5], $0x20, s26, s16, $0xb8;
	[tilespmem:$0x12D00] =	vst v63  }
0x6a: {  	_ =	swait.ge [sflag:s20], $0x1000  }
0x6b: {  	[sflag:s20] =	ssyncset.done $0x0  }
0x6c: {  	s26 =	simm.s32 $0x580;
	[sflag:s20] =	ssyncadd.s32 $0xFFFFF000  }
0x6d: {  	[spmem:s2] =	stream.indirect.scatter.add.bf16 [tilespmem:s18], [sflag:$0x6], $0x20, s26, s16, $0xb8;
	[tilespmem:$0x12D00] =	vst v63  }
0x6e: {  	_ =	swait.ge [sflag:s17], $0x1000  }
0x6f: {  	[sflag:s17] =	ssyncset.done $0x0  }
0x70: {  	[sflag:s17] =	ssyncadd.s32 $0xFFFFF000  }
0x71: {  	_ =	swait.ge [sflag:s21], $0x1000  }
0x72: {  	[sflag:s21] =	ssyncset.done $0x0  }
0x73: {  	s26 =	simm.s32 $0x600;
	[sflag:s21] =	ssyncadd.s32 $0xFFFFF000  }
0x74: {  	[tilespmem:s23], [sflag:$0x3] =	stream.indirect.gather [hbm4b:s11+s16], $0x20, s26, s16, $0xb8;
	[tilespmem:$0x12D00] =	vst v63  }
0x75: {  	s26 =	simm.s32 $0x700  }
0x76: {  	[tilespmem:s28], [sflag:$0x4] =	stream.indirect.gather [hbm4b:s11+s16], $0x20, s26, s16, $0xb8;
	[tilespmem:$0x12D00] =	vst v63  }
0x77: {  	_ =	swait.ge [sflag:s29], $0x1000  }
0x78: {  	[sflag:s29] =	ssyncset.done $0x0  }
0x79: {  	s26 =	simm.s32 $0x680;
	[sflag:s29] =	ssyncadd.s32 $0xFFFFF000  }
0x7a: {  	[spmem:s2] =	stream.indirect.scatter.add.bf16 [tilespmem:s23], [sflag:$0x7], $0x20, s26, s16, $0xb8;
	[tilespmem:$0x12D00] =	vst v63  }
0x7b: {  	_ =	swait.ge [sflag:s31], $0x1000  }
0x7c: {  	[sflag:s31] =	ssyncset.done $0x0  }
0x7d: {  	s26 =	simm.s32 $0x780;
	[sflag:s31] =	ssyncadd.s32 $0xFFFFF000  }
0x7e: {  	[spmem:s2] =	stream.indirect.scatter.add.bf16 [tilespmem:s28], [sflag:$0x8], $0x20, s26, s16, $0xb8;
	[tilespmem:$0x12D00] =	vst v63  }
0x7f: {  	_ =	swait.ge [sflag:s25], $0x1000  }
0x80: {  	[sflag:s25] =	ssyncset.done $0x0  }
0x81: {  	[sflag:s25] =	ssyncadd.s32 $0xFFFFF000  }
0x82: {  	_ =	swait.ge [sflag:s12], $0x1000  }
0x83: {  	[sflag:s12] =	ssyncset.done $0x0  }
0x84: {  	s26 =	simm.s32 $0x800;
	[sflag:s12] =	ssyncadd.s32 $0xFFFFF000  }
0x85: {  	[tilespmem:s14], [sflag:$0x1] =	stream.indirect.gather [hbm4b:s11+s16], $0x20, s26, s16, $0xb8;
	[tilespmem:$0x12D00] =	vst v63  }
0x86: {  	s30 =	simm.s32 $0x900;
	s26 =	simm.s32 $0x1000  }
.LBB2_4:
0x87: {  	[tilespmem:s18], [sflag:$0x2] =	stream.indirect.gather [hbm4b:s11+s16], $0x20, s30, s16, $0xb8;
	[tilespmem:$0x12D00] =	vst v63  }
0x88: {  	s0 =	smov.u32 s26  }
0x89: {  	p2 =	sne.s32 s26, $0x24000;
	s26 =	sadd.s32 $0x1000, s26;
	_ =	swait.ge [sflag:s19], $0x1000  }
0x8a: {  	s30 =	sshra.s32 s0, $0x2;
	[sflag:s19] =	ssyncset.done $0x0  }
0x8b: {  	s0 =	sadd.s32 $0x480, s30;
	[sflag:s19] =	ssyncadd.s32 $0xFFFFF000  }
0x8c: {  	[spmem:s2] =	stream.indirect.scatter.add.bf16 [tilespmem:s14], [sflag:$0x5], $0x20, s0, s16, $0xb8;
	[tilespmem:$0x12D00] =	vst v63  }
0x8d: {  	_ =	swait.ge [sflag:s20], $0x1000  }
0x8e: {  	[sflag:s20] =	ssyncset.done $0x0  }
0x8f: {  	s0 =	sadd.s32 $0x580, s30;
	[sflag:s20] =	ssyncadd.s32 $0xFFFFF000  }
0x90: {  	[spmem:s2] =	stream.indirect.scatter.add.bf16 [tilespmem:s18], [sflag:$0x6], $0x20, s0, s16, $0xb8;
	[tilespmem:$0x12D00] =	vst v63  }
0x91: {  	_ =	swait.ge [sflag:s17], $0x1000  }
0x92: {  	[sflag:s17] =	ssyncset.done $0x0  }
0x93: {  	[sflag:s17] =	ssyncadd.s32 $0xFFFFF000  }
0x94: {  	_ =	swait.ge [sflag:s21], $0x1000  }
0x95: {  	[sflag:s21] =	ssyncset.done $0x0  }
0x96: {  	s0 =	sadd.s32 $0x600, s30;
	[sflag:s21] =	ssyncadd.s32 $0xFFFFF000  }
0x97: {  	[tilespmem:s23], [sflag:$0x3] =	stream.indirect.gather [hbm4b:s11+s16], $0x20, s0, s16, $0xb8;
	[tilespmem:$0x12D00] =	vst v63  }
0x98: {  	s0 =	sadd.s32 $0x700, s30  }
0x99: {  	[tilespmem:s28], [sflag:$0x4] =	stream.indirect.gather [hbm4b:s11+s16], $0x20, s0, s16, $0xb8;
	[tilespmem:$0x12D00] =	vst v63  }
0x9a: {  	_ =	swait.ge [sflag:s29], $0x1000  }
0x9b: {  	[sflag:s29] =	ssyncset.done $0x0  }
0x9c: {  	s0 =	sadd.s32 $0x680, s30;
	[sflag:s29] =	ssyncadd.s32 $0xFFFFF000  }
0x9d: {  	[spmem:s2] =	stream.indirect.scatter.add.bf16 [tilespmem:s23], [sflag:$0x7], $0x20, s0, s16, $0xb8;
	[tilespmem:$0x12D00] =	vst v63  }
0x9e: {  	_ =	swait.ge [sflag:s31], $0x1000  }
0x9f: {  	[sflag:s31] =	ssyncset.done $0x0  }
0xa0: {  	s0 =	sadd.s32 $0x780, s30;
	[sflag:s31] =	ssyncadd.s32 $0xFFFFF000  }
0xa1: {  	[spmem:s2] =	stream.indirect.scatter.add.bf16 [tilespmem:s28], [sflag:$0x8], $0x20, s0, s16, $0xb8;
	[tilespmem:$0x12D00] =	vst v63  }
0xa2: {  	_ =	swait.ge [sflag:s25], $0x1000  }
0xa3: {  	[sflag:s25] =	ssyncset.done $0x0  }
0xa4: {  	[sflag:s25] =	ssyncadd.s32 $0xFFFFF000  }
.Ltmp3:
0xa5: {  	_ =	swait.ge [sflag:s12], $0x1000;
	(pc) =	sbr.rel @p2 .LBB2_4-.Ltmp3, $4  }
0xa6: {  	[sflag:s12] =	ssyncset.done $0x0  }
0xa7: {  	s0 =	sadd.s32 $0x800, s30;
	[sflag:s12] =	ssyncadd.s32 $0xFFFFF000  }
0xa8: {  	[tilespmem:s14], [sflag:$0x1] =	stream.indirect.gather [hbm4b:s11+s16], $0x20, s0, s16, $0xb8;
	[tilespmem:$0x12D00] =	vst v63  }
0xa9: {  	s30 =	sadd.s32 $0x900, s30  }
0xaa: {  	[tilespmem:s18], [sflag:$0x2] =	stream.indirect.gather [hbm4b:s11+s16], $0x20, s30, s16, $0xb8;
	[tilespmem:$0x12D00] =	vst v63  }
0xab: {  	_ =	swait.ge [sflag:s19], $0x1000  }
0xac: {  	[sflag:s19] =	ssyncset.done $0x0  }
0xad: {  	s0 =	simm.s32 $0x9880;
	[sflag:s19] =	ssyncadd.s32 $0xFFFFF000  }
0xae: {  	[spmem:s2] =	stream.indirect.scatter.add.bf16 [tilespmem:s14], [sflag:$0x5], $0x20, s0, s16, $0xb8;
	[tilespmem:$0x12D00] =	vst v63  }
0xaf: {  	_ =	swait.ge [sflag:s20], $0x1000  }
0xb0: {  	[sflag:s20] =	ssyncset.done $0x0  }
0xb1: {  	s30 =	simm.s32 $0x9980;
	[sflag:s20] =	ssyncadd.s32 $0xFFFFF000  }
0xb2: {  	[spmem:s2] =	stream.indirect.scatter.add.bf16 [tilespmem:s18], [sflag:$0x6], $0x20, s30, s16, $0xb8;
	[tilespmem:$0x12D00] =	vst v63  }
0xb3: {  	_ =	swait.ge [sflag:s17], $0x1000  }
0xb4: {  	[sflag:s17] =	ssyncset.done $0x0  }
0xb5: {  	[sflag:s17] =	ssyncadd.s32 $0xFFFFF000  }
0xb6: {  	_ =	swait.ge [sflag:s21], $0x1000  }
0xb7: {  	[sflag:s21] =	ssyncset.done $0x0  }
0xb8: {  	s26 =	simm.s32 $0x9A00;
	[sflag:s21] =	ssyncadd.s32 $0xFFFFF000  }
0xb9: {  	[tilespmem:s23], [sflag:$0x3] =	stream.indirect.gather [hbm4b:s11+s16], $0x20, s26, s16, $0xb8;
	[tilespmem:$0x12D00] =	vst v63  }
0xba: {  	s30 =	simm.s32 $0x9B00  }
0xbb: {  	[tilespmem:s28], [sflag:$0x4] =	stream.indirect.gather [hbm4b:s11+s16], $0x20, s30, s16, $0xb8;
	[tilespmem:$0x12D00] =	vst v63  }
0xbc: {  	_ =	swait.ge [sflag:s29], $0x1000  }
0xbd: {  	[sflag:s29] =	ssyncset.done $0x0  }
0xbe: {  	[sflag:s29] =	ssyncadd.s32 $0xFFFFF000  }
0xbf: {  	[spmem:s2] =	stream.indirect.scatter.add.bf16 [tilespmem:s23], [sflag:$0x7], $0x20, s1, s16, $0xb8;
	[tilespmem:$0x12D00] =	vst v63  }
0xc0: {  	_ =	swait.ge [sflag:s31], $0x1000  }
0xc1: {  	[sflag:s31] =	ssyncset.done $0x0  }
0xc2: {  	[sflag:s31] =	ssyncadd.s32 $0xFFFFF000  }
0xc3: {  	[spmem:s2] =	stream.indirect.scatter.add.bf16 [tilespmem:s28], [sflag:$0x8], $0x20, s3, s16, $0xb8;
	[tilespmem:$0x12D00] =	vst v63  }
0xc4: {  	_ =	swait.ge [sflag:s25], $0x1000  }
0xc5: {  	[sflag:s25] =	ssyncset.done $0x0  }
0xc6: {  	[sflag:s25] =	ssyncadd.s32 $0xFFFFF000  }
0xc7: {  	_ =	swait.ge [sflag:s12], $0x1000  }
0xc8: {  	[sflag:s12] =	ssyncset.done $0x0  }
0xc9: {  	[sflag:s12] =	ssyncadd.s32 $0xFFFFF000  }
0xca: {  	_ =	swait.ge [sflag:s17], $0x1000  }
.Ltmp4:
0xcb: {  	[sflag:s17] =	ssyncset.done $0x0;
	(pc) =	sbr.rel @p0 .LBB2_7-.Ltmp4, $4  }
0xcc: {  	[sflag:s17] =	ssyncadd.s32 $0xFFFFF000  }
0xcd: {  	_ =	swait.ge [sflag:s21], $0x1000  }
0xce: {  	[sflag:s21] =	ssyncset.done $0x0  }
0xcf: {  	[sflag:s21] =	ssyncadd.s32 $0xFFFFF000  }
0xd0: {  	s0 =	simm.s32 $0x9C00  }
0xd1: {  	[tilespmem:s14], [sflag:$0x9] =	stream.indirect.gather [hbm4b:s11+s16], $0x20, s0, s16, $0xb8;
	[tilespmem:$0x12D00] =	vst v63  }
0xd2: {  	_ =	swait.ge [sflag:s15], $0x1000  }
0xd3: {  	[sflag:s15] =	ssyncset.done $0x0  }
0xd4: {  	s30 =	simm.s32 $0x9C80;
	[sflag:s15] =	ssyncadd.s32 $0xFFFFF000  }
0xd5: {  	[spmem:s2] =	stream.indirect.scatter.add.bf16 [tilespmem:s14], [sflag:$0x9], $0x20, s30, s16, $0xb8;
	[tilespmem:$0x12D00] =	vst v63  }
.Ltmp5:
0xd6: {  	_ =	swait.ge [sflag:s15], $0x1000;
	(pc) =	sbr.rel .LBB2_8-.Ltmp5, $3  }
0xd7: {  	[sflag:s15] =	ssyncset.done $0x0  }
0xd8: {  	[sflag:s15] =	ssyncadd.s32 $0xFFFFF000  }
0xd9: {  	[bflag:$0x0] =	sbarrier.arrive $0xFFFF;
	_ =	sdelay $0x1  }
.LBB2_7:
.Ltmp6:
0xda: {  	(pc) =	sbr.rel @p1 .LBB2_9-.Ltmp6, $2  }
0xdb: {  	_ =	sdelay $0x1  }
0xdc: {  	[bflag:$0x0] =	sbarrier.arrive $0xFFFF;
	_ =	sdelay $0x1  }
.LBB2_8:
0xdd: {  	s0 =	stileid.u32  }
0xde: {  	s0 =	sshll.u32 s0, $0x6  }
.Ltmp7:
0xdf: {  	s26 =	sshrl.u32 s4, $0x3;
	s0 =	sor.u32 $0x1C09, s0;
	(pc) =	sbr.rel .LBB2_10-.Ltmp7, $4  }
0xe0: {  	[hbm:s24], [sflag:s0] =	dma.local [spmem:s26], $0xA00  }
0xe1: {  	_ =	swait.ge [sflag:s15], $0xA00  }
0xe2: {  	[sflag:s15] =	ssyncset.done $0x0  }
0xe3: {  	[sflag:s15] =	ssyncadd.s32 $0xFFFFF600  }
.LBB2_11:
0xe4: {  	_ =	sfence.sel $0x180000  }
0xe5: {  	[bflag:$0x0] =	sbarrier.arrive $0xFFFF  }
0xe6: {  	_ =	strace $0x9000004D  }
0xe7: {  	s0 =	stileid.u32;
	[bflag:$0x2] =	sbarrier.arrive $0xFFFF  }
0xe8: {  	p0 =	sne.s32 s0, $0x0;
	s0 =	rddreg [dreg:$0x4]  }
0xe9: {  	s0 =	sadd.s32 @!p0 $0x100000, s0  }
0xea: {  	[sflag:s0] =	ssyncadd.tile.s32 @!p0 $0x1;
	_ =	shalt  }
.Lfunc_end2:
_tile_overlayer_lowered:
.L_overlay_start_2:
0xeb: {  	(tag) =	ssettag $0x2  }
0xec: {  	s0 =	rddreg [dreg:$0x0];
	s2 =	stileid.u32  }
0xed: {  	s1 =	rddreg [dreg:$0x1];
	p0 =	sne.s32 s2, $0x0  }
0xee: {  	s3 =	rddreg [dreg:$0x2];
	[bflag:$0x3] =	sbarrier.arrive $0xFFFF;
	s2 =	simm.s32 @!p0 $0x1C09  }
0xef: {  	[timem:s3], [sflag:s2] =	dma.local @!p0 [hbm:s0], s1  }
0xf0: {  	s0 =	simm.s32 @!p0 $0x9  }
0xf1: {  	_ =	swait.ge @!p0 [sflag:s0], s1  }
0xf2: {  	s1 =	ssub.s32 @!p0 $0x0, s1;
	[sflag:s0] =	ssyncset.done @!p0 $0x0  }
0xf3: {  	[sflag:s0] =	ssyncadd.s32 @!p0 s1  }
0xf4: {  	[bflag:$0x3] =	sbarrier.arrive $0xFFFF  }
0xf5: {  	_ =	shalt  }

// kernel: kernel.8.cloned.1.call-start
scs
__scs_entry_jumppad:
0x0: {  	(pc) =	sbr.rel $0x88, $3  }
0x1: {  	(tag) =	ssettag $0x0;
	lr =	simm.s32 $0x1  }
0x2: {  	[smem:$0x3F9B] =	sst lr;
	_ =	strace $0xD0000000  }
0x3: {  	_ = 	snop  }
0x4: {  	_ = 	snop  }
0x5: {  	_ = 	snop  }
0x6: {  	_ = 	snop  }
0x7: {  	_ = 	snop  }
__scs_overlays_trampoline_lowered:
0x8: {  	[smem:$0x3FAA] =	sst s0  }
0x9: {  	[smem:$0x3FAB] =	sst s1  }
0xa: {  	[smem:$0x3FAC] =	sst s2  }
0xb: {  	[smem:$0x3FAD] =	sst s3  }
0xc: {  	[smem:$0x3FAE] =	sst s4  }
0xd: {  	[smem:$0x3FAF] =	sst s5  }
0xe: {  	[smem:$0x3FB0] =	sst s6  }
0xf: {  	[smem:$0x3FB1] =	sst s7  }
0x10: {  	[smem:$0x3FB2] =	sst s8  }
0x11: {  	[smem:$0x3FB3] =	sst s9;
	s0 =	simm.s32 @!p0 $0x0  }
0x12: {  	s1 =	sld [smem:$0x3F99];
	s0 =	simm.s32 @p0 $0x1  }
0x13: {  	[smem:$0x3FB4] =	sst s0;
	s0 =	simm.s32 @!p1 $0x0  }
0x14: {  	s2 =	sld [smem:$0x3F98];
	s0 =	simm.s32 @p1 $0x1  }
0x15: {  	[smem:$0x3FB5] =	sst s0;
	s0 =	simm.s32 @!p2 $0x0  }
0x16: {  	s3 =	sld [smem:$0x3FDB];
	s0 =	simm.s32 @p2 $0x1  }
0x17: {  	s4 =	simm.s32 $0x1BF5;
	[smem:$0x3FB7] =	sst s0  }
0x18: {  	s0 =	sld [smem:$0x3F9A];
	_ =	swait.ge [sflag:s4], $0x0  }
0x19: {  	s7 =	sld [smem:$0x3F9B]  }
0x1a: {  	s8 =	sadd.s32 $0xFFFFE003, lr  }
0x1b: {  	s9 =	sadd.s32 $0xFFFFFEF7, lr;
	s5 =	simm.s32 $0xFFFFFFFF;
	p2 =	slt.u32 s8, $0xFFFFF086  }
0x1c: {  	p1 =	slt.u32 s9, $0xF7A;
	s5 =	simm.s32 @!p2 $0x0  }
0x1d: {  	s5 =	simm.s32 @p1 $0x1;
	p0 =	seq.s32 s7, s2  }
0x1e: {  	s7 =	smul.u32 @!p0 $0xF7A, s2;
	p2 =	seq.s32 @!p0 s5, $0x0  }
0x1f: {  	s9 =	smul.u32 $0xF7A, s1;
	s8 =	simm.s32 @!p0 $0x1BF5;
	p2 =	por !p2, p0  }
0x20: {  	[sflag:s8] =	ssyncset.s32 @!p0 $0xFFFFF086;
	s6 =	sadd.s32 @!p0 s3, s7;
	s7 =	simm.s32 @!p0 $0x108  }
0x21: {  	s3 =	sadd.s32 s3, s9;
	s6 =	sadd.s32 @!p0 $0x88, s6;
	s7 =	simm.s32 @p2 $0x1082  }
0x22: {  	[simem:s7], [sflag:s8] =	dma.local @!p0 [hbm:s6], $0xF7A  }
0x23: {  	s9 =	sor.u32 $0xD0000000, s2;
	s6 =	simm.s32 $0x108;
	_ =	swait.ge @!p0 [sflag:s8], $0x0  }
0x24: {  	s3 =	sadd.s32 $0x88, s3;
	s6 =	simm.s32 @!p1 $0x1082;
	[sflag:s4] =	ssyncset.s32 $0xFFFFF086  }
0x25: {  	[simem:s6], [sflag:s4] =	dma.local [hbm:s3], $0xF7A  }
0x26: {  	[smem:$0x3F9B] =	sst s1;
	(tag) =	ssettag s2;
	_ =	strace s9  }
0x27: {  	s1 =	sld [smem:$0x3FAB]  }
0x28: {  	s2 =	sld [smem:$0x3FAC]  }
0x29: {  	s4 =	sld [smem:$0x3FAE]  }
0x2a: {  	p0 =	seq.s32 s5, $0x0;
	s5 =	sld [smem:$0x3FAF]  }
0x2b: {  	s6 =	sld [smem:$0x3FB0]  }
0x2c: {  	s7 =	sld [smem:$0x3FB1]  }
0x2d: {  	s3 =	simm.s32 $0x108;
	s8 =	sld [smem:$0x3FB2]  }
0x2e: {  	s3 =	simm.s32 @!p0 $0x1082;
	s9 =	sld [smem:$0x3FB3]  }
0x2f: {  	lr =	sadd.s32 s0, s3;
	s0 =	sld [smem:$0x3FAA]  }
0x30: {  	s3 =	sld [smem:$0x3FAD]  }
0x31: {  	[smem:$0x3FB6] =	sst s10  }
0x32: {  	s10 =	sld [smem:$0x3FB4];
	_ =	sdelay $0x3  }
0x33: {  	p0 =	seq.s32 s10, $0x1;
	s10 =	sld [smem:$0x3FB6];
	_ =	sdelay $0x3  }
0x34: {  	[smem:$0x3FB6] =	sst s10  }
0x35: {  	s10 =	sld [smem:$0x3FB5];
	_ =	sdelay $0x3  }
0x36: {  	p1 =	seq.s32 s10, $0x1;
	s10 =	sld [smem:$0x3FB6];
	_ =	sdelay $0x3  }
0x37: {  	[smem:$0x3FB6] =	sst s10  }
0x38: {  	s10 =	sld [smem:$0x3FB7]  }
0x39: {  	_ = 	snop;
	(pc) =	sbr.ind lr, $3  }
0x3a: {  	_ = 	snop  }
0x3b: {  	_ = 	snop  }
0x3c: {  	p2 =	seq.s32 s10, $0x1;
	s10 =	sld [smem:$0x3FB6]  }
0x3d: {  	_ =	shalt  }
0x3e: {  	_ =	shalt  }
0x3f: {  	_ =	shalt  }
0x40: {  	_ =	shalt  }
0x41: {  	_ =	shalt  }
0x42: {  	_ =	shalt  }
0x43: {  	_ =	shalt  }
0x44: {  	_ =	shalt  }
0x45: {  	_ =	shalt  }
0x46: {  	_ =	shalt  }
0x47: {  	_ =	shalt  }
0x48: {  	_ =	shalt  }
0x49: {  	_ =	shalt  }
0x4a: {  	_ =	shalt  }
0x4b: {  	_ =	shalt  }
0x4c: {  	_ =	shalt  }
0x4d: {  	_ =	shalt  }
0x4e: {  	_ =	shalt  }
0x4f: {  	_ =	shalt  }
0x50: {  	_ =	shalt  }
0x51: {  	_ =	shalt  }
0x52: {  	_ =	shalt  }
0x53: {  	_ =	shalt  }
0x54: {  	_ =	shalt  }
0x55: {  	_ =	shalt  }
0x56: {  	_ =	shalt  }
0x57: {  	_ =	shalt  }
0x58: {  	_ =	shalt  }
0x59: {  	_ =	shalt  }
0x5a: {  	_ =	shalt  }
0x5b: {  	_ =	shalt  }
0x5c: {  	_ =	shalt  }
0x5d: {  	_ =	shalt  }
0x5e: {  	_ =	shalt  }
0x5f: {  	_ =	shalt  }
0x60: {  	_ =	shalt  }
0x61: {  	_ =	shalt  }
0x62: {  	_ =	shalt  }
0x63: {  	_ =	shalt  }
0x64: {  	_ =	shalt  }
0x65: {  	_ =	shalt  }
0x66: {  	_ =	shalt  }
0x67: {  	_ =	shalt  }
0x68: {  	_ =	shalt  }
0x69: {  	_ =	shalt  }
0x6a: {  	_ =	shalt  }
0x6b: {  	_ =	shalt  }
0x6c: {  	_ =	shalt  }
0x6d: {  	_ =	shalt  }
0x6e: {  	_ =	shalt  }
0x6f: {  	_ =	shalt  }
0x70: {  	_ =	shalt  }
0x71: {  	_ =	shalt  }
0x72: {  	_ =	shalt  }
0x73: {  	_ =	shalt  }
0x74: {  	_ =	shalt  }
0x75: {  	_ =	shalt  }
0x76: {  	_ =	shalt  }
0x77: {  	_ =	shalt  }
0x78: {  	_ =	shalt  }
0x79: {  	_ =	shalt  }
0x7a: {  	_ =	shalt  }
0x7b: {  	_ =	shalt  }
0x7c: {  	_ =	shalt  }
0x7d: {  	_ =	shalt  }
0x7e: {  	_ =	shalt  }
0x7f: {  	_ =	shalt  }
0x80: {  	_ =	shalt  }
0x81: {  	_ =	shalt  }
0x82: {  	_ =	shalt  }
0x83: {  	_ =	shalt  }
0x84: {  	_ =	shalt  }
0x85: {  	_ =	shalt  }
0x86: {  	_ =	shalt  }
0x87: {  	_ =	shalt  }
.Lfunc_end0:
.L_simem_size_0:
called_computation_lowered:
.L_overlay_start_0:
0x88: {  	s2 =	sld [smem:$0x3FD9]  }
0x89: {  	s3 =	sld [smem:$0x3FFE];
	_ =	sdelay $0x1  }
0x8a: {  	s1 =	srdreg.scid  }
0x8b: {  	s0 =	sand.u32 $0x1, s1  }
0x8c: {  	s15 =	sshll.u32 s0, $0xA;
	s2 =	sadd.s32 s3, s2  }
0x8d: {  	s2 =	sadd.s32 s2, s15  }
0x8e: {  	[smem:$0x3FC2] =	sst s2  }
0x8f: {  	_ = 	snop  }
0x90: {  	s2 =	sld [smem:$0x3FD0];
	_ =	sdelay $0x2  }
0x91: {  	s4 =	simm.s32 $0xA;
	s5 =	simm.s32 $0x10;
	s16 =	sld [smem:$0x3FC8]  }
0x92: {  	[smem:s5], [sflag:s4] =	dma.local [hbm:s2], $0x1  }
0x93: {  	_ =	swait.eq [sflag:s4], $0x1  }
0x94: {  	[sflag:s4] =	ssyncset.done $0x0  }
0x95: {  	[sflag:s4] =	ssyncadd.s32 $0xFFFFFFFF  }
0x96: {  	s17 =	sld [smem:$0x11];
	(tm) =	ssettm $0x1  }
0x97: {  	s18 =	sld [smem:$0x3FFB];
	_ =	sdelay $0x3  }
0x98: {  	_ =	strace s18  }
0x99: {  	s4 =	sld [smem:$0x3FFC];
	_ =	sdelay $0x3  }
0x9a: {  	_ =	strace s4  }
0x9b: {  	s4 =	sld [smem:$0x3FFD];
	_ =	sdelay $0x3  }
0x9c: {  	_ =	strace s4  }
0x9d: {  	_ =	strace $0x8FFFFFFF  }
0x9e: {  	s19 =	sld [smem:$0x3FDB];
	_ =	sdelay $0x1  }
0x9f: {  	s20 =	simm.s32 $_scs_section_size  }
0xa0: {  	s6 =	simm.s32 $_size__tile_overlayer_lowered;
	s7 =	simm.s32 $_tile_overlayer_lowered  }
0xa1: {  	s23 =	simm.s32 $0x1BFF;
	s22 =	sshll.u32 s7, $0x1;
	s4 =	sadd.s32 s20, s19  }
0xa2: {  	s8 =	simm.s32 $0x0;
	s21 =	sshll.u32 s6, $0x1;
	s6 =	sadd.s32 s22, s4  }
0xa3: {  	[timem:s8], [sflag:s23] =	dma.local [hbm:s6], s21  }
0xa4: {  	_ =	swait.ge [sflag:s23], s21  }
0xa5: {  	s5 =	ssub.s32 $0x0, s21;
	[sflag:s23] =	ssyncset.done $0x0  }
0xa6: {  	[sflag:s23] =	ssyncadd.s32 s5;
	_ =	sdelay $0x1  }
0xa7: {  	s24 =	simm.s32 $0x1B8B  }
0xa8: {  	_ =	swait.ge [sflag:s24], $0x1  }
0xa9: {  	[sflag:s24] =	ssyncset.done $0x0  }
0xaa: {  	s25 =	simm.s32 $0x1B8E;
	[sflag:s24] =	ssyncadd.s32 $0xFFFFFFFF  }
0xab: {  	s26 =	simm.s32 $execute0_lowered;
	[smem:$0x3FD2] =	sst s25  }
0xac: {  	s5 =	sshll.u32 s26, $0x1;
	_ =	strace $0x80000046;
	[dreg:$0x1] =	wrdreg $0xFFFFFFFF  }
0xad: {  	s28 =	simm.s32 $_size_execute0_lowered;
	s4 =	sadd.s32 s4, s5;
	[dreg:$0x0] =	wrdreg $0x0  }
0xae: {  	s5 =	sshll.u32 s28, $0x1;
	[dreg:$0x2] =	wrdreg s4  }
0xaf: {  	[dreg:$0x3] =	wrdreg s5  }
0xb0: {  	[dreg:$0x4] =	wrdreg $0xC0  }
0xb1: {  	_ =	task [dreg:s8], $0x5FFFF  }
0xb2: {  	[dreg:$0x1] =	wrdreg $0xFFFFFFFF  }
0xb3: {  	[dreg:$0x0] =	wrdreg $0x60  }
0xb4: {  	[dreg:$0x2] =	wrdreg s16  }
0xb5: {  	[dreg:$0x3] =	wrdreg s17  }
0xb6: {  	[dreg:$0x4] =	wrdreg $0x52000  }
0xb7: {  	[dreg:$0x5] =	wrdreg $0x9  }
0xb8: {  	_ =	task.clear_ibuf [dreg:s8], $0x6FFFF;
	_ =	strace $0x90000046  }
0xb9: {  	s29 =	simm.s32 $0x9;
	_ =	strace $0x80000048  }
0xba: {  	_ =	swait.ge [sflag:s29], $0x1  }
0xbb: {  	[sflag:s29] =	ssyncadd.s32 $0xFFFFFFFF  }
0xbc: {  	_ =	strace $0x90000048  }
0xbd: {  	_ =	sfence  }
0xbe: {  	s30 =	sld [smem:$0x0];
	_ =	sdelay $0x2  }
0xbf: {  	s31 =	sshll.u32 s1, $0xD;
	s1 =	sshrl.u32 s1, $0x2  }
0xc0: {  	s3 =	sand.u32 $0x4000, s31;
	s1 =	sadd.s32 s1, s30  }
0xc1: {  	s0 =	sor.u32 s3, s0;
	s1 =	sshll.u32 s1, $0x11  }
0xc2: {  	s0 =	sor.u32 s1, s0  }
0xc3: {  	s0 =	sadd.s32 $0x8F2B, s0  }
0xc4: {  	[sflag:s0] =	ssyncadd.remote.s32 $0x1  }
0xc5: {  	_ =	sfence.sel $0xFFFF  }
0xc6: {  	[dreg:$0x0] =	wrdreg $0xFFFFFFFF;
	(pc) =	sbr.abs _section_cstart, $3  }
0xc7: {  	[dreg:$0x1] =	wrdreg $0xFFFFFFFF  }
0xc8: {  	_ =	task.clear_ibuf [dreg:s8], $0x2FFFF;
	_ =	strace $0x9FFFFFFF  }
0xc9: {  	(tm) =	ssettm $0x7FFFFFFF  }
tec
execute0_lowered:
.L_overlay_start_1:
0x0: {  	(tag) =	ssettag $0x1  }
0x1: {  	s5 =	rddreg [dreg:$0x0]  }
0x2: {  	s7 =	rddreg [dreg:$0x1]  }
0x3: {  	s1 =	rddreg [dreg:$0x2]  }
0x4: {  	s2 =	srdreg.scid;
	s0 =	rddreg [dreg:$0x3];
	s3 =	simm.s32 $0x0  }
0x5: {  	s15 =	simm.s32 $0x0;
	s4 =	sand.u32 $0x1, s2;
	s2 =	stileid.u32  }
0x6: {  	[smem:$0x7FF] =	sst s3;
	s6 =	sshll.u32 s4, $0x4;
	s8 =	smul.u32 $0x280, s2  }
0x7: {  	_ =	strace $0x80000047;
	s26 =	ssub.s32 $0x2, s4;
	s12 =	sshll.u32 s2, $0x5  }
0x8: {  	s13 =	smul.u32 $0x500, s4;
	s31 =	sshll.u32 s2, $0x6;
	s9 =	sor.u32 s2, s6  }
0x9: {  	s11 =	sshrl.u32 s26, $0x1;
	s28 =	sadd.s32 s12, s5;
	s10 =	smul.u32 $0x9C0, s9  }
0xa: {  	s11 =	ssub.s32 s26, s11;
	s4 =	sadd.s32 s8, s1;
	s6 =	sadd.s32 $0x13800, s28  }
0xb: {  	s29 =	sadd.s32 s7, s13;
	s30 =	sshrl.u32 s8, $0x3;
	p0 =	sgt.u32 s9, $0x3  }
0xc: {  	s8 =	simm.s32 $0x4F80;
	s9 =	simm.s32 $0x1;
	s13 =	sor.u32 $0x1C01, s31  }
0xd: {  	s7 =	smax.u32 s11, $0x1;
	s11 =	simm.s32 $0x4F00;
	s12 =	sadd.s32 s30, s29  }
0xe: {  	v0 =	vimm.f32 $1.000000000e+00;
	v1 =	vimm.f32 $0.0e+00;
	s14 =	sshrl.u32 s4, $0x3;
	s5 =	sadd.s32 s5, s10;
	s10 =	simm.s32 $0x80  }
.LBB2_1:
0xf: {  	[tilespmem:$0x4F00] =	vst v0  }
0x10: {  	[tilespmem:$0x4F10] =	vst v0  }
0x11: {  	[tilespmem:$0x4F20] =	vst v0  }
0x12: {  	[tilespmem:$0x4F30] =	vst v0  }
0x13: {  	[tilespmem:$0x4F40] =	vst v0  }
0x14: {  	[tilespmem:$0x4F50] =	vst v0  }
0x15: {  	[tilespmem:$0x4F60] =	vst v0  }
0x16: {  	[tilespmem:$0x4F70] =	vst v0  }
0x17: {  	[tilespmem:$0x4F80] =	vst v1  }
0x18: {  	[tilespmem:$0x4F90] =	vst v1  }
0x19: {  	[tilespmem:$0x4FA0] =	vst v1  }
0x1a: {  	[tilespmem:$0x4FB0] =	vst v1  }
0x1b: {  	[tilespmem:$0x4FC0] =	vst v1  }
0x1c: {  	[tilespmem:$0x4FD0] =	vst v1  }
0x1d: {  	[tilespmem:$0x4FE0] =	vst v1  }
0x1e: {  	[tilespmem:$0x4FF0] =	vst v1  }
0x1f: {  	[tilespmem:$0x5000] =	vst v1  }
0x20: {  	[tilespmem:$0x5010] =	vst v1  }
0x21: {  	[tilespmem:$0x5020] =	vst v1  }
0x22: {  	[tilespmem:$0x5030] =	vst v1  }
0x23: {  	[tilespmem:$0x5040] =	vst v1  }
0x24: {  	[tilespmem:$0x5050] =	vst v1  }
0x25: {  	[tilespmem:$0x5060] =	vst v1  }
0x26: {  	[tilespmem:$0x5070] =	vst v1  }
0x27: {  	[tilespmem:$0x5080] =	vst v1  }
0x28: {  	[tilespmem:$0x5090] =	vst v1  }
0x29: {  	[tilespmem:$0x50A0] =	vst v1  }
0x2a: {  	[tilespmem:$0x50B0] =	vst v1  }
0x2b: {  	[tilespmem:$0x50C0] =	vst v1  }
0x2c: {  	[tilespmem:$0x50D0] =	vst v1  }
0x2d: {  	[tilespmem:$0x50E0] =	vst v1  }
0x2e: {  	[tilespmem:$0x50F0] =	vst v1  }
0x2f: {  	[tilespmem:$0x5100] =	vst v1  }
0x30: {  	[tilespmem:$0x5110] =	vst v1  }
0x31: {  	[tilespmem:$0x5120] =	vst v1  }
0x32: {  	[tilespmem:$0x5130] =	vst v1  }
0x33: {  	[tilespmem:$0x5140] =	vst v1  }
0x34: {  	[tilespmem:$0x5150] =	vst v1  }
0x35: {  	[tilespmem:$0x5160] =	vst v1  }
0x36: {  	[tilespmem:$0x5170] =	vst v1  }
0x37: {  	[tilespmem:$0x5180] =	vst v1  }
0x38: {  	[tilespmem:$0x5190] =	vst v1  }
0x39: {  	[tilespmem:$0x51A0] =	vst v1  }
0x3a: {  	[tilespmem:$0x51B0] =	vst v1  }
0x3b: {  	[tilespmem:$0x51C0] =	vst v1  }
0x3c: {  	[tilespmem:$0x51D0] =	vst v1  }
0x3d: {  	[tilespmem:$0x51E0] =	vst v1  }
0x3e: {  	[tilespmem:$0x51F0] =	vst v1  }
0x3f: {  	[spmem:s4] =	stream.linear.scatter [tilespmem:s8], [sflag:$0x1], $0x280, $0x38;
	[tilespmem:$0x5480] =	vst v63  }
0x40: {  	_ =	swait.ge [sflag:s9], $0x280  }
0x41: {  	[sflag:s9] =	ssyncset.done $0x0  }
0x42: {  	[sflag:s9] =	ssyncadd.s32 $0xFFFFFD80  }
0x43: {  	[tilespmem:s3], [sflag:$0x1] =	stream.linear.gather [hbm4b:s5+s3], $0x4E00, $0x38;
	[tilespmem:$0x5480] =	vst v63  }
0x44: {  	_ =	swait.ge [sflag:s9], $0x4E00  }
0x45: {  	[sflag:s9] =	ssyncset.done $0x0  }
0x46: {  	s16 =	simm.s32 @!p0 $0x0;
	s17 =	simm.s32 @!p0 $0x4E00;
	[sflag:s9] =	ssyncadd.s32 $0xFFFFB200  }
0x47: {  	[tilespmem:s17], [sflag:$0x1] =	stream.linear.gather @!p0 [hbm4b:s6+s16], $0x100, $0x38;
	[tilespmem:$0x5480] =	vst v63  }
0x48: {  	s16 =	simm.s32 @!p0 $0x1  }
0x49: {  	_ =	swait.ge @!p0 [sflag:s16], $0x100  }
0x4a: {  	[sflag:s16] =	ssyncset.done @!p0 $0x0  }
0x4b: {  	[sflag:s16] =	ssyncadd.s32 @!p0 $0xFFFFFF00  }
0x4c: {  	s31 =	simm.s32 $0x80;
	[bflag:$0x0] =	sbarrier.arrive $0xFFFF  }
0x4d: {  	[spmem:s1] =	stream.indirect.scatter.add.f32 [tilespmem:s11], [sflag:$0x1], $0x1, s31, s10, $0xb8;
	[tilespmem:$0x5480] =	vst v63  }
0x4e: {  	_ =	swait.ge [sflag:s9], $0x80  }
0x4f: {  	s16 =	simm.s32 $0x600;
	[sflag:s9] =	ssyncset.done $0x0  }
.LBB2_2:
0x50: {  	s17 =	sshra.s32 s16, $0x2;
	[sflag:s9] =	ssyncadd.s32 $0xFFFFFF80;
	p1 =	sne.s32 s16, $0x13600  }
0x51: {  	[spmem:s1] =	stream.indirect.scatter.add.f32 [tilespmem:s11], [sflag:$0x1], $0x1, s17, s10, $0xb8;
	[tilespmem:$0x5480] =	vst v63  }
.Ltmp0:
0x52: {  	_ = 	snop;
	(pc) =	sbr.rel @p1 .LBB2_2-.Ltmp0, $4  }
0x53: {  	_ = 	snop  }
0x54: {  	s16 =	sadd.s32 $0x400, s16  }
0x55: {  	_ =	swait.ge [sflag:s9], $0x80  }
0x56: {  	[sflag:s9] =	ssyncset.done $0x0  }
0x57: {  	[sflag:s9] =	ssyncadd.s32 $0xFFFFFF80  }
0x58: {  	s16 =	simm.s32 @!p0 $0x80;
	s17 =	simm.s32 @!p0 $0x4E80;
	s18 =	simm.s32 @!p0 $0x4F00  }
0x59: {  	[spmem:s1] =	stream.indirect.scatter.add.f32 @!p0 [tilespmem:s18], [sflag:$0x1], $0x1, s17, s16, $0xb8;
	[tilespmem:$0x5480] =	vst v63  }
0x5a: {  	s16 =	simm.s32 @!p0 $0x1  }
0x5b: {  	_ =	swait.ge @!p0 [sflag:s16], $0x80  }
0x5c: {  	s15 =	sadd.s32 $0x1, s15;
	[sflag:s16] =	ssyncset.done @!p0 $0x0  }
0x5d: {  	p1 =	sne.s32 s15, s7;
	[sflag:s16] =	ssyncadd.s32 @!p0 $0xFFFFFF80  }
.Ltmp1:
0x5e: {  	[bflag:$0x0] =	sbarrier.arrive $0xFFFF;
	(pc) =	sbr.rel @p1 .LBB2_1-.Ltmp1, $4  }
0x5f: {  	[hbm:s12], [sflag:s13] =	dma.local [spmem:s14], $0x50  }
0x60: {  	_ =	swait.ge [sflag:s9], $0x50  }
0x61: {  	[sflag:s9] =	ssyncset.done $0x0  }
0x62: {  	[sflag:s9] =	ssyncadd.s32 $0xFFFFFFB0  }
0x63: {  	_ =	sfence.sel $0x180000  }
0x64: {  	[bflag:$0x0] =	sbarrier.arrive $0xFFFF  }
0x65: {  	p0 =	sne.s32 s2, $0x0;
	_ =	strace $0x90000047  }
0x66: {  	s0 =	sadd.s32 @!p0 $0x100000, s0;
	[bflag:$0x2] =	sbarrier.arrive $0xFFFF  }
0x67: {  	[sflag:s0] =	ssyncadd.tile.s32 @!p0 $0x1;
	_ =	shalt  }
.Lfunc_end2:
_tile_overlayer_lowered:
.L_overlay_start_2:
0x68: {  	(tag) =	ssettag $0x2  }
0x69: {  	s0 =	rddreg [dreg:$0x0];
	s2 =	stileid.u32  }
0x6a: {  	s1 =	rddreg [dreg:$0x1];
	p0 =	sne.s32 s2, $0x0  }
0x6b: {  	s3 =	rddreg [dreg:$0x2];
	[bflag:$0x3] =	sbarrier.arrive $0xFFFF;
	s2 =	simm.s32 @!p0 $0x1C01  }
0x6c: {  	[timem:s3], [sflag:s2] =	dma.local @!p0 [hbm:s0], s1  }
0x6d: {  	s0 =	simm.s32 @!p0 $0x1  }
0x6e: {  	_ =	swait.ge @!p0 [sflag:s0], s1  }
0x6f: {  	s1 =	ssub.s32 @!p0 $0x0, s1;
	[sflag:s0] =	ssyncset.done @!p0 $0x0  }
0x70: {  	[sflag:s0] =	ssyncadd.s32 @!p0 s1  }
0x71: {  	[bflag:$0x3] =	sbarrier.arrive $0xFFFF  }
0x72: {  	_ =	shalt  }

</sc_bundles>
